<compile_context>
chip_gen: v7x
topology: tpu7x:2x2x1
jax: 0.10.2.dev20260603
libtpu: 0.0.44.dev20260713+nightly
codegen_flags: <defaults>
</compile_context>

<pallas_src>
import functools

import jax
import jax.numpy as jnp
from jax import lax
from jax.experimental import pallas as pl
from jax.experimental.pallas import tpu as pltpu
from jax.experimental.pallas import tpu_sc as plsc

N_DIM = 16
L = 16
SUBL = 8
LANE = 128


def _rsqrt(x):
    xi = plsc.bitcast(x, jnp.int32)
    y = plsc.bitcast(jnp.int32(0x5F3759DF) - (xi >> 1), jnp.float32)
    for _ in range(3):
        y = y * (1.5 - 0.5 * x * y * y)
    return y


def _tiled_flat(table):
    v = table.shape[0]
    vp = (v + LANE - 1) // LANE * LANE
    n_tiles = vp // LANE
    padded = jnp.pad(table, ((0, vp - v), (0, 0)))
    x = padded.T.reshape(N_DIM // SUBL, SUBL, n_tiles, LANE)
    return x.transpose(0, 2, 1, 3).reshape(-1), n_tiles


def _bias_flat(bias):
    v = bias.shape[0]
    vp = (v + 1023) // 1024 * 1024
    return jnp.pad(bias, ((0, vp - v), (0, 0))).reshape(-1)


def _make_kernel(batch, n_tiles):
    info = plsc.get_sparse_core_info()
    nc, ns = info.num_cores, info.num_subcores
    nw = nc * ns
    assert batch % (nw * L) == 0
    bpw = batch // nw
    n_groups = bpw // L
    band = n_tiles * SUBL * LANE
    flat_len = (N_DIM // SUBL) * band

    mesh = plsc.VectorSubcoreMesh(core_axis_name="c", subcore_axis_name="s")

    @functools.partial(
        pl.kernel,
        mesh=mesh,
        compiler_params=pltpu.CompilerParams(
            needs_layout_passes=False, use_tc_tiling_on_sc=False),
        out_type=jax.ShapeDtypeStruct((batch,), jnp.float32),
        scratch_types=[
            pltpu.VMEM((bpw,), jnp.int32),
            pltpu.VMEM((bpw,), jnp.int32),
            pltpu.VMEM((bpw,), jnp.int32),
            pltpu.VMEM((bpw,), jnp.int32),
            pltpu.VMEM((N_DIM * bpw,), jnp.float32),
            pltpu.VMEM((N_DIM * bpw,), jnp.float32),
            pltpu.VMEM((bpw,), jnp.float32),
            pltpu.VMEM((bpw,), jnp.float32),
            pltpu.VMEM((L,), jnp.float32),
            pltpu.VMEM((bpw,), jnp.float32),
            pltpu.SemaphoreType.DMA,
        ],
    )
    def k(u_hbm, i_hbm, ub_hbm, uv_hbm, ib_hbm, iv_hbm, gb_hbm, out_hbm,
          u_v, i_v, tu_v, ti_v, pu_v, pi_v, ub_v, ib_v, gb_v, out_v, sem):
        wid = lax.axis_index("s") * nc + lax.axis_index("c")
        base = wid * bpw

        cp_u = pltpu.async_copy(u_hbm.at[pl.ds(base, bpw)], u_v, sem)
        cp_i = pltpu.async_copy(i_hbm.at[pl.ds(base, bpw)], i_v, sem)
        pltpu.sync_copy(gb_hbm, gb_v.at[pl.ds(0, 1)])
        cp_u.wait()
        cp_i.wait()

        for j in range(bpw // L):
            sl = pl.ds(j * L, L)
            uvec = u_v[sl]
            ivec = i_v[sl]
            tu_v[sl] = (uvec >> 7) * (SUBL * LANE) + (uvec & (LANE - 1))
            ti_v[sl] = (ivec >> 7) * (SUBL * LANE) + (ivec & (LANE - 1))

        cps = [
            pltpu.async_copy(ub_hbm.at[u_v], ub_v, sem),
            pltpu.async_copy(ib_hbm.at[i_v], ib_v, sem),
        ]
        for d in range(N_DIM):
            off = (d // SUBL) * band + (d % SUBL) * LANE
            span = flat_len - off
            cps.append(pltpu.async_copy(
                uv_hbm.at[pl.ds(off, span)].at[tu_v],
                pu_v.at[pl.ds(d * bpw, bpw)], sem))
            cps.append(pltpu.async_copy(
                iv_hbm.at[pl.ds(off, span)].at[ti_v],
                pi_v.at[pl.ds(d * bpw, bpw)], sem))
        for cp in cps:
            cp.wait()

        gb = gb_v[...][0]

        def group(g, carry):
            bu = ub_v[pl.ds(g * L, L)]
            bi = ib_v[pl.ds(g * L, L)]
            s_u = jnp.zeros((L,), jnp.float32)
            s_i = jnp.zeros((L,), jnp.float32)
            t = jnp.zeros((L,), jnp.float32)
            for d in range(N_DIM):
                lu = pu_v[pl.ds(d * bpw + g * L, L)]
                li = pi_v[pl.ds(d * bpw + g * L, L)]
                eu = jnp.exp(0.5 * lu)
                ei = jnp.exp(0.5 * li)
                s_u = s_u + eu * eu
                s_i = s_i + ei * ei
                t = t + eu * ei
            bc = t * _rsqrt(s_u * s_i)
            z = jnp.maximum(1.0 - bc, 1e-36)
            intx = z * _rsqrt(z)
            out_v[pl.ds(g * L, L)] = bu + bi + intx + gb
            return carry

        lax.fori_loop(0, n_groups, group, 0)
        pltpu.sync_copy(out_v, out_hbm.at[pl.ds(base, bpw)])

    return k


def kernel(u, i, user_bias, user_vect, item_bias, item_vect, glob_bias):
    batch = u.shape[0]
    uv_flat, n_tiles = _tiled_flat(user_vect)
    iv_flat, _ = _tiled_flat(item_vect)
    k = _make_kernel(batch, n_tiles)
    return k(u.astype(jnp.int32), i.astype(jnp.int32),
             _bias_flat(user_bias), uv_flat,
             _bias_flat(item_bias), iv_flat, glob_bias)

# --- scband reference (transcript-rebuilt; emitter-appended) ---
"""Pipeline reference for scband-gumbel-mf-56727928046360 (READ-ONLY COPY).

The authoritative reference and input builder live on the scoring server;
editing this copy changes nothing except your own understanding.
"""

import jax, jax.numpy as jnp
import numpy as np

N_USERS = 1000000
N_ITEMS = 1000000
N_DIM = 16
BATCH = 16384


def setup_inputs(seed: int = 0) -> dict:
    key = jax.random.key(seed)
    k0, k1, k2, k3, k4, k5 = jax.random.split(key, 6)
    u = jax.random.randint(k0, (BATCH,), 0, N_USERS, dtype=jnp.int64 if jax.config.jax_enable_x64 else jnp.int32)
    i = jax.random.randint(k1, (BATCH,), 0, N_ITEMS, dtype=jnp.int64 if jax.config.jax_enable_x64 else jnp.int32)
    user_bias = jax.random.normal(k2, (N_USERS, 1), dtype=jnp.float32) * 0.05
    user_vect = jax.random.normal(k3, (N_USERS, N_DIM), dtype=jnp.float32) * 0.05
    item_bias = jax.random.normal(k4, (N_ITEMS, 1), dtype=jnp.float32) * 0.05
    item_vect = jax.random.normal(k5, (N_ITEMS, N_DIM), dtype=jnp.float32) * 0.05
    glob_bias = jnp.array([0.01], dtype=jnp.float32)
    return {
        "u": u,
        "i": i,
        "user_bias": user_bias,
        "user_vect": user_vect,
        "item_bias": item_bias,
        "item_vect": item_vect,
        "glob_bias": glob_bias,
    }


def hellinger(p, q):
    # Hellinger distance between rows of p and q (both are probability vectors):
    # H(p, q) = (1/sqrt(2)) * || sqrt(p) - sqrt(q) ||_2
    return jnp.sqrt(jnp.sum((jnp.sqrt(p) - jnp.sqrt(q)) ** 2, axis=1)) / jnp.sqrt(2.0)


def reference(u, i, user_bias, user_vect, item_bias, item_vect, glob_bias):
    # BiasedEmbedding lookups: bias (scalar per id) + latent vector per id
    bu = jnp.take(user_bias, u, axis=0)[:, 0]
    lu = jnp.take(user_vect, u, axis=0)
    bi = jnp.take(item_bias, i, axis=0)[:, 0]
    li = jnp.take(item_vect, i, axis=0)
    # eval-mode path of GumbelMF.forward: softmax over latent dim
    du = jax.nn.softmax(lu, axis=1)
    di = jax.nn.softmax(li, axis=1)
    intx = hellinger(du, di)
    bias = jnp.broadcast_to(glob_bias, (u.shape[0],))
    logodds = bias + bi + bu + intx
    return logodds

if __name__ == "__main__":
    import jax
    _d = setup_inputs()
    print(jax.jit(kernel)(*tuple(_d.values())))

</pallas_src>

<mosaic_0001>
#map = affine_map<(d0, d1) -> (0)>
module attributes {stable_mosaic.version = 14 : i64} {
  func.func @k(%arg0: i32, %arg1: i32, %arg2: memref<16384xi32, #tpu.memory_space<hbm>>, %arg3: memref<16384xi32, #tpu.memory_space<hbm>>, %arg4: memref<1000448xf32, #tpu.memory_space<hbm>>, %arg5: memref<16001024xf32, #tpu.memory_space<hbm>>, %arg6: memref<1000448xf32, #tpu.memory_space<hbm>>, %arg7: memref<16001024xf32, #tpu.memory_space<hbm>>, %arg8: memref<1xf32, #tpu.memory_space<hbm>>, %arg9: memref<16384xf32, #tpu.memory_space<hbm>>, %arg10: memref<512xi32, #tpu.memory_space<vmem>>, %arg11: memref<512xi32, #tpu.memory_space<vmem>>, %arg12: memref<512xi32, #tpu.memory_space<vmem>>, %arg13: memref<512xi32, #tpu.memory_space<vmem>>, %arg14: memref<8192xf32, #tpu.memory_space<vmem>>, %arg15: memref<8192xf32, #tpu.memory_space<vmem>>, %arg16: memref<512xf32, #tpu.memory_space<vmem>>, %arg17: memref<512xf32, #tpu.memory_space<vmem>>, %arg18: memref<16xf32, #tpu.memory_space<vmem>>, %arg19: memref<512xf32, #tpu.memory_space<vmem>>, %arg20: memref<!tpu.dma_semaphore, #tpu.memory_space<semaphore_mem>>) attributes {dimension_semantics = [#tpu.dimension_semantics<core_parallel>, #tpu.dimension_semantics<subcore_parallel>], iteration_bounds = array<i64: 2, 16>, scalar_prefetch = 0 : i64, scratch_operands = 11 : i64, tpu.core_type = #tpu.core_type<sc_vector_subcore>, window_params = [{transform_indices = #map}, {transform_indices = #map}, {transform_indices = #map}, {transform_indices = #map}, {transform_indices = #map}, {transform_indices = #map}, {transform_indices = #map}, {transform_indices = #map}]} {
    %mul3A = arith.constant 2 : i32
    %mul3A_0 = arith.muli %arg1, %mul3A : i32
    %add3A = arith.addi %mul3A_0, %arg0 : i32
    %mul3A_1 = arith.constant 512 : i32
    %mul3A_2 = arith.muli %add3A, %mul3A_1 : i32
    %dma_start3A = tpu.memref_slice %arg2[%mul3A_2] : memref<16384xi32, #tpu.memory_space<hbm>> -> memref<512xi32, #tpu.memory_space<hbm>>
    %dma_start3A_3 = tpu.memref_slice %arg2[%mul3A_2] : memref<16384xi32, #tpu.memory_space<hbm>> -> memref<512xi32, #tpu.memory_space<hbm>>
    tpu.enqueue_dma source(%dma_start3A_3 : memref<512xi32, #tpu.memory_space<hbm>>) target(%arg10 : memref<512xi32, #tpu.memory_space<vmem>>) target_semaphore(%arg20 : memref<!tpu.dma_semaphore, #tpu.memory_space<semaphore_mem>>)
    %dma_start3A_4 = tpu.memref_slice %arg3[%mul3A_2] : memref<16384xi32, #tpu.memory_space<hbm>> -> memref<512xi32, #tpu.memory_space<hbm>>
    %dma_start3A_5 = tpu.memref_slice %arg3[%mul3A_2] : memref<16384xi32, #tpu.memory_space<hbm>> -> memref<512xi32, #tpu.memory_space<hbm>>
    tpu.enqueue_dma source(%dma_start3A_5 : memref<512xi32, #tpu.memory_space<hbm>>) target(%arg11 : memref<512xi32, #tpu.memory_space<vmem>>) target_semaphore(%arg20 : memref<!tpu.dma_semaphore, #tpu.memory_space<semaphore_mem>>)
    "tpu.region"() ({
      %run_scoped3A = tpu.sem_alloc : memref<!tpu.dma_semaphore, #tpu.memory_space<semaphore_mem>>
      %dma_start3A_1300 = arith.constant 0 : i32
      %dma_start3A_1301 = tpu.memref_slice %arg18[%dma_start3A_1300] : memref<16xf32, #tpu.memory_space<vmem>> -> memref<1xf32, #tpu.memory_space<vmem>>
      %dma_start3A_1302 = arith.constant 0 : i32
      %dma_start3A_1303 = tpu.memref_slice %arg18[%dma_start3A_1302] : memref<16xf32, #tpu.memory_space<vmem>> -> memref<1xf32, #tpu.memory_space<vmem>>
      tpu.enqueue_dma source(%arg8 : memref<1xf32, #tpu.memory_space<hbm>>) target(%dma_start3A_1303 : memref<1xf32, #tpu.memory_space<vmem>>) target_semaphore(%run_scoped3A : memref<!tpu.dma_semaphore, #tpu.memory_space<semaphore_mem>>)
      %dma_wait3A_1304 = arith.constant 0 : i32
      %dma_wait3A_1305 = tpu.memref_slice %arg18[%dma_wait3A_1304] : memref<16xf32, #tpu.memory_space<vmem>> -> memref<1xf32, #tpu.memory_space<vmem>>
      %dma_wait3A_1306 = arith.constant 0 : i32
      %dma_wait3A_1307 = tpu.memref_slice %arg18[%dma_wait3A_1306] : memref<16xf32, #tpu.memory_space<vmem>> -> memref<1xf32, #tpu.memory_space<vmem>>
      tpu.wait_dma2 semaphore(%run_scoped3A : memref<!tpu.dma_semaphore, #tpu.memory_space<semaphore_mem>>) src(%arg8 : memref<1xf32, #tpu.memory_space<hbm>>) dst(%dma_wait3A_1307 : memref<1xf32, #tpu.memory_space<vmem>>)
      tpu.yield
    }) : () -> ()
    %dma_wait3A = tpu.memref_slice %arg2[%mul3A_2] : memref<16384xi32, #tpu.memory_space<hbm>> -> memref<512xi32, #tpu.memory_space<hbm>>
    %dma_wait3A_6 = tpu.memref_slice %arg2[%mul3A_2] : memref<16384xi32, #tpu.memory_space<hbm>> -> memref<512xi32, #tpu.memory_space<hbm>>
    tpu.wait_dma2 semaphore(%arg20 : memref<!tpu.dma_semaphore, #tpu.memory_space<semaphore_mem>>) src(%dma_wait3A_6 : memref<512xi32, #tpu.memory_space<hbm>>) dst(%arg10 : memref<512xi32, #tpu.memory_space<vmem>>)
    %dma_wait3A_7 = tpu.memref_slice %arg3[%mul3A_2] : memref<16384xi32, #tpu.memory_space<hbm>> -> memref<512xi32, #tpu.memory_space<hbm>>
    %dma_wait3A_8 = tpu.memref_slice %arg3[%mul3A_2] : memref<16384xi32, #tpu.memory_space<hbm>> -> memref<512xi32, #tpu.memory_space<hbm>>
    tpu.wait_dma2 semaphore(%arg20 : memref<!tpu.dma_semaphore, #tpu.memory_space<semaphore_mem>>) src(%dma_wait3A_8 : memref<512xi32, #tpu.memory_space<hbm>>) dst(%arg11 : memref<512xi32, #tpu.memory_space<vmem>>)
    %get3A = arith.constant 0 : index
    %get3A_9 = tpu.vector_load %arg10[%get3A] {strides = array<i32>} : memref<512xi32, #tpu.memory_space<vmem>>, vector<16xi32>,
    %get3A_10 = arith.constant 0 : index
    %get3A_11 = tpu.vector_load %arg11[%get3A_10] {strides = array<i32>} : memref<512xi32, #tpu.memory_space<vmem>>, vector<16xi32>,
    %shift_right_arithmetic3A = arith.constant 7 : i32
    %shift_right_arithmetic3A_12 = vector.broadcast %shift_right_arithmetic3A : i32 to vector<16xi32>
    %shift_right_arithmetic3A_13 = arith.shrsi %get3A_9, %shift_right_arithmetic3A_12 : vector<16xi32>
    %mul3A_14 = arith.constant 1024 : i32
    %mul3A_15 = vector.broadcast %mul3A_14 : i32 to vector<16xi32>
    %mul3A_16 = arith.muli %shift_right_arithmetic3A_13, %mul3A_15 : vector<16xi32>
    %and3A = arith.constant 127 : i32
    %and3A_17 = vector.broadcast %and3A : i32 to vector<16xi32>
    %and3A_18 = arith.andi %get3A_9, %and3A_17 : vector<16xi32>
    %add3A_19 = arith.addi %mul3A_16, %and3A_18 : vector<16xi32>
    %swap3A = arith.constant 0 : index
    %swap3A_20 = tpu.vector_load %arg12[%swap3A] {strides = array<i32>} : memref<512xi32, #tpu.memory_space<vmem>>, vector<16xi32>,
    tpu.vector_store %arg12[%swap3A], %add3A_19 {strides = array<i32>} : memref<512xi32, #tpu.memory_space<vmem>>, vector<16xi32>,
    %shift_right_arithmetic3A_21 = arith.constant 7 : i32
    %shift_right_arithmetic3A_22 = vector.broadcast %shift_right_arithmetic3A_21 : i32 to vector<16xi32>
    %shift_right_arithmetic3A_23 = arith.shrsi %get3A_11, %shift_right_arithmetic3A_22 : vector<16xi32>
    %mul3A_24 = arith.constant 1024 : i32
    %mul3A_25 = vector.broadcast %mul3A_24 : i32 to vector<16xi32>
    %mul3A_26 = arith.muli %shift_right_arithmetic3A_23, %mul3A_25 : vector<16xi32>
    %and3A_27 = arith.constant 127 : i32
    %and3A_28 = vector.broadcast %and3A_27 : i32 to vector<16xi32>
    %and3A_29 = arith.andi %get3A_11, %and3A_28 : vector<16xi32>
    %add3A_30 = arith.addi %mul3A_26, %and3A_29 : vector<16xi32>
    %swap3A_31 = arith.constant 0 : index
    %swap3A_32 = tpu.vector_load %arg13[%swap3A_31] {strides = array<i32>} : memref<512xi32, #tpu.memory_space<vmem>>, vector<16xi32>,
    tpu.vector_store %arg13[%swap3A_31], %add3A_30 {strides = array<i32>} : memref<512xi32, #tpu.memory_space<vmem>>, vector<16xi32>,
    %get3A_33 = arith.constant 16 : index
    %get3A_34 = tpu.vector_load %arg10[%get3A_33] {strides = array<i32>} : memref<512xi32, #tpu.memory_space<vmem>>, vector<16xi32>,
    %get3A_35 = arith.constant 16 : index
    %get3A_36 = tpu.vector_load %arg11[%get3A_35] {strides = array<i32>} : memref<512xi32, #tpu.memory_space<vmem>>, vector<16xi32>,
    %shift_right_arithmetic3A_37 = arith.constant 7 : i32
    %shift_right_arithmetic3A_38 = vector.broadcast %shift_right_arithmetic3A_37 : i32 to vector<16xi32>
    %shift_right_arithmetic3A_39 = arith.shrsi %get3A_34, %shift_right_arithmetic3A_38 : vector<16xi32>
    %mul3A_40 = arith.constant 1024 : i32
    %mul3A_41 = vector.broadcast %mul3A_40 : i32 to vector<16xi32>
    %mul3A_42 = arith.muli %shift_right_arithmetic3A_39, %mul3A_41 : vector<16xi32>
    %and3A_43 = arith.constant 127 : i32
    %and3A_44 = vector.broadcast %and3A_43 : i32 to vector<16xi32>
    %and3A_45 = arith.andi %get3A_34, %and3A_44 : vector<16xi32>
    %add3A_46 = arith.addi %mul3A_42, %and3A_45 : vector<16xi32>
    %swap3A_47 = arith.constant 16 : index
    %swap3A_48 = tpu.vector_load %arg12[%swap3A_47] {strides = array<i32>} : memref<512xi32, #tpu.memory_space<vmem>>, vector<16xi32>,
    tpu.vector_store %arg12[%swap3A_47], %add3A_46 {strides = array<i32>} : memref<512xi32, #tpu.memory_space<vmem>>, vector<16xi32>,
    %shift_right_arithmetic3A_49 = arith.constant 7 : i32
    %shift_right_arithmetic3A_50 = vector.broadcast %shift_right_arithmetic3A_49 : i32 to vector<16xi32>
    %shift_right_arithmetic3A_51 = arith.shrsi %get3A_36, %shift_right_arithmetic3A_50 : vector<16xi32>
    %mul3A_52 = arith.constant 1024 : i32
    %mul3A_53 = vector.broadcast %mul3A_52 : i32 to vector<16xi32>
    %mul3A_54 = arith.muli %shift_right_arithmetic3A_51, %mul3A_53 : vector<16xi32>
    %and3A_55 = arith.constant 127 : i32
    %and3A_56 = vector.broadcast %and3A_55 : i32 to vector<16xi32>
    %and3A_57 = arith.andi %get3A_36, %and3A_56 : vector<16xi32>
    %add3A_58 = arith.addi %mul3A_54, %and3A_57 : vector<16xi32>
    %swap3A_59 = arith.constant 16 : index
    %swap3A_60 = tpu.vector_load %arg13[%swap3A_59] {strides = array<i32>} : memref<512xi32, #tpu.memory_space<vmem>>, vector<16xi32>,
    tpu.vector_store %arg13[%swap3A_59], %add3A_58 {strides = array<i32>} : memref<512xi32, #tpu.memory_space<vmem>>, vector<16xi32>,
    %get3A_61 = arith.constant 32 : index
    %get3A_62 = tpu.vector_load %arg10[%get3A_61] {strides = array<i32>} : memref<512xi32, #tpu.memory_space<vmem>>, vector<16xi32>,
    %get3A_63 = arith.constant 32 : index
    %get3A_64 = tpu.vector_load %arg11[%get3A_63] {strides = array<i32>} : memref<512xi32, #tpu.memory_space<vmem>>, vector<16xi32>,
    %shift_right_arithmetic3A_65 = arith.constant 7 : i32
    %shift_right_arithmetic3A_66 = vector.broadcast %shift_right_arithmetic3A_65 : i32 to vector<16xi32>
    %shift_right_arithmetic3A_67 = arith.shrsi %get3A_62, %shift_right_arithmetic3A_66 : vector<16xi32>
    %mul3A_68 = arith.constant 1024 : i32
    %mul3A_69 = vector.broadcast %mul3A_68 : i32 to vector<16xi32>
    %mul3A_70 = arith.muli %shift_right_arithmetic3A_67, %mul3A_69 : vector<16xi32>
    %and3A_71 = arith.constant 127 : i32
    %and3A_72 = vector.broadcast %and3A_71 : i32 to vector<16xi32>
    %and3A_73 = arith.andi %get3A_62, %and3A_72 : vector<16xi32>
    %add3A_74 = arith.addi %mul3A_70, %and3A_73 : vector<16xi32>
    %swap3A_75 = arith.constant 32 : index
    %swap3A_76 = tpu.vector_load %arg12[%swap3A_75] {strides = array<i32>} : memref<512xi32, #tpu.memory_space<vmem>>, vector<16xi32>,
    tpu.vector_store %arg12[%swap3A_75], %add3A_74 {strides = array<i32>} : memref<512xi32, #tpu.memory_space<vmem>>, vector<16xi32>,
    %shift_right_arithmetic3A_77 = arith.constant 7 : i32
    %shift_right_arithmetic3A_78 = vector.broadcast %shift_right_arithmetic3A_77 : i32 to vector<16xi32>
    %shift_right_arithmetic3A_79 = arith.shrsi %get3A_64, %shift_right_arithmetic3A_78 : vector<16xi32>
    %mul3A_80 = arith.constant 1024 : i32
    %mul3A_81 = vector.broadcast %mul3A_80 : i32 to vector<16xi32>
    %mul3A_82 = arith.muli %shift_right_arithmetic3A_79, %mul3A_81 : vector<16xi32>
    %and3A_83 = arith.constant 127 : i32
    %and3A_84 = vector.broadcast %and3A_83 : i32 to vector<16xi32>
    %and3A_85 = arith.andi %get3A_64, %and3A_84 : vector<16xi32>
    %add3A_86 = arith.addi %mul3A_82, %and3A_85 : vector<16xi32>
    %swap3A_87 = arith.constant 32 : index
    %swap3A_88 = tpu.vector_load %arg13[%swap3A_87] {strides = array<i32>} : memref<512xi32, #tpu.memory_space<vmem>>, vector<16xi32>,
    tpu.vector_store %arg13[%swap3A_87], %add3A_86 {strides = array<i32>} : memref<512xi32, #tpu.memory_space<vmem>>, vector<16xi32>,
    %get3A_89 = arith.constant 48 : index
    %get3A_90 = tpu.vector_load %arg10[%get3A_89] {strides = array<i32>} : memref<512xi32, #tpu.memory_space<vmem>>, vector<16xi32>,
    %get3A_91 = arith.constant 48 : index
    %get3A_92 = tpu.vector_load %arg11[%get3A_91] {strides = array<i32>} : memref<512xi32, #tpu.memory_space<vmem>>, vector<16xi32>,
    %shift_right_arithmetic3A_93 = arith.constant 7 : i32
    %shift_right_arithmetic3A_94 = vector.broadcast %shift_right_arithmetic3A_93 : i32 to vector<16xi32>
    %shift_right_arithmetic3A_95 = arith.shrsi %get3A_90, %shift_right_arithmetic3A_94 : vector<16xi32>
    %mul3A_96 = arith.constant 1024 : i32
    %mul3A_97 = vector.broadcast %mul3A_96 : i32 to vector<16xi32>
    %mul3A_98 = arith.muli %shift_right_arithmetic3A_95, %mul3A_97 : vector<16xi32>
    %and3A_99 = arith.constant 127 : i32
    %and3A_100 = vector.broadcast %and3A_99 : i32 to vector<16xi32>
    %and3A_101 = arith.andi %get3A_90, %and3A_100 : vector<16xi32>
    %add3A_102 = arith.addi %mul3A_98, %and3A_101 : vector<16xi32>
    %swap3A_103 = arith.constant 48 : index
    %swap3A_104 = tpu.vector_load %arg12[%swap3A_103] {strides = array<i32>} : memref<512xi32, #tpu.memory_space<vmem>>, vector<16xi32>,
    tpu.vector_store %arg12[%swap3A_103], %add3A_102 {strides = array<i32>} : memref<512xi32, #tpu.memory_space<vmem>>, vector<16xi32>,
    %shift_right_arithmetic3A_105 = arith.constant 7 : i32
    %shift_right_arithmetic3A_106 = vector.broadcast %shift_right_arithmetic3A_105 : i32 to vector<16xi32>
    %shift_right_arithmetic3A_107 = arith.shrsi %get3A_92, %shift_right_arithmetic3A_106 : vector<16xi32>
    %mul3A_108 = arith.constant 1024 : i32
    %mul3A_109 = vector.broadcast %mul3A_108 : i32 to vector<16xi32>
    %mul3A_110 = arith.muli %shift_right_arithmetic3A_107, %mul3A_109 : vector<16xi32>
    %and3A_111 = arith.constant 127 : i32
    %and3A_112 = vector.broadcast %and3A_111 : i32 to vector<16xi32>
    %and3A_113 = arith.andi %get3A_92, %and3A_112 : vector<16xi32>
    %add3A_114 = arith.addi %mul3A_110, %and3A_113 : vector<16xi32>
    %swap3A_115 = arith.constant 48 : index
    %swap3A_116 = tpu.vector_load %arg13[%swap3A_115] {strides = array<i32>} : memref<512xi32, #tpu.memory_space<vmem>>, vector<16xi32>,
    tpu.vector_store %arg13[%swap3A_115], %add3A_114 {strides = array<i32>} : memref<512xi32, #tpu.memory_space<vmem>>, vector<16xi32>,
    %get3A_117 = arith.constant 64 : index
    %get3A_118 = tpu.vector_load %arg10[%get3A_117] {strides = array<i32>} : memref<512xi32, #tpu.memory_space<vmem>>, vector<16xi32>,
    %get3A_119 = arith.constant 64 : index
    %get3A_120 = tpu.vector_load %arg11[%get3A_119] {strides = array<i32>} : memref<512xi32, #tpu.memory_space<vmem>>, vector<16xi32>,
    %shift_right_arithmetic3A_121 = arith.constant 7 : i32
    %shift_right_arithmetic3A_122 = vector.broadcast %shift_right_arithmetic3A_121 : i32 to vector<16xi32>
    %shift_right_arithmetic3A_123 = arith.shrsi %get3A_118, %shift_right_arithmetic3A_122 : vector<16xi32>
    %mul3A_124 = arith.constant 1024 : i32
    %mul3A_125 = vector.broadcast %mul3A_124 : i32 to vector<16xi32>
    %mul3A_126 = arith.muli %shift_right_arithmetic3A_123, %mul3A_125 : vector<16xi32>
    %and3A_127 = arith.constant 127 : i32
    %and3A_128 = vector.broadcast %and3A_127 : i32 to vector<16xi32>
    %and3A_129 = arith.andi %get3A_118, %and3A_128 : vector<16xi32>
    %add3A_130 = arith.addi %mul3A_126, %and3A_129 : vector<16xi32>
    %swap3A_131 = arith.constant 64 : index
    %swap3A_132 = tpu.vector_load %arg12[%swap3A_131] {strides = array<i32>} : memref<512xi32, #tpu.memory_space<vmem>>, vector<16xi32>,
    tpu.vector_store %arg12[%swap3A_131], %add3A_130 {strides = array<i32>} : memref<512xi32, #tpu.memory_space<vmem>>, vector<16xi32>,
    %shift_right_arithmetic3A_133 = arith.constant 7 : i32
    %shift_right_arithmetic3A_134 = vector.broadcast %shift_right_arithmetic3A_133 : i32 to vector<16xi32>
    %shift_right_arithmetic3A_135 = arith.shrsi %get3A_120, %shift_right_arithmetic3A_134 : vector<16xi32>
    %mul3A_136 = arith.constant 1024 : i32
    %mul3A_137 = vector.broadcast %mul3A_136 : i32 to vector<16xi32>
    %mul3A_138 = arith.muli %shift_right_arithmetic3A_135, %mul3A_137 : vector<16xi32>
    %and3A_139 = arith.constant 127 : i32
    %and3A_140 = vector.broadcast %and3A_139 : i32 to vector<16xi32>
    %and3A_141 = arith.andi %get3A_120, %and3A_140 : vector<16xi32>
    %add3A_142 = arith.addi %mul3A_138, %and3A_141 : vector<16xi32>
    %swap3A_143 = arith.constant 64 : index
    %swap3A_144 = tpu.vector_load %arg13[%swap3A_143] {strides = array<i32>} : memref<512xi32, #tpu.memory_space<vmem>>, vector<16xi32>,
    tpu.vector_store %arg13[%swap3A_143], %add3A_142 {strides = array<i32>} : memref<512xi32, #tpu.memory_space<vmem>>, vector<16xi32>,
    %get3A_145 = arith.constant 80 : index
    %get3A_146 = tpu.vector_load %arg10[%get3A_145] {strides = array<i32>} : memref<512xi32, #tpu.memory_space<vmem>>, vector<16xi32>,
    %get3A_147 = arith.constant 80 : index
    %get3A_148 = tpu.vector_load %arg11[%get3A_147] {strides = array<i32>} : memref<512xi32, #tpu.memory_space<vmem>>, vector<16xi32>,
    %shift_right_arithmetic3A_149 = arith.constant 7 : i32
    %shift_right_arithmetic3A_150 = vector.broadcast %shift_right_arithmetic3A_149 : i32 to vector<16xi32>
    %shift_right_arithmetic3A_151 = arith.shrsi %get3A_146, %shift_right_arithmetic3A_150 : vector<16xi32>
    %mul3A_152 = arith.constant 1024 : i32
    %mul3A_153 = vector.broadcast %mul3A_152 : i32 to vector<16xi32>
    %mul3A_154 = arith.muli %shift_right_arithmetic3A_151, %mul3A_153 : vector<16xi32>
    %and3A_155 = arith.constant 127 : i32
    %and3A_156 = vector.broadcast %and3A_155 : i32 to vector<16xi32>
    %and3A_157 = arith.andi %get3A_146, %and3A_156 : vector<16xi32>
    %add3A_158 = arith.addi %mul3A_154, %and3A_157 : vector<16xi32>
    %swap3A_159 = arith.constant 80 : index
    %swap3A_160 = tpu.vector_load %arg12[%swap3A_159] {strides = array<i32>} : memref<512xi32, #tpu.memory_space<vmem>>, vector<16xi32>,
    tpu.vector_store %arg12[%swap3A_159], %add3A_158 {strides = array<i32>} : memref<512xi32, #tpu.memory_space<vmem>>, vector<16xi32>,
    %shift_right_arithmetic3A_161 = arith.constant 7 : i32
    %shift_right_arithmetic3A_162 = vector.broadcast %shift_right_arithmetic3A_161 : i32 to vector<16xi32>
    %shift_right_arithmetic3A_163 = arith.shrsi %get3A_148, %shift_right_arithmetic3A_162 : vector<16xi32>
    %mul3A_164 = arith.constant 1024 : i32
    %mul3A_165 = vector.broadcast %mul3A_164 : i32 to vector<16xi32>
    %mul3A_166 = arith.muli %shift_right_arithmetic3A_163, %mul3A_165 : vector<16xi32>
    %and3A_167 = arith.constant 127 : i32
    %and3A_168 = vector.broadcast %and3A_167 : i32 to vector<16xi32>
    %and3A_169 = arith.andi %get3A_148, %and3A_168 : vector<16xi32>
    %add3A_170 = arith.addi %mul3A_166, %and3A_169 : vector<16xi32>
    %swap3A_171 = arith.constant 80 : index
    %swap3A_172 = tpu.vector_load %arg13[%swap3A_171] {strides = array<i32>} : memref<512xi32, #tpu.memory_space<vmem>>, vector<16xi32>,
    tpu.vector_store %arg13[%swap3A_171], %add3A_170 {strides = array<i32>} : memref<512xi32, #tpu.memory_space<vmem>>, vector<16xi32>,
    %get3A_173 = arith.constant 96 : index
    %get3A_174 = tpu.vector_load %arg10[%get3A_173] {strides = array<i32>} : memref<512xi32, #tpu.memory_space<vmem>>, vector<16xi32>,
    %get3A_175 = arith.constant 96 : index
    %get3A_176 = tpu.vector_load %arg11[%get3A_175] {strides = array<i32>} : memref<512xi32, #tpu.memory_space<vmem>>, vector<16xi32>,
    %shift_right_arithmetic3A_177 = arith.constant 7 : i32
    %shift_right_arithmetic3A_178 = vector.broadcast %shift_right_arithmetic3A_177 : i32 to vector<16xi32>
    %shift_right_arithmetic3A_179 = arith.shrsi %get3A_174, %shift_right_arithmetic3A_178 : vector<16xi32>
    %mul3A_180 = arith.constant 1024 : i32
    %mul3A_181 = vector.broadcast %mul3A_180 : i32 to vector<16xi32>
    %mul3A_182 = arith.muli %shift_right_arithmetic3A_179, %mul3A_181 : vector<16xi32>
    %and3A_183 = arith.constant 127 : i32
    %and3A_184 = vector.broadcast %and3A_183 : i32 to vector<16xi32>
    %and3A_185 = arith.andi %get3A_174, %and3A_184 : vector<16xi32>
    %add3A_186 = arith.addi %mul3A_182, %and3A_185 : vector<16xi32>
    %swap3A_187 = arith.constant 96 : index
    %swap3A_188 = tpu.vector_load %arg12[%swap3A_187] {strides = array<i32>} : memref<512xi32, #tpu.memory_space<vmem>>, vector<16xi32>,
    tpu.vector_store %arg12[%swap3A_187], %add3A_186 {strides = array<i32>} : memref<512xi32, #tpu.memory_space<vmem>>, vector<16xi32>,
    %shift_right_arithmetic3A_189 = arith.constant 7 : i32
    %shift_right_arithmetic3A_190 = vector.broadcast %shift_right_arithmetic3A_189 : i32 to vector<16xi32>
    %shift_right_arithmetic3A_191 = arith.shrsi %get3A_176, %shift_right_arithmetic3A_190 : vector<16xi32>
    %mul3A_192 = arith.constant 1024 : i32
    %mul3A_193 = vector.broadcast %mul3A_192 : i32 to vector<16xi32>
    %mul3A_194 = arith.muli %shift_right_arithmetic3A_191, %mul3A_193 : vector<16xi32>
    %and3A_195 = arith.constant 127 : i32
    %and3A_196 = vector.broadcast %and3A_195 : i32 to vector<16xi32>
    %and3A_197 = arith.andi %get3A_176, %and3A_196 : vector<16xi32>
    %add3A_198 = arith.addi %mul3A_194, %and3A_197 : vector<16xi32>
    %swap3A_199 = arith.constant 96 : index
    %swap3A_200 = tpu.vector_load %arg13[%swap3A_199] {strides = array<i32>} : memref<512xi32, #tpu.memory_space<vmem>>, vector<16xi32>,
    tpu.vector_store %arg13[%swap3A_199], %add3A_198 {strides = array<i32>} : memref<512xi32, #tpu.memory_space<vmem>>, vector<16xi32>,
    %get3A_201 = arith.constant 112 : index
    %get3A_202 = tpu.vector_load %arg10[%get3A_201] {strides = array<i32>} : memref<512xi32, #tpu.memory_space<vmem>>, vector<16xi32>,
    %get3A_203 = arith.constant 112 : index
    %get3A_204 = tpu.vector_load %arg11[%get3A_203] {strides = array<i32>} : memref<512xi32, #tpu.memory_space<vmem>>, vector<16xi32>,
    %shift_right_arithmetic3A_205 = arith.constant 7 : i32
    %shift_right_arithmetic3A_206 = vector.broadcast %shift_right_arithmetic3A_205 : i32 to vector<16xi32>
    %shift_right_arithmetic3A_207 = arith.shrsi %get3A_202, %shift_right_arithmetic3A_206 : vector<16xi32>
    %mul3A_208 = arith.constant 1024 : i32
    %mul3A_209 = vector.broadcast %mul3A_208 : i32 to vector<16xi32>
    %mul3A_210 = arith.muli %shift_right_arithmetic3A_207, %mul3A_209 : vector<16xi32>
    %and3A_211 = arith.constant 127 : i32
    %and3A_212 = vector.broadcast %and3A_211 : i32 to vector<16xi32>
    %and3A_213 = arith.andi %get3A_202, %and3A_212 : vector<16xi32>
    %add3A_214 = arith.addi %mul3A_210, %and3A_213 : vector<16xi32>
    %swap3A_215 = arith.constant 112 : index
    %swap3A_216 = tpu.vector_load %arg12[%swap3A_215] {strides = array<i32>} : memref<512xi32, #tpu.memory_space<vmem>>, vector<16xi32>,
    tpu.vector_store %arg12[%swap3A_215], %add3A_214 {strides = array<i32>} : memref<512xi32, #tpu.memory_space<vmem>>, vector<16xi32>,
    %shift_right_arithmetic3A_217 = arith.constant 7 : i32
    %shift_right_arithmetic3A_218 = vector.broadcast %shift_right_arithmetic3A_217 : i32 to vector<16xi32>
    %shift_right_arithmetic3A_219 = arith.shrsi %get3A_204, %shift_right_arithmetic3A_218 : vector<16xi32>
    %mul3A_220 = arith.constant 1024 : i32
    %mul3A_221 = vector.broadcast %mul3A_220 : i32 to vector<16xi32>
    %mul3A_222 = arith.muli %shift_right_arithmetic3A_219, %mul3A_221 : vector<16xi32>
    %and3A_223 = arith.constant 127 : i32
    %and3A_224 = vector.broadcast %and3A_223 : i32 to vector<16xi32>
    %and3A_225 = arith.andi %get3A_204, %and3A_224 : vector<16xi32>
    %add3A_226 = arith.addi %mul3A_222, %and3A_225 : vector<16xi32>
    %swap3A_227 = arith.constant 112 : index
    %swap3A_228 = tpu.vector_load %arg13[%swap3A_227] {strides = array<i32>} : memref<512xi32, #tpu.memory_space<vmem>>, vector<16xi32>,
    tpu.vector_store %arg13[%swap3A_227], %add3A_226 {strides = array<i32>} : memref<512xi32, #tpu.memory_space<vmem>>, vector<16xi32>,
    %get3A_229 = arith.constant 128 : index
    %get3A_230 = tpu.vector_load %arg10[%get3A_229] {strides = array<i32>} : memref<512xi32, #tpu.memory_space<vmem>>, vector<16xi32>,
    %get3A_231 = arith.constant 128 : index
    %get3A_232 = tpu.vector_load %arg11[%get3A_231] {strides = array<i32>} : memref<512xi32, #tpu.memory_space<vmem>>, vector<16xi32>,
    %shift_right_arithmetic3A_233 = arith.constant 7 : i32
    %shift_right_arithmetic3A_234 = vector.broadcast %shift_right_arithmetic3A_233 : i32 to vector<16xi32>
    %shift_right_arithmetic3A_235 = arith.shrsi %get3A_230, %shift_right_arithmetic3A_234 : vector<16xi32>
    %mul3A_236 = arith.constant 1024 : i32
    %mul3A_237 = vector.broadcast %mul3A_236 : i32 to vector<16xi32>
    %mul3A_238 = arith.muli %shift_right_arithmetic3A_235, %mul3A_237 : vector<16xi32>
    %and3A_239 = arith.constant 127 : i32
    %and3A_240 = vector.broadcast %and3A_239 : i32 to vector<16xi32>
    %and3A_241 = arith.andi %get3A_230, %and3A_240 : vector<16xi32>
    %add3A_242 = arith.addi %mul3A_238, %and3A_241 : vector<16xi32>
    %swap3A_243 = arith.constant 128 : index
    %swap3A_244 = tpu.vector_load %arg12[%swap3A_243] {strides = array<i32>} : memref<512xi32, #tpu.memory_space<vmem>>, vector<16xi32>,
    tpu.vector_store %arg12[%swap3A_243], %add3A_242 {strides = array<i32>} : memref<512xi32, #tpu.memory_space<vmem>>, vector<16xi32>,
    %shift_right_arithmetic3A_245 = arith.constant 7 : i32
    %shift_right_arithmetic3A_246 = vector.broadcast %shift_right_arithmetic3A_245 : i32 to vector<16xi32>
    %shift_right_arithmetic3A_247 = arith.shrsi %get3A_232, %shift_right_arithmetic3A_246 : vector<16xi32>
    %mul3A_248 = arith.constant 1024 : i32
    %mul3A_249 = vector.broadcast %mul3A_248 : i32 to vector<16xi32>
    %mul3A_250 = arith.muli %shift_right_arithmetic3A_247, %mul3A_249 : vector<16xi32>
    %and3A_251 = arith.constant 127 : i32
    %and3A_252 = vector.broadcast %and3A_251 : i32 to vector<16xi32>
    %and3A_253 = arith.andi %get3A_232, %and3A_252 : vector<16xi32>
    %add3A_254 = arith.addi %mul3A_250, %and3A_253 : vector<16xi32>
    %swap3A_255 = arith.constant 128 : index
    %swap3A_256 = tpu.vector_load %arg13[%swap3A_255] {strides = array<i32>} : memref<512xi32, #tpu.memory_space<vmem>>, vector<16xi32>,
    tpu.vector_store %arg13[%swap3A_255], %add3A_254 {strides = array<i32>} : memref<512xi32, #tpu.memory_space<vmem>>, vector<16xi32>,
    %get3A_257 = arith.constant 144 : index
    %get3A_258 = tpu.vector_load %arg10[%get3A_257] {strides = array<i32>} : memref<512xi32, #tpu.memory_space<vmem>>, vector<16xi32>,
    %get3A_259 = arith.constant 144 : index
    %get3A_260 = tpu.vector_load %arg11[%get3A_259] {strides = array<i32>} : memref<512xi32, #tpu.memory_space<vmem>>, vector<16xi32>,
    %shift_right_arithmetic3A_261 = arith.constant 7 : i32
    %shift_right_arithmetic3A_262 = vector.broadcast %shift_right_arithmetic3A_261 : i32 to vector<16xi32>
    %shift_right_arithmetic3A_263 = arith.shrsi %get3A_258, %shift_right_arithmetic3A_262 : vector<16xi32>
    %mul3A_264 = arith.constant 1024 : i32
    %mul3A_265 = vector.broadcast %mul3A_264 : i32 to vector<16xi32>
    %mul3A_266 = arith.muli %shift_right_arithmetic3A_263, %mul3A_265 : vector<16xi32>
    %and3A_267 = arith.constant 127 : i32
    %and3A_268 = vector.broadcast %and3A_267 : i32 to vector<16xi32>
    %and3A_269 = arith.andi %get3A_258, %and3A_268 : vector<16xi32>
    %add3A_270 = arith.addi %mul3A_266, %and3A_269 : vector<16xi32>
    %swap3A_271 = arith.constant 144 : index
    %swap3A_272 = tpu.vector_load %arg12[%swap3A_271] {strides = array<i32>} : memref<512xi32, #tpu.memory_space<vmem>>, vector<16xi32>,
    tpu.vector_store %arg12[%swap3A_271], %add3A_270 {strides = array<i32>} : memref<512xi32, #tpu.memory_space<vmem>>, vector<16xi32>,
    %shift_right_arithmetic3A_273 = arith.constant 7 : i32
    %shift_right_arithmetic3A_274 = vector.broadcast %shift_right_arithmetic3A_273 : i32 to vector<16xi32>
    %shift_right_arithmetic3A_275 = arith.shrsi %get3A_260, %shift_right_arithmetic3A_274 : vector<16xi32>
    %mul3A_276 = arith.constant 1024 : i32
    %mul3A_277 = vector.broadcast %mul3A_276 : i32 to vector<16xi32>
    %mul3A_278 = arith.muli %shift_right_arithmetic3A_275, %mul3A_277 : vector<16xi32>
    %and3A_279 = arith.constant 127 : i32
    %and3A_280 = vector.broadcast %and3A_279 : i32 to vector<16xi32>
    %and3A_281 = arith.andi %get3A_260, %and3A_280 : vector<16xi32>
    %add3A_282 = arith.addi %mul3A_278, %and3A_281 : vector<16xi32>
    %swap3A_283 = arith.constant 144 : index
    %swap3A_284 = tpu.vector_load %arg13[%swap3A_283] {strides = array<i32>} : memref<512xi32, #tpu.memory_space<vmem>>, vector<16xi32>,
    tpu.vector_store %arg13[%swap3A_283], %add3A_282 {strides = array<i32>} : memref<512xi32, #tpu.memory_space<vmem>>, vector<16xi32>,
    %get3A_285 = arith.constant 160 : index
    %get3A_286 = tpu.vector_load %arg10[%get3A_285] {strides = array<i32>} : memref<512xi32, #tpu.memory_space<vmem>>, vector<16xi32>,
    %get3A_287 = arith.constant 160 : index
    %get3A_288 = tpu.vector_load %arg11[%get3A_287] {strides = array<i32>} : memref<512xi32, #tpu.memory_space<vmem>>, vector<16xi32>,
    %shift_right_arithmetic3A_289 = arith.constant 7 : i32
    %shift_right_arithmetic3A_290 = vector.broadcast %shift_right_arithmetic3A_289 : i32 to vector<16xi32>
    %shift_right_arithmetic3A_291 = arith.shrsi %get3A_286, %shift_right_arithmetic3A_290 : vector<16xi32>
    %mul3A_292 = arith.constant 1024 : i32
    %mul3A_293 = vector.broadcast %mul3A_292 : i32 to vector<16xi32>
    %mul3A_294 = arith.muli %shift_right_arithmetic3A_291, %mul3A_293 : vector<16xi32>
    %and3A_295 = arith.constant 127 : i32
    %and3A_296 = vector.broadcast %and3A_295 : i32 to vector<16xi32>
    %and3A_297 = arith.andi %get3A_286, %and3A_296 : vector<16xi32>
    %add3A_298 = arith.addi %mul3A_294, %and3A_297 : vector<16xi32>
    %swap3A_299 = arith.constant 160 : index
    %swap3A_300 = tpu.vector_load %arg12[%swap3A_299] {strides = array<i32>} : memref<512xi32, #tpu.memory_space<vmem>>, vector<16xi32>,
    tpu.vector_store %arg12[%swap3A_299], %add3A_298 {strides = array<i32>} : memref<512xi32, #tpu.memory_space<vmem>>, vector<16xi32>,
    %shift_right_arithmetic3A_301 = arith.constant 7 : i32
    %shift_right_arithmetic3A_302 = vector.broadcast %shift_right_arithmetic3A_301 : i32 to vector<16xi32>
    %shift_right_arithmetic3A_303 = arith.shrsi %get3A_288, %shift_right_arithmetic3A_302 : vector<16xi32>
    %mul3A_304 = arith.constant 1024 : i32
    %mul3A_305 = vector.broadcast %mul3A_304 : i32 to vector<16xi32>
    %mul3A_306 = arith.muli %shift_right_arithmetic3A_303, %mul3A_305 : vector<16xi32>
    %and3A_307 = arith.constant 127 : i32
    %and3A_308 = vector.broadcast %and3A_307 : i32 to vector<16xi32>
    %and3A_309 = arith.andi %get3A_288, %and3A_308 : vector<16xi32>
    %add3A_310 = arith.addi %mul3A_306, %and3A_309 : vector<16xi32>
    %swap3A_311 = arith.constant 160 : index
    %swap3A_312 = tpu.vector_load %arg13[%swap3A_311] {strides = array<i32>} : memref<512xi32, #tpu.memory_space<vmem>>, vector<16xi32>,
    tpu.vector_store %arg13[%swap3A_311], %add3A_310 {strides = array<i32>} : memref<512xi32, #tpu.memory_space<vmem>>, vector<16xi32>,
    %get3A_313 = arith.constant 176 : index
    %get3A_314 = tpu.vector_load %arg10[%get3A_313] {strides = array<i32>} : memref<512xi32, #tpu.memory_space<vmem>>, vector<16xi32>,
    %get3A_315 = arith.constant 176 : index
    %get3A_316 = tpu.vector_load %arg11[%get3A_315] {strides = array<i32>} : memref<512xi32, #tpu.memory_space<vmem>>, vector<16xi32>,
    %shift_right_arithmetic3A_317 = arith.constant 7 : i32
    %shift_right_arithmetic3A_318 = vector.broadcast %shift_right_arithmetic3A_317 : i32 to vector<16xi32>
    %shift_right_arithmetic3A_319 = arith.shrsi %get3A_314, %shift_right_arithmetic3A_318 : vector<16xi32>
    %mul3A_320 = arith.constant 1024 : i32
    %mul3A_321 = vector.broadcast %mul3A_320 : i32 to vector<16xi32>
    %mul3A_322 = arith.muli %shift_right_arithmetic3A_319, %mul3A_321 : vector<16xi32>
    %and3A_323 = arith.constant 127 : i32
    %and3A_324 = vector.broadcast %and3A_323 : i32 to vector<16xi32>
    %and3A_325 = arith.andi %get3A_314, %and3A_324 : vector<16xi32>
    %add3A_326 = arith.addi %mul3A_322, %and3A_325 : vector<16xi32>
    %swap3A_327 = arith.constant 176 : index
    %swap3A_328 = tpu.vector_load %arg12[%swap3A_327] {strides = array<i32>} : memref<512xi32, #tpu.memory_space<vmem>>, vector<16xi32>,
    tpu.vector_store %arg12[%swap3A_327], %add3A_326 {strides = array<i32>} : memref<512xi32, #tpu.memory_space<vmem>>, vector<16xi32>,
    %shift_right_arithmetic3A_329 = arith.constant 7 : i32
    %shift_right_arithmetic3A_330 = vector.broadcast %shift_right_arithmetic3A_329 : i32 to vector<16xi32>
    %shift_right_arithmetic3A_331 = arith.shrsi %get3A_316, %shift_right_arithmetic3A_330 : vector<16xi32>
    %mul3A_332 = arith.constant 1024 : i32
    %mul3A_333 = vector.broadcast %mul3A_332 : i32 to vector<16xi32>
    %mul3A_334 = arith.muli %shift_right_arithmetic3A_331, %mul3A_333 : vector<16xi32>
    %and3A_335 = arith.constant 127 : i32
    %and3A_336 = vector.broadcast %and3A_335 : i32 to vector<16xi32>
    %and3A_337 = arith.andi %get3A_316, %and3A_336 : vector<16xi32>
    %add3A_338 = arith.addi %mul3A_334, %and3A_337 : vector<16xi32>
    %swap3A_339 = arith.constant 176 : index
    %swap3A_340 = tpu.vector_load %arg13[%swap3A_339] {strides = array<i32>} : memref<512xi32, #tpu.memory_space<vmem>>, vector<16xi32>,
    tpu.vector_store %arg13[%swap3A_339], %add3A_338 {strides = array<i32>} : memref<512xi32, #tpu.memory_space<vmem>>, vector<16xi32>,
    %get3A_341 = arith.constant 192 : index
    %get3A_342 = tpu.vector_load %arg10[%get3A_341] {strides = array<i32>} : memref<512xi32, #tpu.memory_space<vmem>>, vector<16xi32>,
    %get3A_343 = arith.constant 192 : index
    %get3A_344 = tpu.vector_load %arg11[%get3A_343] {strides = array<i32>} : memref<512xi32, #tpu.memory_space<vmem>>, vector<16xi32>,
    %shift_right_arithmetic3A_345 = arith.constant 7 : i32
    %shift_right_arithmetic3A_346 = vector.broadcast %shift_right_arithmetic3A_345 : i32 to vector<16xi32>
    %shift_right_arithmetic3A_347 = arith.shrsi %get3A_342, %shift_right_arithmetic3A_346 : vector<16xi32>
    %mul3A_348 = arith.constant 1024 : i32
    %mul3A_349 = vector.broadcast %mul3A_348 : i32 to vector<16xi32>
    %mul3A_350 = arith.muli %shift_right_arithmetic3A_347, %mul3A_349 : vector<16xi32>
    %and3A_351 = arith.constant 127 : i32
    %and3A_352 = vector.broadcast %and3A_351 : i32 to vector<16xi32>
    %and3A_353 = arith.andi %get3A_342, %and3A_352 : vector<16xi32>
    %add3A_354 = arith.addi %mul3A_350, %and3A_353 : vector<16xi32>
    %swap3A_355 = arith.constant 192 : index
    %swap3A_356 = tpu.vector_load %arg12[%swap3A_355] {strides = array<i32>} : memref<512xi32, #tpu.memory_space<vmem>>, vector<16xi32>,
    tpu.vector_store %arg12[%swap3A_355], %add3A_354 {strides = array<i32>} : memref<512xi32, #tpu.memory_space<vmem>>, vector<16xi32>,
    %shift_right_arithmetic3A_357 = arith.constant 7 : i32
    %shift_right_arithmetic3A_358 = vector.broadcast %shift_right_arithmetic3A_357 : i32 to vector<16xi32>
    %shift_right_arithmetic3A_359 = arith.shrsi %get3A_344, %shift_right_arithmetic3A_358 : vector<16xi32>
    %mul3A_360 = arith.constant 1024 : i32
    %mul3A_361 = vector.broadcast %mul3A_360 : i32 to vector<16xi32>
    %mul3A_362 = arith.muli %shift_right_arithmetic3A_359, %mul3A_361 : vector<16xi32>
    %and3A_363 = arith.constant 127 : i32
    %and3A_364 = vector.broadcast %and3A_363 : i32 to vector<16xi32>
    %and3A_365 = arith.andi %get3A_344, %and3A_364 : vector<16xi32>
    %add3A_366 = arith.addi %mul3A_362, %and3A_365 : vector<16xi32>
    %swap3A_367 = arith.constant 192 : index
    %swap3A_368 = tpu.vector_load %arg13[%swap3A_367] {strides = array<i32>} : memref<512xi32, #tpu.memory_space<vmem>>, vector<16xi32>,
    tpu.vector_store %arg13[%swap3A_367], %add3A_366 {strides = array<i32>} : memref<512xi32, #tpu.memory_space<vmem>>, vector<16xi32>,
    %get3A_369 = arith.constant 208 : index
    %get3A_370 = tpu.vector_load %arg10[%get3A_369] {strides = array<i32>} : memref<512xi32, #tpu.memory_space<vmem>>, vector<16xi32>,
    %get3A_371 = arith.constant 208 : index
    %get3A_372 = tpu.vector_load %arg11[%get3A_371] {strides = array<i32>} : memref<512xi32, #tpu.memory_space<vmem>>, vector<16xi32>,
    %shift_right_arithmetic3A_373 = arith.constant 7 : i32
    %shift_right_arithmetic3A_374 = vector.broadcast %shift_right_arithmetic3A_373 : i32 to vector<16xi32>
    %shift_right_arithmetic3A_375 = arith.shrsi %get3A_370, %shift_right_arithmetic3A_374 : vector<16xi32>
    %mul3A_376 = arith.constant 1024 : i32
    %mul3A_377 = vector.broadcast %mul3A_376 : i32 to vector<16xi32>
    %mul3A_378 = arith.muli %shift_right_arithmetic3A_375, %mul3A_377 : vector<16xi32>
    %and3A_379 = arith.constant 127 : i32
    %and3A_380 = vector.broadcast %and3A_379 : i32 to vector<16xi32>
    %and3A_381 = arith.andi %get3A_370, %and3A_380 : vector<16xi32>
    %add3A_382 = arith.addi %mul3A_378, %and3A_381 : vector<16xi32>
    %swap3A_383 = arith.constant 208 : index
    %swap3A_384 = tpu.vector_load %arg12[%swap3A_383] {strides = array<i32>} : memref<512xi32, #tpu.memory_space<vmem>>, vector<16xi32>,
    tpu.vector_store %arg12[%swap3A_383], %add3A_382 {strides = array<i32>} : memref<512xi32, #tpu.memory_space<vmem>>, vector<16xi32>,
    %shift_right_arithmetic3A_385 = arith.constant 7 : i32
    %shift_right_arithmetic3A_386 = vector.broadcast %shift_right_arithmetic3A_385 : i32 to vector<16xi32>
    %shift_right_arithmetic3A_387 = arith.shrsi %get3A_372, %shift_right_arithmetic3A_386 : vector<16xi32>
    %mul3A_388 = arith.constant 1024 : i32
    %mul3A_389 = vector.broadcast %mul3A_388 : i32 to vector<16xi32>
    %mul3A_390 = arith.muli %shift_right_arithmetic3A_387, %mul3A_389 : vector<16xi32>
    %and3A_391 = arith.constant 127 : i32
    %and3A_392 = vector.broadcast %and3A_391 : i32 to vector<16xi32>
    %and3A_393 = arith.andi %get3A_372, %and3A_392 : vector<16xi32>
    %add3A_394 = arith.addi %mul3A_390, %and3A_393 : vector<16xi32>
    %swap3A_395 = arith.constant 208 : index
    %swap3A_396 = tpu.vector_load %arg13[%swap3A_395] {strides = array<i32>} : memref<512xi32, #tpu.memory_space<vmem>>, vector<16xi32>,
    tpu.vector_store %arg13[%swap3A_395], %add3A_394 {strides = array<i32>} : memref<512xi32, #tpu.memory_space<vmem>>, vector<16xi32>,
    %get3A_397 = arith.constant 224 : index
    %get3A_398 = tpu.vector_load %arg10[%get3A_397] {strides = array<i32>} : memref<512xi32, #tpu.memory_space<vmem>>, vector<16xi32>,
    %get3A_399 = arith.constant 224 : index
    %get3A_400 = tpu.vector_load %arg11[%get3A_399] {strides = array<i32>} : memref<512xi32, #tpu.memory_space<vmem>>, vector<16xi32>,
    %shift_right_arithmetic3A_401 = arith.constant 7 : i32
    %shift_right_arithmetic3A_402 = vector.broadcast %shift_right_arithmetic3A_401 : i32 to vector<16xi32>
    %shift_right_arithmetic3A_403 = arith.shrsi %get3A_398, %shift_right_arithmetic3A_402 : vector<16xi32>
    %mul3A_404 = arith.constant 1024 : i32
    %mul3A_405 = vector.broadcast %mul3A_404 : i32 to vector<16xi32>
    %mul3A_406 = arith.muli %shift_right_arithmetic3A_403, %mul3A_405 : vector<16xi32>
    %and3A_407 = arith.constant 127 : i32
    %and3A_408 = vector.broadcast %and3A_407 : i32 to vector<16xi32>
    %and3A_409 = arith.andi %get3A_398, %and3A_408 : vector<16xi32>
    %add3A_410 = arith.addi %mul3A_406, %and3A_409 : vector<16xi32>
    %swap3A_411 = arith.constant 224 : index
    %swap3A_412 = tpu.vector_load %arg12[%swap3A_411] {strides = array<i32>} : memref<512xi32, #tpu.memory_space<vmem>>, vector<16xi32>,
    tpu.vector_store %arg12[%swap3A_411], %add3A_410 {strides = array<i32>} : memref<512xi32, #tpu.memory_space<vmem>>, vector<16xi32>,
    %shift_right_arithmetic3A_413 = arith.constant 7 : i32
    %shift_right_arithmetic3A_414 = vector.broadcast %shift_right_arithmetic3A_413 : i32 to vector<16xi32>
    %shift_right_arithmetic3A_415 = arith.shrsi %get3A_400, %shift_right_arithmetic3A_414 : vector<16xi32>
    %mul3A_416 = arith.constant 1024 : i32
    %mul3A_417 = vector.broadcast %mul3A_416 : i32 to vector<16xi32>
    %mul3A_418 = arith.muli %shift_right_arithmetic3A_415, %mul3A_417 : vector<16xi32>
    %and3A_419 = arith.constant 127 : i32
    %and3A_420 = vector.broadcast %and3A_419 : i32 to vector<16xi32>
    %and3A_421 = arith.andi %get3A_400, %and3A_420 : vector<16xi32>
    %add3A_422 = arith.addi %mul3A_418, %and3A_421 : vector<16xi32>
    %swap3A_423 = arith.constant 224 : index
    %swap3A_424 = tpu.vector_load %arg13[%swap3A_423] {strides = array<i32>} : memref<512xi32, #tpu.memory_space<vmem>>, vector<16xi32>,
    tpu.vector_store %arg13[%swap3A_423], %add3A_422 {strides = array<i32>} : memref<512xi32, #tpu.memory_space<vmem>>, vector<16xi32>,
    %get3A_425 = arith.constant 240 : index
    %get3A_426 = tpu.vector_load %arg10[%get3A_425] {strides = array<i32>} : memref<512xi32, #tpu.memory_space<vmem>>, vector<16xi32>,
    %get3A_427 = arith.constant 240 : index
    %get3A_428 = tpu.vector_load %arg11[%get3A_427] {strides = array<i32>} : memref<512xi32, #tpu.memory_space<vmem>>, vector<16xi32>,
    %shift_right_arithmetic3A_429 = arith.constant 7 : i32
    %shift_right_arithmetic3A_430 = vector.broadcast %shift_right_arithmetic3A_429 : i32 to vector<16xi32>
    %shift_right_arithmetic3A_431 = arith.shrsi %get3A_426, %shift_right_arithmetic3A_430 : vector<16xi32>
    %mul3A_432 = arith.constant 1024 : i32
    %mul3A_433 = vector.broadcast %mul3A_432 : i32 to vector<16xi32>
    %mul3A_434 = arith.muli %shift_right_arithmetic3A_431, %mul3A_433 : vector<16xi32>
    %and3A_435 = arith.constant 127 : i32
    %and3A_436 = vector.broadcast %and3A_435 : i32 to vector<16xi32>
    %and3A_437 = arith.andi %get3A_426, %and3A_436 : vector<16xi32>
    %add3A_438 = arith.addi %mul3A_434, %and3A_437 : vector<16xi32>
    %swap3A_439 = arith.constant 240 : index
    %swap3A_440 = tpu.vector_load %arg12[%swap3A_439] {strides = array<i32>} : memref<512xi32, #tpu.memory_space<vmem>>, vector<16xi32>,
    tpu.vector_store %arg12[%swap3A_439], %add3A_438 {strides = array<i32>} : memref<512xi32, #tpu.memory_space<vmem>>, vector<16xi32>,
    %shift_right_arithmetic3A_441 = arith.constant 7 : i32
    %shift_right_arithmetic3A_442 = vector.broadcast %shift_right_arithmetic3A_441 : i32 to vector<16xi32>
    %shift_right_arithmetic3A_443 = arith.shrsi %get3A_428, %shift_right_arithmetic3A_442 : vector<16xi32>
    %mul3A_444 = arith.constant 1024 : i32
    %mul3A_445 = vector.broadcast %mul3A_444 : i32 to vector<16xi32>
    %mul3A_446 = arith.muli %shift_right_arithmetic3A_443, %mul3A_445 : vector<16xi32>
    %and3A_447 = arith.constant 127 : i32
    %and3A_448 = vector.broadcast %and3A_447 : i32 to vector<16xi32>
    %and3A_449 = arith.andi %get3A_428, %and3A_448 : vector<16xi32>
    %add3A_450 = arith.addi %mul3A_446, %and3A_449 : vector<16xi32>
    %swap3A_451 = arith.constant 240 : index
    %swap3A_452 = tpu.vector_load %arg13[%swap3A_451] {strides = array<i32>} : memref<512xi32, #tpu.memory_space<vmem>>, vector<16xi32>,
    tpu.vector_store %arg13[%swap3A_451], %add3A_450 {strides = array<i32>} : memref<512xi32, #tpu.memory_space<vmem>>, vector<16xi32>,
    %get3A_453 = arith.constant 256 : index
    %get3A_454 = tpu.vector_load %arg10[%get3A_453] {strides = array<i32>} : memref<512xi32, #tpu.memory_space<vmem>>, vector<16xi32>,
    %get3A_455 = arith.constant 256 : index
    %get3A_456 = tpu.vector_load %arg11[%get3A_455] {strides = array<i32>} : memref<512xi32, #tpu.memory_space<vmem>>, vector<16xi32>,
    %shift_right_arithmetic3A_457 = arith.constant 7 : i32
    %shift_right_arithmetic3A_458 = vector.broadcast %shift_right_arithmetic3A_457 : i32 to vector<16xi32>
    %shift_right_arithmetic3A_459 = arith.shrsi %get3A_454, %shift_right_arithmetic3A_458 : vector<16xi32>
    %mul3A_460 = arith.constant 1024 : i32
    %mul3A_461 = vector.broadcast %mul3A_460 : i32 to vector<16xi32>
    %mul3A_462 = arith.muli %shift_right_arithmetic3A_459, %mul3A_461 : vector<16xi32>
    %and3A_463 = arith.constant 127 : i32
    %and3A_464 = vector.broadcast %and3A_463 : i32 to vector<16xi32>
    %and3A_465 = arith.andi %get3A_454, %and3A_464 : vector<16xi32>
    %add3A_466 = arith.addi %mul3A_462, %and3A_465 : vector<16xi32>
    %swap3A_467 = arith.constant 256 : index
    %swap3A_468 = tpu.vector_load %arg12[%swap3A_467] {strides = array<i32>} : memref<512xi32, #tpu.memory_space<vmem>>, vector<16xi32>,
    tpu.vector_store %arg12[%swap3A_467], %add3A_466 {strides = array<i32>} : memref<512xi32, #tpu.memory_space<vmem>>, vector<16xi32>,
    %shift_right_arithmetic3A_469 = arith.constant 7 : i32
    %shift_right_arithmetic3A_470 = vector.broadcast %shift_right_arithmetic3A_469 : i32 to vector<16xi32>
    %shift_right_arithmetic3A_471 = arith.shrsi %get3A_456, %shift_right_arithmetic3A_470 : vector<16xi32>
    %mul3A_472 = arith.constant 1024 : i32
    %mul3A_473 = vector.broadcast %mul3A_472 : i32 to vector<16xi32>
    %mul3A_474 = arith.muli %shift_right_arithmetic3A_471, %mul3A_473 : vector<16xi32>
    %and3A_475 = arith.constant 127 : i32
    %and3A_476 = vector.broadcast %and3A_475 : i32 to vector<16xi32>
    %and3A_477 = arith.andi %get3A_456, %and3A_476 : vector<16xi32>
    %add3A_478 = arith.addi %mul3A_474, %and3A_477 : vector<16xi32>
    %swap3A_479 = arith.constant 256 : index
    %swap3A_480 = tpu.vector_load %arg13[%swap3A_479] {strides = array<i32>} : memref<512xi32, #tpu.memory_space<vmem>>, vector<16xi32>,
    tpu.vector_store %arg13[%swap3A_479], %add3A_478 {strides = array<i32>} : memref<512xi32, #tpu.memory_space<vmem>>, vector<16xi32>,
    %get3A_481 = arith.constant 272 : index
    %get3A_482 = tpu.vector_load %arg10[%get3A_481] {strides = array<i32>} : memref<512xi32, #tpu.memory_space<vmem>>, vector<16xi32>,
    %get3A_483 = arith.constant 272 : index
    %get3A_484 = tpu.vector_load %arg11[%get3A_483] {strides = array<i32>} : memref<512xi32, #tpu.memory_space<vmem>>, vector<16xi32>,
    %shift_right_arithmetic3A_485 = arith.constant 7 : i32
    %shift_right_arithmetic3A_486 = vector.broadcast %shift_right_arithmetic3A_485 : i32 to vector<16xi32>
    %shift_right_arithmetic3A_487 = arith.shrsi %get3A_482, %shift_right_arithmetic3A_486 : vector<16xi32>
    %mul3A_488 = arith.constant 1024 : i32
    %mul3A_489 = vector.broadcast %mul3A_488 : i32 to vector<16xi32>
    %mul3A_490 = arith.muli %shift_right_arithmetic3A_487, %mul3A_489 : vector<16xi32>
    %and3A_491 = arith.constant 127 : i32
    %and3A_492 = vector.broadcast %and3A_491 : i32 to vector<16xi32>
    %and3A_493 = arith.andi %get3A_482, %and3A_492 : vector<16xi32>
    %add3A_494 = arith.addi %mul3A_490, %and3A_493 : vector<16xi32>
    %swap3A_495 = arith.constant 272 : index
    %swap3A_496 = tpu.vector_load %arg12[%swap3A_495] {strides = array<i32>} : memref<512xi32, #tpu.memory_space<vmem>>, vector<16xi32>,
    tpu.vector_store %arg12[%swap3A_495], %add3A_494 {strides = array<i32>} : memref<512xi32, #tpu.memory_space<vmem>>, vector<16xi32>,
    %shift_right_arithmetic3A_497 = arith.constant 7 : i32
    %shift_right_arithmetic3A_498 = vector.broadcast %shift_right_arithmetic3A_497 : i32 to vector<16xi32>
    %shift_right_arithmetic3A_499 = arith.shrsi %get3A_484, %shift_right_arithmetic3A_498 : vector<16xi32>
    %mul3A_500 = arith.constant 1024 : i32
    %mul3A_501 = vector.broadcast %mul3A_500 : i32 to vector<16xi32>
    %mul3A_502 = arith.muli %shift_right_arithmetic3A_499, %mul3A_501 : vector<16xi32>
    %and3A_503 = arith.constant 127 : i32
    %and3A_504 = vector.broadcast %and3A_503 : i32 to vector<16xi32>
    %and3A_505 = arith.andi %get3A_484, %and3A_504 : vector<16xi32>
    %add3A_506 = arith.addi %mul3A_502, %and3A_505 : vector<16xi32>
    %swap3A_507 = arith.constant 272 : index
    %swap3A_508 = tpu.vector_load %arg13[%swap3A_507] {strides = array<i32>} : memref<512xi32, #tpu.memory_space<vmem>>, vector<16xi32>,
    tpu.vector_store %arg13[%swap3A_507], %add3A_506 {strides = array<i32>} : memref<512xi32, #tpu.memory_space<vmem>>, vector<16xi32>,
    %get3A_509 = arith.constant 288 : index
    %get3A_510 = tpu.vector_load %arg10[%get3A_509] {strides = array<i32>} : memref<512xi32, #tpu.memory_space<vmem>>, vector<16xi32>,
    %get3A_511 = arith.constant 288 : index
    %get3A_512 = tpu.vector_load %arg11[%get3A_511] {strides = array<i32>} : memref<512xi32, #tpu.memory_space<vmem>>, vector<16xi32>,
    %shift_right_arithmetic3A_513 = arith.constant 7 : i32
    %shift_right_arithmetic3A_514 = vector.broadcast %shift_right_arithmetic3A_513 : i32 to vector<16xi32>
    %shift_right_arithmetic3A_515 = arith.shrsi %get3A_510, %shift_right_arithmetic3A_514 : vector<16xi32>
    %mul3A_516 = arith.constant 1024 : i32
    %mul3A_517 = vector.broadcast %mul3A_516 : i32 to vector<16xi32>
    %mul3A_518 = arith.muli %shift_right_arithmetic3A_515, %mul3A_517 : vector<16xi32>
    %and3A_519 = arith.constant 127 : i32
    %and3A_520 = vector.broadcast %and3A_519 : i32 to vector<16xi32>
    %and3A_521 = arith.andi %get3A_510, %and3A_520 : vector<16xi32>
    %add3A_522 = arith.addi %mul3A_518, %and3A_521 : vector<16xi32>
    %swap3A_523 = arith.constant 288 : index
    %swap3A_524 = tpu.vector_load %arg12[%swap3A_523] {strides = array<i32>} : memref<512xi32, #tpu.memory_space<vmem>>, vector<16xi32>,
    tpu.vector_store %arg12[%swap3A_523], %add3A_522 {strides = array<i32>} : memref<512xi32, #tpu.memory_space<vmem>>, vector<16xi32>,
    %shift_right_arithmetic3A_525 = arith.constant 7 : i32
    %shift_right_arithmetic3A_526 = vector.broadcast %shift_right_arithmetic3A_525 : i32 to vector<16xi32>
    %shift_right_arithmetic3A_527 = arith.shrsi %get3A_512, %shift_right_arithmetic3A_526 : vector<16xi32>
    %mul3A_528 = arith.constant 1024 : i32
    %mul3A_529 = vector.broadcast %mul3A_528 : i32 to vector<16xi32>
    %mul3A_530 = arith.muli %shift_right_arithmetic3A_527, %mul3A_529 : vector<16xi32>
    %and3A_531 = arith.constant 127 : i32
    %and3A_532 = vector.broadcast %and3A_531 : i32 to vector<16xi32>
    %and3A_533 = arith.andi %get3A_512, %and3A_532 : vector<16xi32>
    %add3A_534 = arith.addi %mul3A_530, %and3A_533 : vector<16xi32>
    %swap3A_535 = arith.constant 288 : index
    %swap3A_536 = tpu.vector_load %arg13[%swap3A_535] {strides = array<i32>} : memref<512xi32, #tpu.memory_space<vmem>>, vector<16xi32>,
    tpu.vector_store %arg13[%swap3A_535], %add3A_534 {strides = array<i32>} : memref<512xi32, #tpu.memory_space<vmem>>, vector<16xi32>,
    %get3A_537 = arith.constant 304 : index
    %get3A_538 = tpu.vector_load %arg10[%get3A_537] {strides = array<i32>} : memref<512xi32, #tpu.memory_space<vmem>>, vector<16xi32>,
    %get3A_539 = arith.constant 304 : index
    %get3A_540 = tpu.vector_load %arg11[%get3A_539] {strides = array<i32>} : memref<512xi32, #tpu.memory_space<vmem>>, vector<16xi32>,
    %shift_right_arithmetic3A_541 = arith.constant 7 : i32
    %shift_right_arithmetic3A_542 = vector.broadcast %shift_right_arithmetic3A_541 : i32 to vector<16xi32>
    %shift_right_arithmetic3A_543 = arith.shrsi %get3A_538, %shift_right_arithmetic3A_542 : vector<16xi32>
    %mul3A_544 = arith.constant 1024 : i32
    %mul3A_545 = vector.broadcast %mul3A_544 : i32 to vector<16xi32>
    %mul3A_546 = arith.muli %shift_right_arithmetic3A_543, %mul3A_545 : vector<16xi32>
    %and3A_547 = arith.constant 127 : i32
    %and3A_548 = vector.broadcast %and3A_547 : i32 to vector<16xi32>
    %and3A_549 = arith.andi %get3A_538, %and3A_548 : vector<16xi32>
    %add3A_550 = arith.addi %mul3A_546, %and3A_549 : vector<16xi32>
    %swap3A_551 = arith.constant 304 : index
    %swap3A_552 = tpu.vector_load %arg12[%swap3A_551] {strides = array<i32>} : memref<512xi32, #tpu.memory_space<vmem>>, vector<16xi32>,
    tpu.vector_store %arg12[%swap3A_551], %add3A_550 {strides = array<i32>} : memref<512xi32, #tpu.memory_space<vmem>>, vector<16xi32>,
    %shift_right_arithmetic3A_553 = arith.constant 7 : i32
    %shift_right_arithmetic3A_554 = vector.broadcast %shift_right_arithmetic3A_553 : i32 to vector<16xi32>
    %shift_right_arithmetic3A_555 = arith.shrsi %get3A_540, %shift_right_arithmetic3A_554 : vector<16xi32>
    %mul3A_556 = arith.constant 1024 : i32
    %mul3A_557 = vector.broadcast %mul3A_556 : i32 to vector<16xi32>
    %mul3A_558 = arith.muli %shift_right_arithmetic3A_555, %mul3A_557 : vector<16xi32>
    %and3A_559 = arith.constant 127 : i32
    %and3A_560 = vector.broadcast %and3A_559 : i32 to vector<16xi32>
    %and3A_561 = arith.andi %get3A_540, %and3A_560 : vector<16xi32>
    %add3A_562 = arith.addi %mul3A_558, %and3A_561 : vector<16xi32>
    %swap3A_563 = arith.constant 304 : index
    %swap3A_564 = tpu.vector_load %arg13[%swap3A_563] {strides = array<i32>} : memref<512xi32, #tpu.memory_space<vmem>>, vector<16xi32>,
    tpu.vector_store %arg13[%swap3A_563], %add3A_562 {strides = array<i32>} : memref<512xi32, #tpu.memory_space<vmem>>, vector<16xi32>,
    %get3A_565 = arith.constant 320 : index
    %get3A_566 = tpu.vector_load %arg10[%get3A_565] {strides = array<i32>} : memref<512xi32, #tpu.memory_space<vmem>>, vector<16xi32>,
    %get3A_567 = arith.constant 320 : index
    %get3A_568 = tpu.vector_load %arg11[%get3A_567] {strides = array<i32>} : memref<512xi32, #tpu.memory_space<vmem>>, vector<16xi32>,
    %shift_right_arithmetic3A_569 = arith.constant 7 : i32
    %shift_right_arithmetic3A_570 = vector.broadcast %shift_right_arithmetic3A_569 : i32 to vector<16xi32>
    %shift_right_arithmetic3A_571 = arith.shrsi %get3A_566, %shift_right_arithmetic3A_570 : vector<16xi32>
    %mul3A_572 = arith.constant 1024 : i32
    %mul3A_573 = vector.broadcast %mul3A_572 : i32 to vector<16xi32>
    %mul3A_574 = arith.muli %shift_right_arithmetic3A_571, %mul3A_573 : vector<16xi32>
    %and3A_575 = arith.constant 127 : i32
    %and3A_576 = vector.broadcast %and3A_575 : i32 to vector<16xi32>
    %and3A_577 = arith.andi %get3A_566, %and3A_576 : vector<16xi32>
    %add3A_578 = arith.addi %mul3A_574, %and3A_577 : vector<16xi32>
    %swap3A_579 = arith.constant 320 : index
    %swap3A_580 = tpu.vector_load %arg12[%swap3A_579] {strides = array<i32>} : memref<512xi32, #tpu.memory_space<vmem>>, vector<16xi32>,
    tpu.vector_store %arg12[%swap3A_579], %add3A_578 {strides = array<i32>} : memref<512xi32, #tpu.memory_space<vmem>>, vector<16xi32>,
    %shift_right_arithmetic3A_581 = arith.constant 7 : i32
    %shift_right_arithmetic3A_582 = vector.broadcast %shift_right_arithmetic3A_581 : i32 to vector<16xi32>
    %shift_right_arithmetic3A_583 = arith.shrsi %get3A_568, %shift_right_arithmetic3A_582 : vector<16xi32>
    %mul3A_584 = arith.constant 1024 : i32
    %mul3A_585 = vector.broadcast %mul3A_584 : i32 to vector<16xi32>
    %mul3A_586 = arith.muli %shift_right_arithmetic3A_583, %mul3A_585 : vector<16xi32>
    %and3A_587 = arith.constant 127 : i32
    %and3A_588 = vector.broadcast %and3A_587 : i32 to vector<16xi32>
    %and3A_589 = arith.andi %get3A_568, %and3A_588 : vector<16xi32>
    %add3A_590 = arith.addi %mul3A_586, %and3A_589 : vector<16xi32>
    %swap3A_591 = arith.constant 320 : index
    %swap3A_592 = tpu.vector_load %arg13[%swap3A_591] {strides = array<i32>} : memref<512xi32, #tpu.memory_space<vmem>>, vector<16xi32>,
    tpu.vector_store %arg13[%swap3A_591], %add3A_590 {strides = array<i32>} : memref<512xi32, #tpu.memory_space<vmem>>, vector<16xi32>,
    %get3A_593 = arith.constant 336 : index
    %get3A_594 = tpu.vector_load %arg10[%get3A_593] {strides = array<i32>} : memref<512xi32, #tpu.memory_space<vmem>>, vector<16xi32>,
    %get3A_595 = arith.constant 336 : index
    %get3A_596 = tpu.vector_load %arg11[%get3A_595] {strides = array<i32>} : memref<512xi32, #tpu.memory_space<vmem>>, vector<16xi32>,
    %shift_right_arithmetic3A_597 = arith.constant 7 : i32
    %shift_right_arithmetic3A_598 = vector.broadcast %shift_right_arithmetic3A_597 : i32 to vector<16xi32>
    %shift_right_arithmetic3A_599 = arith.shrsi %get3A_594, %shift_right_arithmetic3A_598 : vector<16xi32>
    %mul3A_600 = arith.constant 1024 : i32
    %mul3A_601 = vector.broadcast %mul3A_600 : i32 to vector<16xi32>
    %mul3A_602 = arith.muli %shift_right_arithmetic3A_599, %mul3A_601 : vector<16xi32>
    %and3A_603 = arith.constant 127 : i32
    %and3A_604 = vector.broadcast %and3A_603 : i32 to vector<16xi32>
    %and3A_605 = arith.andi %get3A_594, %and3A_604 : vector<16xi32>
    %add3A_606 = arith.addi %mul3A_602, %and3A_605 : vector<16xi32>
    %swap3A_607 = arith.constant 336 : index
    %swap3A_608 = tpu.vector_load %arg12[%swap3A_607] {strides = array<i32>} : memref<512xi32, #tpu.memory_space<vmem>>, vector<16xi32>,
    tpu.vector_store %arg12[%swap3A_607], %add3A_606 {strides = array<i32>} : memref<512xi32, #tpu.memory_space<vmem>>, vector<16xi32>,
    %shift_right_arithmetic3A_609 = arith.constant 7 : i32
    %shift_right_arithmetic3A_610 = vector.broadcast %shift_right_arithmetic3A_609 : i32 to vector<16xi32>
    %shift_right_arithmetic3A_611 = arith.shrsi %get3A_596, %shift_right_arithmetic3A_610 : vector<16xi32>
    %mul3A_612 = arith.constant 1024 : i32
    %mul3A_613 = vector.broadcast %mul3A_612 : i32 to vector<16xi32>
    %mul3A_614 = arith.muli %shift_right_arithmetic3A_611, %mul3A_613 : vector<16xi32>
    %and3A_615 = arith.constant 127 : i32
    %and3A_616 = vector.broadcast %and3A_615 : i32 to vector<16xi32>
    %and3A_617 = arith.andi %get3A_596, %and3A_616 : vector<16xi32>
    %add3A_618 = arith.addi %mul3A_614, %and3A_617 : vector<16xi32>
    %swap3A_619 = arith.constant 336 : index
    %swap3A_620 = tpu.vector_load %arg13[%swap3A_619] {strides = array<i32>} : memref<512xi32, #tpu.memory_space<vmem>>, vector<16xi32>,
    tpu.vector_store %arg13[%swap3A_619], %add3A_618 {strides = array<i32>} : memref<512xi32, #tpu.memory_space<vmem>>, vector<16xi32>,
    %get3A_621 = arith.constant 352 : index
    %get3A_622 = tpu.vector_load %arg10[%get3A_621] {strides = array<i32>} : memref<512xi32, #tpu.memory_space<vmem>>, vector<16xi32>,
    %get3A_623 = arith.constant 352 : index
    %get3A_624 = tpu.vector_load %arg11[%get3A_623] {strides = array<i32>} : memref<512xi32, #tpu.memory_space<vmem>>, vector<16xi32>,
    %shift_right_arithmetic3A_625 = arith.constant 7 : i32
    %shift_right_arithmetic3A_626 = vector.broadcast %shift_right_arithmetic3A_625 : i32 to vector<16xi32>
    %shift_right_arithmetic3A_627 = arith.shrsi %get3A_622, %shift_right_arithmetic3A_626 : vector<16xi32>
    %mul3A_628 = arith.constant 1024 : i32
    %mul3A_629 = vector.broadcast %mul3A_628 : i32 to vector<16xi32>
    %mul3A_630 = arith.muli %shift_right_arithmetic3A_627, %mul3A_629 : vector<16xi32>
    %and3A_631 = arith.constant 127 : i32
    %and3A_632 = vector.broadcast %and3A_631 : i32 to vector<16xi32>
    %and3A_633 = arith.andi %get3A_622, %and3A_632 : vector<16xi32>
    %add3A_634 = arith.addi %mul3A_630, %and3A_633 : vector<16xi32>
    %swap3A_635 = arith.constant 352 : index
    %swap3A_636 = tpu.vector_load %arg12[%swap3A_635] {strides = array<i32>} : memref<512xi32, #tpu.memory_space<vmem>>, vector<16xi32>,
    tpu.vector_store %arg12[%swap3A_635], %add3A_634 {strides = array<i32>} : memref<512xi32, #tpu.memory_space<vmem>>, vector<16xi32>,
    %shift_right_arithmetic3A_637 = arith.constant 7 : i32
    %shift_right_arithmetic3A_638 = vector.broadcast %shift_right_arithmetic3A_637 : i32 to vector<16xi32>
    %shift_right_arithmetic3A_639 = arith.shrsi %get3A_624, %shift_right_arithmetic3A_638 : vector<16xi32>
    %mul3A_640 = arith.constant 1024 : i32
    %mul3A_641 = vector.broadcast %mul3A_640 : i32 to vector<16xi32>
    %mul3A_642 = arith.muli %shift_right_arithmetic3A_639, %mul3A_641 : vector<16xi32>
    %and3A_643 = arith.constant 127 : i32
    %and3A_644 = vector.broadcast %and3A_643 : i32 to vector<16xi32>
    %and3A_645 = arith.andi %get3A_624, %and3A_644 : vector<16xi32>
    %add3A_646 = arith.addi %mul3A_642, %and3A_645 : vector<16xi32>
    %swap3A_647 = arith.constant 352 : index
    %swap3A_648 = tpu.vector_load %arg13[%swap3A_647] {strides = array<i32>} : memref<512xi32, #tpu.memory_space<vmem>>, vector<16xi32>,
    tpu.vector_store %arg13[%swap3A_647], %add3A_646 {strides = array<i32>} : memref<512xi32, #tpu.memory_space<vmem>>, vector<16xi32>,
    %get3A_649 = arith.constant 368 : index
    %get3A_650 = tpu.vector_load %arg10[%get3A_649] {strides = array<i32>} : memref<512xi32, #tpu.memory_space<vmem>>, vector<16xi32>,
    %get3A_651 = arith.constant 368 : index
    %get3A_652 = tpu.vector_load %arg11[%get3A_651] {strides = array<i32>} : memref<512xi32, #tpu.memory_space<vmem>>, vector<16xi32>,
    %shift_right_arithmetic3A_653 = arith.constant 7 : i32
    %shift_right_arithmetic3A_654 = vector.broadcast %shift_right_arithmetic3A_653 : i32 to vector<16xi32>
    %shift_right_arithmetic3A_655 = arith.shrsi %get3A_650, %shift_right_arithmetic3A_654 : vector<16xi32>
    %mul3A_656 = arith.constant 1024 : i32
    %mul3A_657 = vector.broadcast %mul3A_656 : i32 to vector<16xi32>
    %mul3A_658 = arith.muli %shift_right_arithmetic3A_655, %mul3A_657 : vector<16xi32>
    %and3A_659 = arith.constant 127 : i32
    %and3A_660 = vector.broadcast %and3A_659 : i32 to vector<16xi32>
    %and3A_661 = arith.andi %get3A_650, %and3A_660 : vector<16xi32>
    %add3A_662 = arith.addi %mul3A_658, %and3A_661 : vector<16xi32>
    %swap3A_663 = arith.constant 368 : index
    %swap3A_664 = tpu.vector_load %arg12[%swap3A_663] {strides = array<i32>} : memref<512xi32, #tpu.memory_space<vmem>>, vector<16xi32>,
    tpu.vector_store %arg12[%swap3A_663], %add3A_662 {strides = array<i32>} : memref<512xi32, #tpu.memory_space<vmem>>, vector<16xi32>,
    %shift_right_arithmetic3A_665 = arith.constant 7 : i32
    %shift_right_arithmetic3A_666 = vector.broadcast %shift_right_arithmetic3A_665 : i32 to vector<16xi32>
    %shift_right_arithmetic3A_667 = arith.shrsi %get3A_652, %shift_right_arithmetic3A_666 : vector<16xi32>
    %mul3A_668 = arith.constant 1024 : i32
    %mul3A_669 = vector.broadcast %mul3A_668 : i32 to vector<16xi32>
    %mul3A_670 = arith.muli %shift_right_arithmetic3A_667, %mul3A_669 : vector<16xi32>
    %and3A_671 = arith.constant 127 : i32
    %and3A_672 = vector.broadcast %and3A_671 : i32 to vector<16xi32>
    %and3A_673 = arith.andi %get3A_652, %and3A_672 : vector<16xi32>
    %add3A_674 = arith.addi %mul3A_670, %and3A_673 : vector<16xi32>
    %swap3A_675 = arith.constant 368 : index
    %swap3A_676 = tpu.vector_load %arg13[%swap3A_675] {strides = array<i32>} : memref<512xi32, #tpu.memory_space<vmem>>, vector<16xi32>,
    tpu.vector_store %arg13[%swap3A_675], %add3A_674 {strides = array<i32>} : memref<512xi32, #tpu.memory_space<vmem>>, vector<16xi32>,
    %get3A_677 = arith.constant 384 : index
    %get3A_678 = tpu.vector_load %arg10[%get3A_677] {strides = array<i32>} : memref<512xi32, #tpu.memory_space<vmem>>, vector<16xi32>,
    %get3A_679 = arith.constant 384 : index
    %get3A_680 = tpu.vector_load %arg11[%get3A_679] {strides = array<i32>} : memref<512xi32, #tpu.memory_space<vmem>>, vector<16xi32>,
    %shift_right_arithmetic3A_681 = arith.constant 7 : i32
    %shift_right_arithmetic3A_682 = vector.broadcast %shift_right_arithmetic3A_681 : i32 to vector<16xi32>
    %shift_right_arithmetic3A_683 = arith.shrsi %get3A_678, %shift_right_arithmetic3A_682 : vector<16xi32>
    %mul3A_684 = arith.constant 1024 : i32
    %mul3A_685 = vector.broadcast %mul3A_684 : i32 to vector<16xi32>
    %mul3A_686 = arith.muli %shift_right_arithmetic3A_683, %mul3A_685 : vector<16xi32>
    %and3A_687 = arith.constant 127 : i32
    %and3A_688 = vector.broadcast %and3A_687 : i32 to vector<16xi32>
    %and3A_689 = arith.andi %get3A_678, %and3A_688 : vector<16xi32>
    %add3A_690 = arith.addi %mul3A_686, %and3A_689 : vector<16xi32>
    %swap3A_691 = arith.constant 384 : index
    %swap3A_692 = tpu.vector_load %arg12[%swap3A_691] {strides = array<i32>} : memref<512xi32, #tpu.memory_space<vmem>>, vector<16xi32>,
    tpu.vector_store %arg12[%swap3A_691], %add3A_690 {strides = array<i32>} : memref<512xi32, #tpu.memory_space<vmem>>, vector<16xi32>,
    %shift_right_arithmetic3A_693 = arith.constant 7 : i32
    %shift_right_arithmetic3A_694 = vector.broadcast %shift_right_arithmetic3A_693 : i32 to vector<16xi32>
    %shift_right_arithmetic3A_695 = arith.shrsi %get3A_680, %shift_right_arithmetic3A_694 : vector<16xi32>
    %mul3A_696 = arith.constant 1024 : i32
    %mul3A_697 = vector.broadcast %mul3A_696 : i32 to vector<16xi32>
    %mul3A_698 = arith.muli %shift_right_arithmetic3A_695, %mul3A_697 : vector<16xi32>
    %and3A_699 = arith.constant 127 : i32
    %and3A_700 = vector.broadcast %and3A_699 : i32 to vector<16xi32>
    %and3A_701 = arith.andi %get3A_680, %and3A_700 : vector<16xi32>
    %add3A_702 = arith.addi %mul3A_698, %and3A_701 : vector<16xi32>
    %swap3A_703 = arith.constant 384 : index
    %swap3A_704 = tpu.vector_load %arg13[%swap3A_703] {strides = array<i32>} : memref<512xi32, #tpu.memory_space<vmem>>, vector<16xi32>,
    tpu.vector_store %arg13[%swap3A_703], %add3A_702 {strides = array<i32>} : memref<512xi32, #tpu.memory_space<vmem>>, vector<16xi32>,
    %get3A_705 = arith.constant 400 : index
    %get3A_706 = tpu.vector_load %arg10[%get3A_705] {strides = array<i32>} : memref<512xi32, #tpu.memory_space<vmem>>, vector<16xi32>,
    %get3A_707 = arith.constant 400 : index
    %get3A_708 = tpu.vector_load %arg11[%get3A_707] {strides = array<i32>} : memref<512xi32, #tpu.memory_space<vmem>>, vector<16xi32>,
    %shift_right_arithmetic3A_709 = arith.constant 7 : i32
    %shift_right_arithmetic3A_710 = vector.broadcast %shift_right_arithmetic3A_709 : i32 to vector<16xi32>
    %shift_right_arithmetic3A_711 = arith.shrsi %get3A_706, %shift_right_arithmetic3A_710 : vector<16xi32>
    %mul3A_712 = arith.constant 1024 : i32
    %mul3A_713 = vector.broadcast %mul3A_712 : i32 to vector<16xi32>
    %mul3A_714 = arith.muli %shift_right_arithmetic3A_711, %mul3A_713 : vector<16xi32>
    %and3A_715 = arith.constant 127 : i32
    %and3A_716 = vector.broadcast %and3A_715 : i32 to vector<16xi32>
    %and3A_717 = arith.andi %get3A_706, %and3A_716 : vector<16xi32>
    %add3A_718 = arith.addi %mul3A_714, %and3A_717 : vector<16xi32>
    %swap3A_719 = arith.constant 400 : index
    %swap3A_720 = tpu.vector_load %arg12[%swap3A_719] {strides = array<i32>} : memref<512xi32, #tpu.memory_space<vmem>>, vector<16xi32>,
    tpu.vector_store %arg12[%swap3A_719], %add3A_718 {strides = array<i32>} : memref<512xi32, #tpu.memory_space<vmem>>, vector<16xi32>,
    %shift_right_arithmetic3A_721 = arith.constant 7 : i32
    %shift_right_arithmetic3A_722 = vector.broadcast %shift_right_arithmetic3A_721 : i32 to vector<16xi32>
    %shift_right_arithmetic3A_723 = arith.shrsi %get3A_708, %shift_right_arithmetic3A_722 : vector<16xi32>
    %mul3A_724 = arith.constant 1024 : i32
    %mul3A_725 = vector.broadcast %mul3A_724 : i32 to vector<16xi32>
    %mul3A_726 = arith.muli %shift_right_arithmetic3A_723, %mul3A_725 : vector<16xi32>
    %and3A_727 = arith.constant 127 : i32
    %and3A_728 = vector.broadcast %and3A_727 : i32 to vector<16xi32>
    %and3A_729 = arith.andi %get3A_708, %and3A_728 : vector<16xi32>
    %add3A_730 = arith.addi %mul3A_726, %and3A_729 : vector<16xi32>
    %swap3A_731 = arith.constant 400 : index
    %swap3A_732 = tpu.vector_load %arg13[%swap3A_731] {strides = array<i32>} : memref<512xi32, #tpu.memory_space<vmem>>, vector<16xi32>,
    tpu.vector_store %arg13[%swap3A_731], %add3A_730 {strides = array<i32>} : memref<512xi32, #tpu.memory_space<vmem>>, vector<16xi32>,
    %get3A_733 = arith.constant 416 : index
    %get3A_734 = tpu.vector_load %arg10[%get3A_733] {strides = array<i32>} : memref<512xi32, #tpu.memory_space<vmem>>, vector<16xi32>,
    %get3A_735 = arith.constant 416 : index
    %get3A_736 = tpu.vector_load %arg11[%get3A_735] {strides = array<i32>} : memref<512xi32, #tpu.memory_space<vmem>>, vector<16xi32>,
    %shift_right_arithmetic3A_737 = arith.constant 7 : i32
    %shift_right_arithmetic3A_738 = vector.broadcast %shift_right_arithmetic3A_737 : i32 to vector<16xi32>
    %shift_right_arithmetic3A_739 = arith.shrsi %get3A_734, %shift_right_arithmetic3A_738 : vector<16xi32>
    %mul3A_740 = arith.constant 1024 : i32
    %mul3A_741 = vector.broadcast %mul3A_740 : i32 to vector<16xi32>
    %mul3A_742 = arith.muli %shift_right_arithmetic3A_739, %mul3A_741 : vector<16xi32>
    %and3A_743 = arith.constant 127 : i32
    %and3A_744 = vector.broadcast %and3A_743 : i32 to vector<16xi32>
    %and3A_745 = arith.andi %get3A_734, %and3A_744 : vector<16xi32>
    %add3A_746 = arith.addi %mul3A_742, %and3A_745 : vector<16xi32>
    %swap3A_747 = arith.constant 416 : index
    %swap3A_748 = tpu.vector_load %arg12[%swap3A_747] {strides = array<i32>} : memref<512xi32, #tpu.memory_space<vmem>>, vector<16xi32>,
    tpu.vector_store %arg12[%swap3A_747], %add3A_746 {strides = array<i32>} : memref<512xi32, #tpu.memory_space<vmem>>, vector<16xi32>,
    %shift_right_arithmetic3A_749 = arith.constant 7 : i32
    %shift_right_arithmetic3A_750 = vector.broadcast %shift_right_arithmetic3A_749 : i32 to vector<16xi32>
    %shift_right_arithmetic3A_751 = arith.shrsi %get3A_736, %shift_right_arithmetic3A_750 : vector<16xi32>
    %mul3A_752 = arith.constant 1024 : i32
    %mul3A_753 = vector.broadcast %mul3A_752 : i32 to vector<16xi32>
    %mul3A_754 = arith.muli %shift_right_arithmetic3A_751, %mul3A_753 : vector<16xi32>
    %and3A_755 = arith.constant 127 : i32
    %and3A_756 = vector.broadcast %and3A_755 : i32 to vector<16xi32>
    %and3A_757 = arith.andi %get3A_736, %and3A_756 : vector<16xi32>
    %add3A_758 = arith.addi %mul3A_754, %and3A_757 : vector<16xi32>
    %swap3A_759 = arith.constant 416 : index
    %swap3A_760 = tpu.vector_load %arg13[%swap3A_759] {strides = array<i32>} : memref<512xi32, #tpu.memory_space<vmem>>, vector<16xi32>,
    tpu.vector_store %arg13[%swap3A_759], %add3A_758 {strides = array<i32>} : memref<512xi32, #tpu.memory_space<vmem>>, vector<16xi32>,
    %get3A_761 = arith.constant 432 : index
    %get3A_762 = tpu.vector_load %arg10[%get3A_761] {strides = array<i32>} : memref<512xi32, #tpu.memory_space<vmem>>, vector<16xi32>,
    %get3A_763 = arith.constant 432 : index
    %get3A_764 = tpu.vector_load %arg11[%get3A_763] {strides = array<i32>} : memref<512xi32, #tpu.memory_space<vmem>>, vector<16xi32>,
    %shift_right_arithmetic3A_765 = arith.constant 7 : i32
    %shift_right_arithmetic3A_766 = vector.broadcast %shift_right_arithmetic3A_765 : i32 to vector<16xi32>
    %shift_right_arithmetic3A_767 = arith.shrsi %get3A_762, %shift_right_arithmetic3A_766 : vector<16xi32>
    %mul3A_768 = arith.constant 1024 : i32
    %mul3A_769 = vector.broadcast %mul3A_768 : i32 to vector<16xi32>
    %mul3A_770 = arith.muli %shift_right_arithmetic3A_767, %mul3A_769 : vector<16xi32>
    %and3A_771 = arith.constant 127 : i32
    %and3A_772 = vector.broadcast %and3A_771 : i32 to vector<16xi32>
    %and3A_773 = arith.andi %get3A_762, %and3A_772 : vector<16xi32>
    %add3A_774 = arith.addi %mul3A_770, %and3A_773 : vector<16xi32>
    %swap3A_775 = arith.constant 432 : index
    %swap3A_776 = tpu.vector_load %arg12[%swap3A_775] {strides = array<i32>} : memref<512xi32, #tpu.memory_space<vmem>>, vector<16xi32>,
    tpu.vector_store %arg12[%swap3A_775], %add3A_774 {strides = array<i32>} : memref<512xi32, #tpu.memory_space<vmem>>, vector<16xi32>,
    %shift_right_arithmetic3A_777 = arith.constant 7 : i32
    %shift_right_arithmetic3A_778 = vector.broadcast %shift_right_arithmetic3A_777 : i32 to vector<16xi32>
    %shift_right_arithmetic3A_779 = arith.shrsi %get3A_764, %shift_right_arithmetic3A_778 : vector<16xi32>
    %mul3A_780 = arith.constant 1024 : i32
    %mul3A_781 = vector.broadcast %mul3A_780 : i32 to vector<16xi32>
    %mul3A_782 = arith.muli %shift_right_arithmetic3A_779, %mul3A_781 : vector<16xi32>
    %and3A_783 = arith.constant 127 : i32
    %and3A_784 = vector.broadcast %and3A_783 : i32 to vector<16xi32>
    %and3A_785 = arith.andi %get3A_764, %and3A_784 : vector<16xi32>
    %add3A_786 = arith.addi %mul3A_782, %and3A_785 : vector<16xi32>
    %swap3A_787 = arith.constant 432 : index
    %swap3A_788 = tpu.vector_load %arg13[%swap3A_787] {strides = array<i32>} : memref<512xi32, #tpu.memory_space<vmem>>, vector<16xi32>,
    tpu.vector_store %arg13[%swap3A_787], %add3A_786 {strides = array<i32>} : memref<512xi32, #tpu.memory_space<vmem>>, vector<16xi32>,
    %get3A_789 = arith.constant 448 : index
    %get3A_790 = tpu.vector_load %arg10[%get3A_789] {strides = array<i32>} : memref<512xi32, #tpu.memory_space<vmem>>, vector<16xi32>,
    %get3A_791 = arith.constant 448 : index
    %get3A_792 = tpu.vector_load %arg11[%get3A_791] {strides = array<i32>} : memref<512xi32, #tpu.memory_space<vmem>>, vector<16xi32>,
    %shift_right_arithmetic3A_793 = arith.constant 7 : i32
    %shift_right_arithmetic3A_794 = vector.broadcast %shift_right_arithmetic3A_793 : i32 to vector<16xi32>
    %shift_right_arithmetic3A_795 = arith.shrsi %get3A_790, %shift_right_arithmetic3A_794 : vector<16xi32>
    %mul3A_796 = arith.constant 1024 : i32
    %mul3A_797 = vector.broadcast %mul3A_796 : i32 to vector<16xi32>
    %mul3A_798 = arith.muli %shift_right_arithmetic3A_795, %mul3A_797 : vector<16xi32>
    %and3A_799 = arith.constant 127 : i32
    %and3A_800 = vector.broadcast %and3A_799 : i32 to vector<16xi32>
    %and3A_801 = arith.andi %get3A_790, %and3A_800 : vector<16xi32>
    %add3A_802 = arith.addi %mul3A_798, %and3A_801 : vector<16xi32>
    %swap3A_803 = arith.constant 448 : index
    %swap3A_804 = tpu.vector_load %arg12[%swap3A_803] {strides = array<i32>} : memref<512xi32, #tpu.memory_space<vmem>>, vector<16xi32>,
    tpu.vector_store %arg12[%swap3A_803], %add3A_802 {strides = array<i32>} : memref<512xi32, #tpu.memory_space<vmem>>, vector<16xi32>,
    %shift_right_arithmetic3A_805 = arith.constant 7 : i32
    %shift_right_arithmetic3A_806 = vector.broadcast %shift_right_arithmetic3A_805 : i32 to vector<16xi32>
    %shift_right_arithmetic3A_807 = arith.shrsi %get3A_792, %shift_right_arithmetic3A_806 : vector<16xi32>
    %mul3A_808 = arith.constant 1024 : i32
    %mul3A_809 = vector.broadcast %mul3A_808 : i32 to vector<16xi32>
    %mul3A_810 = arith.muli %shift_right_arithmetic3A_807, %mul3A_809 : vector<16xi32>
    %and3A_811 = arith.constant 127 : i32
    %and3A_812 = vector.broadcast %and3A_811 : i32 to vector<16xi32>
    %and3A_813 = arith.andi %get3A_792, %and3A_812 : vector<16xi32>
    %add3A_814 = arith.addi %mul3A_810, %and3A_813 : vector<16xi32>
    %swap3A_815 = arith.constant 448 : index
    %swap3A_816 = tpu.vector_load %arg13[%swap3A_815] {strides = array<i32>} : memref<512xi32, #tpu.memory_space<vmem>>, vector<16xi32>,
    tpu.vector_store %arg13[%swap3A_815], %add3A_814 {strides = array<i32>} : memref<512xi32, #tpu.memory_space<vmem>>, vector<16xi32>,
    %get3A_817 = arith.constant 464 : index
    %get3A_818 = tpu.vector_load %arg10[%get3A_817] {strides = array<i32>} : memref<512xi32, #tpu.memory_space<vmem>>, vector<16xi32>,
    %get3A_819 = arith.constant 464 : index
    %get3A_820 = tpu.vector_load %arg11[%get3A_819] {strides = array<i32>} : memref<512xi32, #tpu.memory_space<vmem>>, vector<16xi32>,
    %shift_right_arithmetic3A_821 = arith.constant 7 : i32
    %shift_right_arithmetic3A_822 = vector.broadcast %shift_right_arithmetic3A_821 : i32 to vector<16xi32>
    %shift_right_arithmetic3A_823 = arith.shrsi %get3A_818, %shift_right_arithmetic3A_822 : vector<16xi32>
    %mul3A_824 = arith.constant 1024 : i32
    %mul3A_825 = vector.broadcast %mul3A_824 : i32 to vector<16xi32>
    %mul3A_826 = arith.muli %shift_right_arithmetic3A_823, %mul3A_825 : vector<16xi32>
    %and3A_827 = arith.constant 127 : i32
    %and3A_828 = vector.broadcast %and3A_827 : i32 to vector<16xi32>
    %and3A_829 = arith.andi %get3A_818, %and3A_828 : vector<16xi32>
    %add3A_830 = arith.addi %mul3A_826, %and3A_829 : vector<16xi32>
    %swap3A_831 = arith.constant 464 : index
    %swap3A_832 = tpu.vector_load %arg12[%swap3A_831] {strides = array<i32>} : memref<512xi32, #tpu.memory_space<vmem>>, vector<16xi32>,
    tpu.vector_store %arg12[%swap3A_831], %add3A_830 {strides = array<i32>} : memref<512xi32, #tpu.memory_space<vmem>>, vector<16xi32>,
    %shift_right_arithmetic3A_833 = arith.constant 7 : i32
    %shift_right_arithmetic3A_834 = vector.broadcast %shift_right_arithmetic3A_833 : i32 to vector<16xi32>
    %shift_right_arithmetic3A_835 = arith.shrsi %get3A_820, %shift_right_arithmetic3A_834 : vector<16xi32>
    %mul3A_836 = arith.constant 1024 : i32
    %mul3A_837 = vector.broadcast %mul3A_836 : i32 to vector<16xi32>
    %mul3A_838 = arith.muli %shift_right_arithmetic3A_835, %mul3A_837 : vector<16xi32>
    %and3A_839 = arith.constant 127 : i32
    %and3A_840 = vector.broadcast %and3A_839 : i32 to vector<16xi32>
    %and3A_841 = arith.andi %get3A_820, %and3A_840 : vector<16xi32>
    %add3A_842 = arith.addi %mul3A_838, %and3A_841 : vector<16xi32>
    %swap3A_843 = arith.constant 464 : index
    %swap3A_844 = tpu.vector_load %arg13[%swap3A_843] {strides = array<i32>} : memref<512xi32, #tpu.memory_space<vmem>>, vector<16xi32>,
    tpu.vector_store %arg13[%swap3A_843], %add3A_842 {strides = array<i32>} : memref<512xi32, #tpu.memory_space<vmem>>, vector<16xi32>,
    %get3A_845 = arith.constant 480 : index
    %get3A_846 = tpu.vector_load %arg10[%get3A_845] {strides = array<i32>} : memref<512xi32, #tpu.memory_space<vmem>>, vector<16xi32>,
    %get3A_847 = arith.constant 480 : index
    %get3A_848 = tpu.vector_load %arg11[%get3A_847] {strides = array<i32>} : memref<512xi32, #tpu.memory_space<vmem>>, vector<16xi32>,
    %shift_right_arithmetic3A_849 = arith.constant 7 : i32
    %shift_right_arithmetic3A_850 = vector.broadcast %shift_right_arithmetic3A_849 : i32 to vector<16xi32>
    %shift_right_arithmetic3A_851 = arith.shrsi %get3A_846, %shift_right_arithmetic3A_850 : vector<16xi32>
    %mul3A_852 = arith.constant 1024 : i32
    %mul3A_853 = vector.broadcast %mul3A_852 : i32 to vector<16xi32>
    %mul3A_854 = arith.muli %shift_right_arithmetic3A_851, %mul3A_853 : vector<16xi32>
    %and3A_855 = arith.constant 127 : i32
    %and3A_856 = vector.broadcast %and3A_855 : i32 to vector<16xi32>
    %and3A_857 = arith.andi %get3A_846, %and3A_856 : vector<16xi32>
    %add3A_858 = arith.addi %mul3A_854, %and3A_857 : vector<16xi32>
    %swap3A_859 = arith.constant 480 : index
    %swap3A_860 = tpu.vector_load %arg12[%swap3A_859] {strides = array<i32>} : memref<512xi32, #tpu.memory_space<vmem>>, vector<16xi32>,
    tpu.vector_store %arg12[%swap3A_859], %add3A_858 {strides = array<i32>} : memref<512xi32, #tpu.memory_space<vmem>>, vector<16xi32>,
    %shift_right_arithmetic3A_861 = arith.constant 7 : i32
    %shift_right_arithmetic3A_862 = vector.broadcast %shift_right_arithmetic3A_861 : i32 to vector<16xi32>
    %shift_right_arithmetic3A_863 = arith.shrsi %get3A_848, %shift_right_arithmetic3A_862 : vector<16xi32>
    %mul3A_864 = arith.constant 1024 : i32
    %mul3A_865 = vector.broadcast %mul3A_864 : i32 to vector<16xi32>
    %mul3A_866 = arith.muli %shift_right_arithmetic3A_863, %mul3A_865 : vector<16xi32>
    %and3A_867 = arith.constant 127 : i32
    %and3A_868 = vector.broadcast %and3A_867 : i32 to vector<16xi32>
    %and3A_869 = arith.andi %get3A_848, %and3A_868 : vector<16xi32>
    %add3A_870 = arith.addi %mul3A_866, %and3A_869 : vector<16xi32>
    %swap3A_871 = arith.constant 480 : index
    %swap3A_872 = tpu.vector_load %arg13[%swap3A_871] {strides = array<i32>} : memref<512xi32, #tpu.memory_space<vmem>>, vector<16xi32>,
    tpu.vector_store %arg13[%swap3A_871], %add3A_870 {strides = array<i32>} : memref<512xi32, #tpu.memory_space<vmem>>, vector<16xi32>,
    %get3A_873 = arith.constant 496 : index
    %get3A_874 = tpu.vector_load %arg10[%get3A_873] {strides = array<i32>} : memref<512xi32, #tpu.memory_space<vmem>>, vector<16xi32>,
    %get3A_875 = arith.constant 496 : index
    %get3A_876 = tpu.vector_load %arg11[%get3A_875] {strides = array<i32>} : memref<512xi32, #tpu.memory_space<vmem>>, vector<16xi32>,
    %shift_right_arithmetic3A_877 = arith.constant 7 : i32
    %shift_right_arithmetic3A_878 = vector.broadcast %shift_right_arithmetic3A_877 : i32 to vector<16xi32>
    %shift_right_arithmetic3A_879 = arith.shrsi %get3A_874, %shift_right_arithmetic3A_878 : vector<16xi32>
    %mul3A_880 = arith.constant 1024 : i32
    %mul3A_881 = vector.broadcast %mul3A_880 : i32 to vector<16xi32>
    %mul3A_882 = arith.muli %shift_right_arithmetic3A_879, %mul3A_881 : vector<16xi32>
    %and3A_883 = arith.constant 127 : i32
    %and3A_884 = vector.broadcast %and3A_883 : i32 to vector<16xi32>
    %and3A_885 = arith.andi %get3A_874, %and3A_884 : vector<16xi32>
    %add3A_886 = arith.addi %mul3A_882, %and3A_885 : vector<16xi32>
    %swap3A_887 = arith.constant 496 : index
    %swap3A_888 = tpu.vector_load %arg12[%swap3A_887] {strides = array<i32>} : memref<512xi32, #tpu.memory_space<vmem>>, vector<16xi32>,
    tpu.vector_store %arg12[%swap3A_887], %add3A_886 {strides = array<i32>} : memref<512xi32, #tpu.memory_space<vmem>>, vector<16xi32>,
    %shift_right_arithmetic3A_889 = arith.constant 7 : i32
    %shift_right_arithmetic3A_890 = vector.broadcast %shift_right_arithmetic3A_889 : i32 to vector<16xi32>
    %shift_right_arithmetic3A_891 = arith.shrsi %get3A_876, %shift_right_arithmetic3A_890 : vector<16xi32>
    %mul3A_892 = arith.constant 1024 : i32
    %mul3A_893 = vector.broadcast %mul3A_892 : i32 to vector<16xi32>
    %mul3A_894 = arith.muli %shift_right_arithmetic3A_891, %mul3A_893 : vector<16xi32>
    %and3A_895 = arith.constant 127 : i32
    %and3A_896 = vector.broadcast %and3A_895 : i32 to vector<16xi32>
    %and3A_897 = arith.andi %get3A_876, %and3A_896 : vector<16xi32>
    %add3A_898 = arith.addi %mul3A_894, %and3A_897 : vector<16xi32>
    %swap3A_899 = arith.constant 496 : index
    %swap3A_900 = tpu.vector_load %arg13[%swap3A_899] {strides = array<i32>} : memref<512xi32, #tpu.memory_space<vmem>>, vector<16xi32>,
    tpu.vector_store %arg13[%swap3A_899], %add3A_898 {strides = array<i32>} : memref<512xi32, #tpu.memory_space<vmem>>, vector<16xi32>,
    %dma_start3A_901 = arith.constant 0 : i32
    %dma_start3A_902 = tpu.memref_slice %arg4[%dma_start3A_901] : memref<1000448xf32, #tpu.memory_space<hbm>> -> memref<1000448xf32, #tpu.memory_space<hbm>>
    tpu.enqueue_indirect_dma source(%dma_start3A_902 : memref<1000448xf32, #tpu.memory_space<hbm>>) target(%arg16 : memref<512xf32, #tpu.memory_space<vmem>>) offsets(%arg10 : memref<512xi32, #tpu.memory_space<vmem>>) semaphore(%arg20 : memref<!tpu.dma_semaphore, #tpu.memory_space<semaphore_mem>>)
    %dma_start3A_903 = arith.constant 0 : i32
    %dma_start3A_904 = tpu.memref_slice %arg6[%dma_start3A_903] : memref<1000448xf32, #tpu.memory_space<hbm>> -> memref<1000448xf32, #tpu.memory_space<hbm>>
    tpu.enqueue_indirect_dma source(%dma_start3A_904 : memref<1000448xf32, #tpu.memory_space<hbm>>) target(%arg17 : memref<512xf32, #tpu.memory_space<vmem>>) offsets(%arg11 : memref<512xi32, #tpu.memory_space<vmem>>) semaphore(%arg20 : memref<!tpu.dma_semaphore, #tpu.memory_space<semaphore_mem>>)
    %dma_start3A_905 = arith.constant 0 : i32
    %dma_start3A_906 = tpu.memref_slice %arg14[%dma_start3A_905] : memref<8192xf32, #tpu.memory_space<vmem>> -> memref<512xf32, #tpu.memory_space<vmem>>
    %dma_start3A_907 = arith.constant 0 : i32
    %dma_start3A_908 = tpu.memref_slice %arg5[%dma_start3A_907] : memref<16001024xf32, #tpu.memory_space<hbm>> -> memref<16001024xf32, #tpu.memory_space<hbm>>
    %dma_start3A_909 = arith.constant 0 : i32
    %dma_start3A_910 = tpu.memref_slice %dma_start3A_908[%dma_start3A_909] : memref<16001024xf32, #tpu.memory_space<hbm>> -> memref<16001024xf32, #tpu.memory_space<hbm>>
    tpu.enqueue_indirect_dma source(%dma_start3A_910 : memref<16001024xf32, #tpu.memory_space<hbm>>) target(%dma_start3A_906 : memref<512xf32, #tpu.memory_space<vmem>>) offsets(%arg12 : memref<512xi32, #tpu.memory_space<vmem>>) semaphore(%arg20 : memref<!tpu.dma_semaphore, #tpu.memory_space<semaphore_mem>>)
    %dma_start3A_911 = arith.constant 0 : i32
    %dma_start3A_912 = tpu.memref_slice %arg15[%dma_start3A_911] : memref<8192xf32, #tpu.memory_space<vmem>> -> memref<512xf32, #tpu.memory_space<vmem>>
    %dma_start3A_913 = arith.constant 0 : i32
    %dma_start3A_914 = tpu.memref_slice %arg7[%dma_start3A_913] : memref<16001024xf32, #tpu.memory_space<hbm>> -> memref<16001024xf32, #tpu.memory_space<hbm>>
    %dma_start3A_915 = arith.constant 0 : i32
    %dma_start3A_916 = tpu.memref_slice %dma_start3A_914[%dma_start3A_915] : memref<16001024xf32, #tpu.memory_space<hbm>> -> memref<16001024xf32, #tpu.memory_space<hbm>>
    tpu.enqueue_indirect_dma source(%dma_start3A_916 : memref<16001024xf32, #tpu.memory_space<hbm>>) target(%dma_start3A_912 : memref<512xf32, #tpu.memory_space<vmem>>) offsets(%arg13 : memref<512xi32, #tpu.memory_space<vmem>>) semaphore(%arg20 : memref<!tpu.dma_semaphore, #tpu.memory_space<semaphore_mem>>)
    %dma_start3A_917 = arith.constant 512 : i32
    %dma_start3A_918 = tpu.memref_slice %arg14[%dma_start3A_917] : memref<8192xf32, #tpu.memory_space<vmem>> -> memref<512xf32, #tpu.memory_space<vmem>>
    %dma_start3A_919 = arith.constant 128 : i32
    %dma_start3A_920 = tpu.memref_slice %arg5[%dma_start3A_919] : memref<16001024xf32, #tpu.memory_space<hbm>> -> memref<16000896xf32, #tpu.memory_space<hbm>>
    %dma_start3A_921 = arith.constant 0 : i32
    %dma_start3A_922 = tpu.memref_slice %dma_start3A_920[%dma_start3A_921] : memref<16000896xf32, #tpu.memory_space<hbm>> -> memref<16000896xf32, #tpu.memory_space<hbm>>
    tpu.enqueue_indirect_dma source(%dma_start3A_922 : memref<16000896xf32, #tpu.memory_space<hbm>>) target(%dma_start3A_918 : memref<512xf32, #tpu.memory_space<vmem>>) offsets(%arg12 : memref<512xi32, #tpu.memory_space<vmem>>) semaphore(%arg20 : memref<!tpu.dma_semaphore, #tpu.memory_space<semaphore_mem>>)
    %dma_start3A_923 = arith.constant 512 : i32
    %dma_start3A_924 = tpu.memref_slice %arg15[%dma_start3A_923] : memref<8192xf32, #tpu.memory_space<vmem>> -> memref<512xf32, #tpu.memory_space<vmem>>
    %dma_start3A_925 = arith.constant 128 : i32
    %dma_start3A_926 = tpu.memref_slice %arg7[%dma_start3A_925] : memref<16001024xf32, #tpu.memory_space<hbm>> -> memref<16000896xf32, #tpu.memory_space<hbm>>
    %dma_start3A_927 = arith.constant 0 : i32
    %dma_start3A_928 = tpu.memref_slice %dma_start3A_926[%dma_start3A_927] : memref<16000896xf32, #tpu.memory_space<hbm>> -> memref<16000896xf32, #tpu.memory_space<hbm>>
    tpu.enqueue_indirect_dma source(%dma_start3A_928 : memref<16000896xf32, #tpu.memory_space<hbm>>) target(%dma_start3A_924 : memref<512xf32, #tpu.memory_space<vmem>>) offsets(%arg13 : memref<512xi32, #tpu.memory_space<vmem>>) semaphore(%arg20 : memref<!tpu.dma_semaphore, #tpu.memory_space<semaphore_mem>>)
    %dma_start3A_929 = arith.constant 1024 : i32
    %dma_start3A_930 = tpu.memref_slice %arg14[%dma_start3A_929] : memref<8192xf32, #tpu.memory_space<vmem>> -> memref<512xf32, #tpu.memory_space<vmem>>
    %dma_start3A_931 = arith.constant 256 : i32
    %dma_start3A_932 = tpu.memref_slice %arg5[%dma_start3A_931] : memref<16001024xf32, #tpu.memory_space<hbm>> -> memref<16000768xf32, #tpu.memory_space<hbm>>
    %dma_start3A_933 = arith.constant 0 : i32
    %dma_start3A_934 = tpu.memref_slice %dma_start3A_932[%dma_start3A_933] : memref<16000768xf32, #tpu.memory_space<hbm>> -> memref<16000768xf32, #tpu.memory_space<hbm>>
    tpu.enqueue_indirect_dma source(%dma_start3A_934 : memref<16000768xf32, #tpu.memory_space<hbm>>) target(%dma_start3A_930 : memref<512xf32, #tpu.memory_space<vmem>>) offsets(%arg12 : memref<512xi32, #tpu.memory_space<vmem>>) semaphore(%arg20 : memref<!tpu.dma_semaphore, #tpu.memory_space<semaphore_mem>>)
    %dma_start3A_935 = arith.constant 1024 : i32
    %dma_start3A_936 = tpu.memref_slice %arg15[%dma_start3A_935] : memref<8192xf32, #tpu.memory_space<vmem>> -> memref<512xf32, #tpu.memory_space<vmem>>
    %dma_start3A_937 = arith.constant 256 : i32
    %dma_start3A_938 = tpu.memref_slice %arg7[%dma_start3A_937] : memref<16001024xf32, #tpu.memory_space<hbm>> -> memref<16000768xf32, #tpu.memory_space<hbm>>
    %dma_start3A_939 = arith.constant 0 : i32
    %dma_start3A_940 = tpu.memref_slice %dma_start3A_938[%dma_start3A_939] : memref<16000768xf32, #tpu.memory_space<hbm>> -> memref<16000768xf32, #tpu.memory_space<hbm>>
    tpu.enqueue_indirect_dma source(%dma_start3A_940 : memref<16000768xf32, #tpu.memory_space<hbm>>) target(%dma_start3A_936 : memref<512xf32, #tpu.memory_space<vmem>>) offsets(%arg13 : memref<512xi32, #tpu.memory_space<vmem>>) semaphore(%arg20 : memref<!tpu.dma_semaphore, #tpu.memory_space<semaphore_mem>>)
    %dma_start3A_941 = arith.constant 1536 : i32
    %dma_start3A_942 = tpu.memref_slice %arg14[%dma_start3A_941] : memref<8192xf32, #tpu.memory_space<vmem>> -> memref<512xf32, #tpu.memory_space<vmem>>
    %dma_start3A_943 = arith.constant 384 : i32
    %dma_start3A_944 = tpu.memref_slice %arg5[%dma_start3A_943] : memref<16001024xf32, #tpu.memory_space<hbm>> -> memref<16000640xf32, #tpu.memory_space<hbm>>
    %dma_start3A_945 = arith.constant 0 : i32
    %dma_start3A_946 = tpu.memref_slice %dma_start3A_944[%dma_start3A_945] : memref<16000640xf32, #tpu.memory_space<hbm>> -> memref<16000640xf32, #tpu.memory_space<hbm>>
    tpu.enqueue_indirect_dma source(%dma_start3A_946 : memref<16000640xf32, #tpu.memory_space<hbm>>) target(%dma_start3A_942 : memref<512xf32, #tpu.memory_space<vmem>>) offsets(%arg12 : memref<512xi32, #tpu.memory_space<vmem>>) semaphore(%arg20 : memref<!tpu.dma_semaphore, #tpu.memory_space<semaphore_mem>>)
    %dma_start3A_947 = arith.constant 1536 : i32
    %dma_start3A_948 = tpu.memref_slice %arg15[%dma_start3A_947] : memref<8192xf32, #tpu.memory_space<vmem>> -> memref<512xf32, #tpu.memory_space<vmem>>
    %dma_start3A_949 = arith.constant 384 : i32
    %dma_start3A_950 = tpu.memref_slice %arg7[%dma_start3A_949] : memref<16001024xf32, #tpu.memory_space<hbm>> -> memref<16000640xf32, #tpu.memory_space<hbm>>
    %dma_start3A_951 = arith.constant 0 : i32
    %dma_start3A_952 = tpu.memref_slice %dma_start3A_950[%dma_start3A_951] : memref<16000640xf32, #tpu.memory_space<hbm>> -> memref<16000640xf32, #tpu.memory_space<hbm>>
    tpu.enqueue_indirect_dma source(%dma_start3A_952 : memref<16000640xf32, #tpu.memory_space<hbm>>) target(%dma_start3A_948 : memref<512xf32, #tpu.memory_space<vmem>>) offsets(%arg13 : memref<512xi32, #tpu.memory_space<vmem>>) semaphore(%arg20 : memref<!tpu.dma_semaphore, #tpu.memory_space<semaphore_mem>>)
    %dma_start3A_953 = arith.constant 2048 : i32
    %dma_start3A_954 = tpu.memref_slice %arg14[%dma_start3A_953] : memref<8192xf32, #tpu.memory_space<vmem>> -> memref<512xf32, #tpu.memory_space<vmem>>
    %dma_start3A_955 = arith.constant 512 : i32
    %dma_start3A_956 = tpu.memref_slice %arg5[%dma_start3A_955] : memref<16001024xf32, #tpu.memory_space<hbm>> -> memref<16000512xf32, #tpu.memory_space<hbm>>
    %dma_start3A_957 = arith.constant 0 : i32
    %dma_start3A_958 = tpu.memref_slice %dma_start3A_956[%dma_start3A_957] : memref<16000512xf32, #tpu.memory_space<hbm>> -> memref<16000512xf32, #tpu.memory_space<hbm>>
    tpu.enqueue_indirect_dma source(%dma_start3A_958 : memref<16000512xf32, #tpu.memory_space<hbm>>) target(%dma_start3A_954 : memref<512xf32, #tpu.memory_space<vmem>>) offsets(%arg12 : memref<512xi32, #tpu.memory_space<vmem>>) semaphore(%arg20 : memref<!tpu.dma_semaphore, #tpu.memory_space<semaphore_mem>>)
    %dma_start3A_959 = arith.constant 2048 : i32
    %dma_start3A_960 = tpu.memref_slice %arg15[%dma_start3A_959] : memref<8192xf32, #tpu.memory_space<vmem>> -> memref<512xf32, #tpu.memory_space<vmem>>
    %dma_start3A_961 = arith.constant 512 : i32
    %dma_start3A_962 = tpu.memref_slice %arg7[%dma_start3A_961] : memref<16001024xf32, #tpu.memory_space<hbm>> -> memref<16000512xf32, #tpu.memory_space<hbm>>
    %dma_start3A_963 = arith.constant 0 : i32
    %dma_start3A_964 = tpu.memref_slice %dma_start3A_962[%dma_start3A_963] : memref<16000512xf32, #tpu.memory_space<hbm>> -> memref<16000512xf32, #tpu.memory_space<hbm>>
    tpu.enqueue_indirect_dma source(%dma_start3A_964 : memref<16000512xf32, #tpu.memory_space<hbm>>) target(%dma_start3A_960 : memref<512xf32, #tpu.memory_space<vmem>>) offsets(%arg13 : memref<512xi32, #tpu.memory_space<vmem>>) semaphore(%arg20 : memref<!tpu.dma_semaphore, #tpu.memory_space<semaphore_mem>>)
    %dma_start3A_965 = arith.constant 2560 : i32
    %dma_start3A_966 = tpu.memref_slice %arg14[%dma_start3A_965] : memref<8192xf32, #tpu.memory_space<vmem>> -> memref<512xf32, #tpu.memory_space<vmem>>
    %dma_start3A_967 = arith.constant 640 : i32
    %dma_start3A_968 = tpu.memref_slice %arg5[%dma_start3A_967] : memref<16001024xf32, #tpu.memory_space<hbm>> -> memref<16000384xf32, #tpu.memory_space<hbm>>
    %dma_start3A_969 = arith.constant 0 : i32
    %dma_start3A_970 = tpu.memref_slice %dma_start3A_968[%dma_start3A_969] : memref<16000384xf32, #tpu.memory_space<hbm>> -> memref<16000384xf32, #tpu.memory_space<hbm>>
    tpu.enqueue_indirect_dma source(%dma_start3A_970 : memref<16000384xf32, #tpu.memory_space<hbm>>) target(%dma_start3A_966 : memref<512xf32, #tpu.memory_space<vmem>>) offsets(%arg12 : memref<512xi32, #tpu.memory_space<vmem>>) semaphore(%arg20 : memref<!tpu.dma_semaphore, #tpu.memory_space<semaphore_mem>>)
    %dma_start3A_971 = arith.constant 2560 : i32
    %dma_start3A_972 = tpu.memref_slice %arg15[%dma_start3A_971] : memref<8192xf32, #tpu.memory_space<vmem>> -> memref<512xf32, #tpu.memory_space<vmem>>
    %dma_start3A_973 = arith.constant 640 : i32
    %dma_start3A_974 = tpu.memref_slice %arg7[%dma_start3A_973] : memref<16001024xf32, #tpu.memory_space<hbm>> -> memref<16000384xf32, #tpu.memory_space<hbm>>
    %dma_start3A_975 = arith.constant 0 : i32
    %dma_start3A_976 = tpu.memref_slice %dma_start3A_974[%dma_start3A_975] : memref<16000384xf32, #tpu.memory_space<hbm>> -> memref<16000384xf32, #tpu.memory_space<hbm>>
    tpu.enqueue_indirect_dma source(%dma_start3A_976 : memref<16000384xf32, #tpu.memory_space<hbm>>) target(%dma_start3A_972 : memref<512xf32, #tpu.memory_space<vmem>>) offsets(%arg13 : memref<512xi32, #tpu.memory_space<vmem>>) semaphore(%arg20 : memref<!tpu.dma_semaphore, #tpu.memory_space<semaphore_mem>>)
    %dma_start3A_977 = arith.constant 3072 : i32
    %dma_start3A_978 = tpu.memref_slice %arg14[%dma_start3A_977] : memref<8192xf32, #tpu.memory_space<vmem>> -> memref<512xf32, #tpu.memory_space<vmem>>
    %dma_start3A_979 = arith.constant 768 : i32
    %dma_start3A_980 = tpu.memref_slice %arg5[%dma_start3A_979] : memref<16001024xf32, #tpu.memory_space<hbm>> -> memref<16000256xf32, #tpu.memory_space<hbm>>
    %dma_start3A_981 = arith.constant 0 : i32
    %dma_start3A_982 = tpu.memref_slice %dma_start3A_980[%dma_start3A_981] : memref<16000256xf32, #tpu.memory_space<hbm>> -> memref<16000256xf32, #tpu.memory_space<hbm>>
    tpu.enqueue_indirect_dma source(%dma_start3A_982 : memref<16000256xf32, #tpu.memory_space<hbm>>) target(%dma_start3A_978 : memref<512xf32, #tpu.memory_space<vmem>>) offsets(%arg12 : memref<512xi32, #tpu.memory_space<vmem>>) semaphore(%arg20 : memref<!tpu.dma_semaphore, #tpu.memory_space<semaphore_mem>>)
    %dma_start3A_983 = arith.constant 3072 : i32
    %dma_start3A_984 = tpu.memref_slice %arg15[%dma_start3A_983] : memref<8192xf32, #tpu.memory_space<vmem>> -> memref<512xf32, #tpu.memory_space<vmem>>
    %dma_start3A_985 = arith.constant 768 : i32
    %dma_start3A_986 = tpu.memref_slice %arg7[%dma_start3A_985] : memref<16001024xf32, #tpu.memory_space<hbm>> -> memref<16000256xf32, #tpu.memory_space<hbm>>
    %dma_start3A_987 = arith.constant 0 : i32
    %dma_start3A_988 = tpu.memref_slice %dma_start3A_986[%dma_start3A_987] : memref<16000256xf32, #tpu.memory_space<hbm>> -> memref<16000256xf32, #tpu.memory_space<hbm>>
    tpu.enqueue_indirect_dma source(%dma_start3A_988 : memref<16000256xf32, #tpu.memory_space<hbm>>) target(%dma_start3A_984 : memref<512xf32, #tpu.memory_space<vmem>>) offsets(%arg13 : memref<512xi32, #tpu.memory_space<vmem>>) semaphore(%arg20 : memref<!tpu.dma_semaphore, #tpu.memory_space<semaphore_mem>>)
    %dma_start3A_989 = arith.constant 3584 : i32
    %dma_start3A_990 = tpu.memref_slice %arg14[%dma_start3A_989] : memref<8192xf32, #tpu.memory_space<vmem>> -> memref<512xf32, #tpu.memory_space<vmem>>
    %dma_start3A_991 = arith.constant 896 : i32
    %dma_start3A_992 = tpu.memref_slice %arg5[%dma_start3A_991] : memref<16001024xf32, #tpu.memory_space<hbm>> -> memref<16000128xf32, #tpu.memory_space<hbm>>
    %dma_start3A_993 = arith.constant 0 : i32
    %dma_start3A_994 = tpu.memref_slice %dma_start3A_992[%dma_start3A_993] : memref<16000128xf32, #tpu.memory_space<hbm>> -> memref<16000128xf32, #tpu.memory_space<hbm>>
    tpu.enqueue_indirect_dma source(%dma_start3A_994 : memref<16000128xf32, #tpu.memory_space<hbm>>) target(%dma_start3A_990 : memref<512xf32, #tpu.memory_space<vmem>>) offsets(%arg12 : memref<512xi32, #tpu.memory_space<vmem>>) semaphore(%arg20 : memref<!tpu.dma_semaphore, #tpu.memory_space<semaphore_mem>>)
    %dma_start3A_995 = arith.constant 3584 : i32
    %dma_start3A_996 = tpu.memref_slice %arg15[%dma_start3A_995] : memref<8192xf32, #tpu.memory_space<vmem>> -> memref<512xf32, #tpu.memory_space<vmem>>
    %dma_start3A_997 = arith.constant 896 : i32
    %dma_start3A_998 = tpu.memref_slice %arg7[%dma_start3A_997] : memref<16001024xf32, #tpu.memory_space<hbm>> -> memref<16000128xf32, #tpu.memory_space<hbm>>
    %dma_start3A_999 = arith.constant 0 : i32
    %dma_start3A_1000 = tpu.memref_slice %dma_start3A_998[%dma_start3A_999] : memref<16000128xf32, #tpu.memory_space<hbm>> -> memref<16000128xf32, #tpu.memory_space<hbm>>
    tpu.enqueue_indirect_dma source(%dma_start3A_1000 : memref<16000128xf32, #tpu.memory_space<hbm>>) target(%dma_start3A_996 : memref<512xf32, #tpu.memory_space<vmem>>) offsets(%arg13 : memref<512xi32, #tpu.memory_space<vmem>>) semaphore(%arg20 : memref<!tpu.dma_semaphore, #tpu.memory_space<semaphore_mem>>)
    %dma_start3A_1001 = arith.constant 4096 : i32
    %dma_start3A_1002 = tpu.memref_slice %arg14[%dma_start3A_1001] : memref<8192xf32, #tpu.memory_space<vmem>> -> memref<512xf32, #tpu.memory_space<vmem>>
    %dma_start3A_1003 = arith.constant 8000512 : i32
    %dma_start3A_1004 = tpu.memref_slice %arg5[%dma_start3A_1003] : memref<16001024xf32, #tpu.memory_space<hbm>> -> memref<8000512xf32, #tpu.memory_space<hbm>>
    %dma_start3A_1005 = arith.constant 0 : i32
    %dma_start3A_1006 = tpu.memref_slice %dma_start3A_1004[%dma_start3A_1005] : memref<8000512xf32, #tpu.memory_space<hbm>> -> memref<8000512xf32, #tpu.memory_space<hbm>>
    tpu.enqueue_indirect_dma source(%dma_start3A_1006 : memref<8000512xf32, #tpu.memory_space<hbm>>) target(%dma_start3A_1002 : memref<512xf32, #tpu.memory_space<vmem>>) offsets(%arg12 : memref<512xi32, #tpu.memory_space<vmem>>) semaphore(%arg20 : memref<!tpu.dma_semaphore, #tpu.memory_space<semaphore_mem>>)
    %dma_start3A_1007 = arith.constant 4096 : i32
    %dma_start3A_1008 = tpu.memref_slice %arg15[%dma_start3A_1007] : memref<8192xf32, #tpu.memory_space<vmem>> -> memref<512xf32, #tpu.memory_space<vmem>>
    %dma_start3A_1009 = arith.constant 8000512 : i32
    %dma_start3A_1010 = tpu.memref_slice %arg7[%dma_start3A_1009] : memref<16001024xf32, #tpu.memory_space<hbm>> -> memref<8000512xf32, #tpu.memory_space<hbm>>
    %dma_start3A_1011 = arith.constant 0 : i32
    %dma_start3A_1012 = tpu.memref_slice %dma_start3A_1010[%dma_start3A_1011] : memref<8000512xf32, #tpu.memory_space<hbm>> -> memref<8000512xf32, #tpu.memory_space<hbm>>
    tpu.enqueue_indirect_dma source(%dma_start3A_1012 : memref<8000512xf32, #tpu.memory_space<hbm>>) target(%dma_start3A_1008 : memref<512xf32, #tpu.memory_space<vmem>>) offsets(%arg13 : memref<512xi32, #tpu.memory_space<vmem>>) semaphore(%arg20 : memref<!tpu.dma_semaphore, #tpu.memory_space<semaphore_mem>>)
    %dma_start3A_1013 = arith.constant 4608 : i32
    %dma_start3A_1014 = tpu.memref_slice %arg14[%dma_start3A_1013] : memref<8192xf32, #tpu.memory_space<vmem>> -> memref<512xf32, #tpu.memory_space<vmem>>
    %dma_start3A_1015 = arith.constant 8000640 : i32
    %dma_start3A_1016 = tpu.memref_slice %arg5[%dma_start3A_1015] : memref<16001024xf32, #tpu.memory_space<hbm>> -> memref<8000384xf32, #tpu.memory_space<hbm>>
    %dma_start3A_1017 = arith.constant 0 : i32
    %dma_start3A_1018 = tpu.memref_slice %dma_start3A_1016[%dma_start3A_1017] : memref<8000384xf32, #tpu.memory_space<hbm>> -> memref<8000384xf32, #tpu.memory_space<hbm>>
    tpu.enqueue_indirect_dma source(%dma_start3A_1018 : memref<8000384xf32, #tpu.memory_space<hbm>>) target(%dma_start3A_1014 : memref<512xf32, #tpu.memory_space<vmem>>) offsets(%arg12 : memref<512xi32, #tpu.memory_space<vmem>>) semaphore(%arg20 : memref<!tpu.dma_semaphore, #tpu.memory_space<semaphore_mem>>)
    %dma_start3A_1019 = arith.constant 4608 : i32
    %dma_start3A_1020 = tpu.memref_slice %arg15[%dma_start3A_1019] : memref<8192xf32, #tpu.memory_space<vmem>> -> memref<512xf32, #tpu.memory_space<vmem>>
    %dma_start3A_1021 = arith.constant 8000640 : i32
    %dma_start3A_1022 = tpu.memref_slice %arg7[%dma_start3A_1021] : memref<16001024xf32, #tpu.memory_space<hbm>> -> memref<8000384xf32, #tpu.memory_space<hbm>>
    %dma_start3A_1023 = arith.constant 0 : i32
    %dma_start3A_1024 = tpu.memref_slice %dma_start3A_1022[%dma_start3A_1023] : memref<8000384xf32, #tpu.memory_space<hbm>> -> memref<8000384xf32, #tpu.memory_space<hbm>>
    tpu.enqueue_indirect_dma source(%dma_start3A_1024 : memref<8000384xf32, #tpu.memory_space<hbm>>) target(%dma_start3A_1020 : memref<512xf32, #tpu.memory_space<vmem>>) offsets(%arg13 : memref<512xi32, #tpu.memory_space<vmem>>) semaphore(%arg20 : memref<!tpu.dma_semaphore, #tpu.memory_space<semaphore_mem>>)
    %dma_start3A_1025 = arith.constant 5120 : i32
    %dma_start3A_1026 = tpu.memref_slice %arg14[%dma_start3A_1025] : memref<8192xf32, #tpu.memory_space<vmem>> -> memref<512xf32, #tpu.memory_space<vmem>>
    %dma_start3A_1027 = arith.constant 8000768 : i32
    %dma_start3A_1028 = tpu.memref_slice %arg5[%dma_start3A_1027] : memref<16001024xf32, #tpu.memory_space<hbm>> -> memref<8000256xf32, #tpu.memory_space<hbm>>
    %dma_start3A_1029 = arith.constant 0 : i32
    %dma_start3A_1030 = tpu.memref_slice %dma_start3A_1028[%dma_start3A_1029] : memref<8000256xf32, #tpu.memory_space<hbm>> -> memref<8000256xf32, #tpu.memory_space<hbm>>
    tpu.enqueue_indirect_dma source(%dma_start3A_1030 : memref<8000256xf32, #tpu.memory_space<hbm>>) target(%dma_start3A_1026 : memref<512xf32, #tpu.memory_space<vmem>>) offsets(%arg12 : memref<512xi32, #tpu.memory_space<vmem>>) semaphore(%arg20 : memref<!tpu.dma_semaphore, #tpu.memory_space<semaphore_mem>>)
    %dma_start3A_1031 = arith.constant 5120 : i32
    %dma_start3A_1032 = tpu.memref_slice %arg15[%dma_start3A_1031] : memref<8192xf32, #tpu.memory_space<vmem>> -> memref<512xf32, #tpu.memory_space<vmem>>
    %dma_start3A_1033 = arith.constant 8000768 : i32
    %dma_start3A_1034 = tpu.memref_slice %arg7[%dma_start3A_1033] : memref<16001024xf32, #tpu.memory_space<hbm>> -> memref<8000256xf32, #tpu.memory_space<hbm>>
    %dma_start3A_1035 = arith.constant 0 : i32
    %dma_start3A_1036 = tpu.memref_slice %dma_start3A_1034[%dma_start3A_1035] : memref<8000256xf32, #tpu.memory_space<hbm>> -> memref<8000256xf32, #tpu.memory_space<hbm>>
    tpu.enqueue_indirect_dma source(%dma_start3A_1036 : memref<8000256xf32, #tpu.memory_space<hbm>>) target(%dma_start3A_1032 : memref<512xf32, #tpu.memory_space<vmem>>) offsets(%arg13 : memref<512xi32, #tpu.memory_space<vmem>>) semaphore(%arg20 : memref<!tpu.dma_semaphore, #tpu.memory_space<semaphore_mem>>)
    %dma_start3A_1037 = arith.constant 5632 : i32
    %dma_start3A_1038 = tpu.memref_slice %arg14[%dma_start3A_1037] : memref<8192xf32, #tpu.memory_space<vmem>> -> memref<512xf32, #tpu.memory_space<vmem>>
    %dma_start3A_1039 = arith.constant 8000896 : i32
    %dma_start3A_1040 = tpu.memref_slice %arg5[%dma_start3A_1039] : memref<16001024xf32, #tpu.memory_space<hbm>> -> memref<8000128xf32, #tpu.memory_space<hbm>>
    %dma_start3A_1041 = arith.constant 0 : i32
    %dma_start3A_1042 = tpu.memref_slice %dma_start3A_1040[%dma_start3A_1041] : memref<8000128xf32, #tpu.memory_space<hbm>> -> memref<8000128xf32, #tpu.memory_space<hbm>>
    tpu.enqueue_indirect_dma source(%dma_start3A_1042 : memref<8000128xf32, #tpu.memory_space<hbm>>) target(%dma_start3A_1038 : memref<512xf32, #tpu.memory_space<vmem>>) offsets(%arg12 : memref<512xi32, #tpu.memory_space<vmem>>) semaphore(%arg20 : memref<!tpu.dma_semaphore, #tpu.memory_space<semaphore_mem>>)
    %dma_start3A_1043 = arith.constant 5632 : i32
    %dma_start3A_1044 = tpu.memref_slice %arg15[%dma_start3A_1043] : memref<8192xf32, #tpu.memory_space<vmem>> -> memref<512xf32, #tpu.memory_space<vmem>>
    %dma_start3A_1045 = arith.constant 8000896 : i32
    %dma_start3A_1046 = tpu.memref_slice %arg7[%dma_start3A_1045] : memref<16001024xf32, #tpu.memory_space<hbm>> -> memref<8000128xf32, #tpu.memory_space<hbm>>
    %dma_start3A_1047 = arith.constant 0 : i32
    %dma_start3A_1048 = tpu.memref_slice %dma_start3A_1046[%dma_start3A_1047] : memref<8000128xf32, #tpu.memory_space<hbm>> -> memref<8000128xf32, #tpu.memory_space<hbm>>
    tpu.enqueue_indirect_dma source(%dma_start3A_1048 : memref<8000128xf32, #tpu.memory_space<hbm>>) target(%dma_start3A_1044 : memref<512xf32, #tpu.memory_space<vmem>>) offsets(%arg13 : memref<512xi32, #tpu.memory_space<vmem>>) semaphore(%arg20 : memref<!tpu.dma_semaphore, #tpu.memory_space<semaphore_mem>>)
    %dma_start3A_1049 = arith.constant 6144 : i32
    %dma_start3A_1050 = tpu.memref_slice %arg14[%dma_start3A_1049] : memref<8192xf32, #tpu.memory_space<vmem>> -> memref<512xf32, #tpu.memory_space<vmem>>
    %dma_start3A_1051 = arith.constant 8001024 : i32
    %dma_start3A_1052 = tpu.memref_slice %arg5[%dma_start3A_1051] : memref<16001024xf32, #tpu.memory_space<hbm>> -> memref<8000000xf32, #tpu.memory_space<hbm>>
    %dma_start3A_1053 = arith.constant 0 : i32
    %dma_start3A_1054 = tpu.memref_slice %dma_start3A_1052[%dma_start3A_1053] : memref<8000000xf32, #tpu.memory_space<hbm>> -> memref<8000000xf32, #tpu.memory_space<hbm>>
    tpu.enqueue_indirect_dma source(%dma_start3A_1054 : memref<8000000xf32, #tpu.memory_space<hbm>>) target(%dma_start3A_1050 : memref<512xf32, #tpu.memory_space<vmem>>) offsets(%arg12 : memref<512xi32, #tpu.memory_space<vmem>>) semaphore(%arg20 : memref<!tpu.dma_semaphore, #tpu.memory_space<semaphore_mem>>)
    %dma_start3A_1055 = arith.constant 6144 : i32
    %dma_start3A_1056 = tpu.memref_slice %arg15[%dma_start3A_1055] : memref<8192xf32, #tpu.memory_space<vmem>> -> memref<512xf32, #tpu.memory_space<vmem>>
    %dma_start3A_1057 = arith.constant 8001024 : i32
    %dma_start3A_1058 = tpu.memref_slice %arg7[%dma_start3A_1057] : memref<16001024xf32, #tpu.memory_space<hbm>> -> memref<8000000xf32, #tpu.memory_space<hbm>>
    %dma_start3A_1059 = arith.constant 0 : i32
    %dma_start3A_1060 = tpu.memref_slice %dma_start3A_1058[%dma_start3A_1059] : memref<8000000xf32, #tpu.memory_space<hbm>> -> memref<8000000xf32, #tpu.memory_space<hbm>>
    tpu.enqueue_indirect_dma source(%dma_start3A_1060 : memref<8000000xf32, #tpu.memory_space<hbm>>) target(%dma_start3A_1056 : memref<512xf32, #tpu.memory_space<vmem>>) offsets(%arg13 : memref<512xi32, #tpu.memory_space<vmem>>) semaphore(%arg20 : memref<!tpu.dma_semaphore, #tpu.memory_space<semaphore_mem>>)
    %dma_start3A_1061 = arith.constant 6656 : i32
    %dma_start3A_1062 = tpu.memref_slice %arg14[%dma_start3A_1061] : memref<8192xf32, #tpu.memory_space<vmem>> -> memref<512xf32, #tpu.memory_space<vmem>>
    %dma_start3A_1063 = arith.constant 8001152 : i32
    %dma_start3A_1064 = tpu.memref_slice %arg5[%dma_start3A_1063] : memref<16001024xf32, #tpu.memory_space<hbm>> -> memref<7999872xf32, #tpu.memory_space<hbm>>
    %dma_start3A_1065 = arith.constant 0 : i32
    %dma_start3A_1066 = tpu.memref_slice %dma_start3A_1064[%dma_start3A_1065] : memref<7999872xf32, #tpu.memory_space<hbm>> -> memref<7999872xf32, #tpu.memory_space<hbm>>
    tpu.enqueue_indirect_dma source(%dma_start3A_1066 : memref<7999872xf32, #tpu.memory_space<hbm>>) target(%dma_start3A_1062 : memref<512xf32, #tpu.memory_space<vmem>>) offsets(%arg12 : memref<512xi32, #tpu.memory_space<vmem>>) semaphore(%arg20 : memref<!tpu.dma_semaphore, #tpu.memory_space<semaphore_mem>>)
    %dma_start3A_1067 = arith.constant 6656 : i32
    %dma_start3A_1068 = tpu.memref_slice %arg15[%dma_start3A_1067] : memref<8192xf32, #tpu.memory_space<vmem>> -> memref<512xf32, #tpu.memory_space<vmem>>
    %dma_start3A_1069 = arith.constant 8001152 : i32
    %dma_start3A_1070 = tpu.memref_slice %arg7[%dma_start3A_1069] : memref<16001024xf32, #tpu.memory_space<hbm>> -> memref<7999872xf32, #tpu.memory_space<hbm>>
    %dma_start3A_1071 = arith.constant 0 : i32
    %dma_start3A_1072 = tpu.memref_slice %dma_start3A_1070[%dma_start3A_1071] : memref<7999872xf32, #tpu.memory_space<hbm>> -> memref<7999872xf32, #tpu.memory_space<hbm>>
    tpu.enqueue_indirect_dma source(%dma_start3A_1072 : memref<7999872xf32, #tpu.memory_space<hbm>>) target(%dma_start3A_1068 : memref<512xf32, #tpu.memory_space<vmem>>) offsets(%arg13 : memref<512xi32, #tpu.memory_space<vmem>>) semaphore(%arg20 : memref<!tpu.dma_semaphore, #tpu.memory_space<semaphore_mem>>)
    %dma_start3A_1073 = arith.constant 7168 : i32
    %dma_start3A_1074 = tpu.memref_slice %arg14[%dma_start3A_1073] : memref<8192xf32, #tpu.memory_space<vmem>> -> memref<512xf32, #tpu.memory_space<vmem>>
    %dma_start3A_1075 = arith.constant 8001280 : i32
    %dma_start3A_1076 = tpu.memref_slice %arg5[%dma_start3A_1075] : memref<16001024xf32, #tpu.memory_space<hbm>> -> memref<7999744xf32, #tpu.memory_space<hbm>>
    %dma_start3A_1077 = arith.constant 0 : i32
    %dma_start3A_1078 = tpu.memref_slice %dma_start3A_1076[%dma_start3A_1077] : memref<7999744xf32, #tpu.memory_space<hbm>> -> memref<7999744xf32, #tpu.memory_space<hbm>>
    tpu.enqueue_indirect_dma source(%dma_start3A_1078 : memref<7999744xf32, #tpu.memory_space<hbm>>) target(%dma_start3A_1074 : memref<512xf32, #tpu.memory_space<vmem>>) offsets(%arg12 : memref<512xi32, #tpu.memory_space<vmem>>) semaphore(%arg20 : memref<!tpu.dma_semaphore, #tpu.memory_space<semaphore_mem>>)
    %dma_start3A_1079 = arith.constant 7168 : i32
    %dma_start3A_1080 = tpu.memref_slice %arg15[%dma_start3A_1079] : memref<8192xf32, #tpu.memory_space<vmem>> -> memref<512xf32, #tpu.memory_space<vmem>>
    %dma_start3A_1081 = arith.constant 8001280 : i32
    %dma_start3A_1082 = tpu.memref_slice %arg7[%dma_start3A_1081] : memref<16001024xf32, #tpu.memory_space<hbm>> -> memref<7999744xf32, #tpu.memory_space<hbm>>
    %dma_start3A_1083 = arith.constant 0 : i32
    %dma_start3A_1084 = tpu.memref_slice %dma_start3A_1082[%dma_start3A_1083] : memref<7999744xf32, #tpu.memory_space<hbm>> -> memref<7999744xf32, #tpu.memory_space<hbm>>
    tpu.enqueue_indirect_dma source(%dma_start3A_1084 : memref<7999744xf32, #tpu.memory_space<hbm>>) target(%dma_start3A_1080 : memref<512xf32, #tpu.memory_space<vmem>>) offsets(%arg13 : memref<512xi32, #tpu.memory_space<vmem>>) semaphore(%arg20 : memref<!tpu.dma_semaphore, #tpu.memory_space<semaphore_mem>>)
    %dma_start3A_1085 = arith.constant 7680 : i32
    %dma_start3A_1086 = tpu.memref_slice %arg14[%dma_start3A_1085] : memref<8192xf32, #tpu.memory_space<vmem>> -> memref<512xf32, #tpu.memory_space<vmem>>
    %dma_start3A_1087 = arith.constant 8001408 : i32
    %dma_start3A_1088 = tpu.memref_slice %arg5[%dma_start3A_1087] : memref<16001024xf32, #tpu.memory_space<hbm>> -> memref<7999616xf32, #tpu.memory_space<hbm>>
    %dma_start3A_1089 = arith.constant 0 : i32
    %dma_start3A_1090 = tpu.memref_slice %dma_start3A_1088[%dma_start3A_1089] : memref<7999616xf32, #tpu.memory_space<hbm>> -> memref<7999616xf32, #tpu.memory_space<hbm>>
    tpu.enqueue_indirect_dma source(%dma_start3A_1090 : memref<7999616xf32, #tpu.memory_space<hbm>>) target(%dma_start3A_1086 : memref<512xf32, #tpu.memory_space<vmem>>) offsets(%arg12 : memref<512xi32, #tpu.memory_space<vmem>>) semaphore(%arg20 : memref<!tpu.dma_semaphore, #tpu.memory_space<semaphore_mem>>)
    %dma_start3A_1091 = arith.constant 7680 : i32
    %dma_start3A_1092 = tpu.memref_slice %arg15[%dma_start3A_1091] : memref<8192xf32, #tpu.memory_space<vmem>> -> memref<512xf32, #tpu.memory_space<vmem>>
    %dma_start3A_1093 = arith.constant 8001408 : i32
    %dma_start3A_1094 = tpu.memref_slice %arg7[%dma_start3A_1093] : memref<16001024xf32, #tpu.memory_space<hbm>> -> memref<7999616xf32, #tpu.memory_space<hbm>>
    %dma_start3A_1095 = arith.constant 0 : i32
    %dma_start3A_1096 = tpu.memref_slice %dma_start3A_1094[%dma_start3A_1095] : memref<7999616xf32, #tpu.memory_space<hbm>> -> memref<7999616xf32, #tpu.memory_space<hbm>>
    tpu.enqueue_indirect_dma source(%dma_start3A_1096 : memref<7999616xf32, #tpu.memory_space<hbm>>) target(%dma_start3A_1092 : memref<512xf32, #tpu.memory_space<vmem>>) offsets(%arg13 : memref<512xi32, #tpu.memory_space<vmem>>) semaphore(%arg20 : memref<!tpu.dma_semaphore, #tpu.memory_space<semaphore_mem>>)
    %dma_wait3A_1097 = arith.constant 0 : i32
    %dma_wait3A_1098 = tpu.memref_slice %arg4[%dma_wait3A_1097] : memref<1000448xf32, #tpu.memory_space<hbm>> -> memref<1000448xf32, #tpu.memory_space<hbm>>
    tpu.wait_indirect_dma semaphore(%arg20 : memref<!tpu.dma_semaphore, #tpu.memory_space<semaphore_mem>>) src(%dma_wait3A_1098 : memref<1000448xf32, #tpu.memory_space<hbm>>) dst(%arg16 : memref<512xf32, #tpu.memory_space<vmem>>)
    %dma_wait3A_1099 = arith.constant 0 : i32
    %dma_wait3A_1100 = tpu.memref_slice %arg6[%dma_wait3A_1099] : memref<1000448xf32, #tpu.memory_space<hbm>> -> memref<1000448xf32, #tpu.memory_space<hbm>>
    tpu.wait_indirect_dma semaphore(%arg20 : memref<!tpu.dma_semaphore, #tpu.memory_space<semaphore_mem>>) src(%dma_wait3A_1100 : memref<1000448xf32, #tpu.memory_space<hbm>>) dst(%arg17 : memref<512xf32, #tpu.memory_space<vmem>>)
    %dma_wait3A_1101 = arith.constant 0 : i32
    %dma_wait3A_1102 = tpu.memref_slice %arg14[%dma_wait3A_1101] : memref<8192xf32, #tpu.memory_space<vmem>> -> memref<512xf32, #tpu.memory_space<vmem>>
    %dma_wait3A_1103 = arith.constant 0 : i32
    %dma_wait3A_1104 = tpu.memref_slice %arg5[%dma_wait3A_1103] : memref<16001024xf32, #tpu.memory_space<hbm>> -> memref<16001024xf32, #tpu.memory_space<hbm>>
    %dma_wait3A_1105 = arith.constant 0 : i32
    %dma_wait3A_1106 = tpu.memref_slice %dma_wait3A_1104[%dma_wait3A_1105] : memref<16001024xf32, #tpu.memory_space<hbm>> -> memref<16001024xf32, #tpu.memory_space<hbm>>
    tpu.wait_indirect_dma semaphore(%arg20 : memref<!tpu.dma_semaphore, #tpu.memory_space<semaphore_mem>>) src(%dma_wait3A_1106 : memref<16001024xf32, #tpu.memory_space<hbm>>) dst(%dma_wait3A_1102 : memref<512xf32, #tpu.memory_space<vmem>>)
    %dma_wait3A_1107 = arith.constant 0 : i32
    %dma_wait3A_1108 = tpu.memref_slice %arg15[%dma_wait3A_1107] : memref<8192xf32, #tpu.memory_space<vmem>> -> memref<512xf32, #tpu.memory_space<vmem>>
    %dma_wait3A_1109 = arith.constant 0 : i32
    %dma_wait3A_1110 = tpu.memref_slice %arg7[%dma_wait3A_1109] : memref<16001024xf32, #tpu.memory_space<hbm>> -> memref<16001024xf32, #tpu.memory_space<hbm>>
    %dma_wait3A_1111 = arith.constant 0 : i32
    %dma_wait3A_1112 = tpu.memref_slice %dma_wait3A_1110[%dma_wait3A_1111] : memref<16001024xf32, #tpu.memory_space<hbm>> -> memref<16001024xf32, #tpu.memory_space<hbm>>
    tpu.wait_indirect_dma semaphore(%arg20 : memref<!tpu.dma_semaphore, #tpu.memory_space<semaphore_mem>>) src(%dma_wait3A_1112 : memref<16001024xf32, #tpu.memory_space<hbm>>) dst(%dma_wait3A_1108 : memref<512xf32, #tpu.memory_space<vmem>>)
    %dma_wait3A_1113 = arith.constant 512 : i32
    %dma_wait3A_1114 = tpu.memref_slice %arg14[%dma_wait3A_1113] : memref<8192xf32, #tpu.memory_space<vmem>> -> memref<512xf32, #tpu.memory_space<vmem>>
    %dma_wait3A_1115 = arith.constant 128 : i32
    %dma_wait3A_1116 = tpu.memref_slice %arg5[%dma_wait3A_1115] : memref<16001024xf32, #tpu.memory_space<hbm>> -> memref<16000896xf32, #tpu.memory_space<hbm>>
    %dma_wait3A_1117 = arith.constant 0 : i32
    %dma_wait3A_1118 = tpu.memref_slice %dma_wait3A_1116[%dma_wait3A_1117] : memref<16000896xf32, #tpu.memory_space<hbm>> -> memref<16000896xf32, #tpu.memory_space<hbm>>
    tpu.wait_indirect_dma semaphore(%arg20 : memref<!tpu.dma_semaphore, #tpu.memory_space<semaphore_mem>>) src(%dma_wait3A_1118 : memref<16000896xf32, #tpu.memory_space<hbm>>) dst(%dma_wait3A_1114 : memref<512xf32, #tpu.memory_space<vmem>>)
    %dma_wait3A_1119 = arith.constant 512 : i32
    %dma_wait3A_1120 = tpu.memref_slice %arg15[%dma_wait3A_1119] : memref<8192xf32, #tpu.memory_space<vmem>> -> memref<512xf32, #tpu.memory_space<vmem>>
    %dma_wait3A_1121 = arith.constant 128 : i32
    %dma_wait3A_1122 = tpu.memref_slice %arg7[%dma_wait3A_1121] : memref<16001024xf32, #tpu.memory_space<hbm>> -> memref<16000896xf32, #tpu.memory_space<hbm>>
    %dma_wait3A_1123 = arith.constant 0 : i32
    %dma_wait3A_1124 = tpu.memref_slice %dma_wait3A_1122[%dma_wait3A_1123] : memref<16000896xf32, #tpu.memory_space<hbm>> -> memref<16000896xf32, #tpu.memory_space<hbm>>
    tpu.wait_indirect_dma semaphore(%arg20 : memref<!tpu.dma_semaphore, #tpu.memory_space<semaphore_mem>>) src(%dma_wait3A_1124 : memref<16000896xf32, #tpu.memory_space<hbm>>) dst(%dma_wait3A_1120 : memref<512xf32, #tpu.memory_space<vmem>>)
    %dma_wait3A_1125 = arith.constant 1024 : i32
    %dma_wait3A_1126 = tpu.memref_slice %arg14[%dma_wait3A_1125] : memref<8192xf32, #tpu.memory_space<vmem>> -> memref<512xf32, #tpu.memory_space<vmem>>
    %dma_wait3A_1127 = arith.constant 256 : i32
    %dma_wait3A_1128 = tpu.memref_slice %arg5[%dma_wait3A_1127] : memref<16001024xf32, #tpu.memory_space<hbm>> -> memref<16000768xf32, #tpu.memory_space<hbm>>
    %dma_wait3A_1129 = arith.constant 0 : i32
    %dma_wait3A_1130 = tpu.memref_slice %dma_wait3A_1128[%dma_wait3A_1129] : memref<16000768xf32, #tpu.memory_space<hbm>> -> memref<16000768xf32, #tpu.memory_space<hbm>>
    tpu.wait_indirect_dma semaphore(%arg20 : memref<!tpu.dma_semaphore, #tpu.memory_space<semaphore_mem>>) src(%dma_wait3A_1130 : memref<16000768xf32, #tpu.memory_space<hbm>>) dst(%dma_wait3A_1126 : memref<512xf32, #tpu.memory_space<vmem>>)
    %dma_wait3A_1131 = arith.constant 1024 : i32
    %dma_wait3A_1132 = tpu.memref_slice %arg15[%dma_wait3A_1131] : memref<8192xf32, #tpu.memory_space<vmem>> -> memref<512xf32, #tpu.memory_space<vmem>>
    %dma_wait3A_1133 = arith.constant 256 : i32
    %dma_wait3A_1134 = tpu.memref_slice %arg7[%dma_wait3A_1133] : memref<16001024xf32, #tpu.memory_space<hbm>> -> memref<16000768xf32, #tpu.memory_space<hbm>>
    %dma_wait3A_1135 = arith.constant 0 : i32
    %dma_wait3A_1136 = tpu.memref_slice %dma_wait3A_1134[%dma_wait3A_1135] : memref<16000768xf32, #tpu.memory_space<hbm>> -> memref<16000768xf32, #tpu.memory_space<hbm>>
    tpu.wait_indirect_dma semaphore(%arg20 : memref<!tpu.dma_semaphore, #tpu.memory_space<semaphore_mem>>) src(%dma_wait3A_1136 : memref<16000768xf32, #tpu.memory_space<hbm>>) dst(%dma_wait3A_1132 : memref<512xf32, #tpu.memory_space<vmem>>)
    %dma_wait3A_1137 = arith.constant 1536 : i32
    %dma_wait3A_1138 = tpu.memref_slice %arg14[%dma_wait3A_1137] : memref<8192xf32, #tpu.memory_space<vmem>> -> memref<512xf32, #tpu.memory_space<vmem>>
    %dma_wait3A_1139 = arith.constant 384 : i32
    %dma_wait3A_1140 = tpu.memref_slice %arg5[%dma_wait3A_1139] : memref<16001024xf32, #tpu.memory_space<hbm>> -> memref<16000640xf32, #tpu.memory_space<hbm>>
    %dma_wait3A_1141 = arith.constant 0 : i32
    %dma_wait3A_1142 = tpu.memref_slice %dma_wait3A_1140[%dma_wait3A_1141] : memref<16000640xf32, #tpu.memory_space<hbm>> -> memref<16000640xf32, #tpu.memory_space<hbm>>
    tpu.wait_indirect_dma semaphore(%arg20 : memref<!tpu.dma_semaphore, #tpu.memory_space<semaphore_mem>>) src(%dma_wait3A_1142 : memref<16000640xf32, #tpu.memory_space<hbm>>) dst(%dma_wait3A_1138 : memref<512xf32, #tpu.memory_space<vmem>>)
    %dma_wait3A_1143 = arith.constant 1536 : i32
    %dma_wait3A_1144 = tpu.memref_slice %arg15[%dma_wait3A_1143] : memref<8192xf32, #tpu.memory_space<vmem>> -> memref<512xf32, #tpu.memory_space<vmem>>
    %dma_wait3A_1145 = arith.constant 384 : i32
    %dma_wait3A_1146 = tpu.memref_slice %arg7[%dma_wait3A_1145] : memref<16001024xf32, #tpu.memory_space<hbm>> -> memref<16000640xf32, #tpu.memory_space<hbm>>
    %dma_wait3A_1147 = arith.constant 0 : i32
    %dma_wait3A_1148 = tpu.memref_slice %dma_wait3A_1146[%dma_wait3A_1147] : memref<16000640xf32, #tpu.memory_space<hbm>> -> memref<16000640xf32, #tpu.memory_space<hbm>>
    tpu.wait_indirect_dma semaphore(%arg20 : memref<!tpu.dma_semaphore, #tpu.memory_space<semaphore_mem>>) src(%dma_wait3A_1148 : memref<16000640xf32, #tpu.memory_space<hbm>>) dst(%dma_wait3A_1144 : memref<512xf32, #tpu.memory_space<vmem>>)
    %dma_wait3A_1149 = arith.constant 2048 : i32
    %dma_wait3A_1150 = tpu.memref_slice %arg14[%dma_wait3A_1149] : memref<8192xf32, #tpu.memory_space<vmem>> -> memref<512xf32, #tpu.memory_space<vmem>>
    %dma_wait3A_1151 = arith.constant 512 : i32
    %dma_wait3A_1152 = tpu.memref_slice %arg5[%dma_wait3A_1151] : memref<16001024xf32, #tpu.memory_space<hbm>> -> memref<16000512xf32, #tpu.memory_space<hbm>>
    %dma_wait3A_1153 = arith.constant 0 : i32
    %dma_wait3A_1154 = tpu.memref_slice %dma_wait3A_1152[%dma_wait3A_1153] : memref<16000512xf32, #tpu.memory_space<hbm>> -> memref<16000512xf32, #tpu.memory_space<hbm>>
    tpu.wait_indirect_dma semaphore(%arg20 : memref<!tpu.dma_semaphore, #tpu.memory_space<semaphore_mem>>) src(%dma_wait3A_1154 : memref<16000512xf32, #tpu.memory_space<hbm>>) dst(%dma_wait3A_1150 : memref<512xf32, #tpu.memory_space<vmem>>)
    %dma_wait3A_1155 = arith.constant 2048 : i32
    %dma_wait3A_1156 = tpu.memref_slice %arg15[%dma_wait3A_1155] : memref<8192xf32, #tpu.memory_space<vmem>> -> memref<512xf32, #tpu.memory_space<vmem>>
    %dma_wait3A_1157 = arith.constant 512 : i32
    %dma_wait3A_1158 = tpu.memref_slice %arg7[%dma_wait3A_1157] : memref<16001024xf32, #tpu.memory_space<hbm>> -> memref<16000512xf32, #tpu.memory_space<hbm>>
    %dma_wait3A_1159 = arith.constant 0 : i32
    %dma_wait3A_1160 = tpu.memref_slice %dma_wait3A_1158[%dma_wait3A_1159] : memref<16000512xf32, #tpu.memory_space<hbm>> -> memref<16000512xf32, #tpu.memory_space<hbm>>
    tpu.wait_indirect_dma semaphore(%arg20 : memref<!tpu.dma_semaphore, #tpu.memory_space<semaphore_mem>>) src(%dma_wait3A_1160 : memref<16000512xf32, #tpu.memory_space<hbm>>) dst(%dma_wait3A_1156 : memref<512xf32, #tpu.memory_space<vmem>>)
    %dma_wait3A_1161 = arith.constant 2560 : i32
    %dma_wait3A_1162 = tpu.memref_slice %arg14[%dma_wait3A_1161] : memref<8192xf32, #tpu.memory_space<vmem>> -> memref<512xf32, #tpu.memory_space<vmem>>
    %dma_wait3A_1163 = arith.constant 640 : i32
    %dma_wait3A_1164 = tpu.memref_slice %arg5[%dma_wait3A_1163] : memref<16001024xf32, #tpu.memory_space<hbm>> -> memref<16000384xf32, #tpu.memory_space<hbm>>
    %dma_wait3A_1165 = arith.constant 0 : i32
    %dma_wait3A_1166 = tpu.memref_slice %dma_wait3A_1164[%dma_wait3A_1165] : memref<16000384xf32, #tpu.memory_space<hbm>> -> memref<16000384xf32, #tpu.memory_space<hbm>>
    tpu.wait_indirect_dma semaphore(%arg20 : memref<!tpu.dma_semaphore, #tpu.memory_space<semaphore_mem>>) src(%dma_wait3A_1166 : memref<16000384xf32, #tpu.memory_space<hbm>>) dst(%dma_wait3A_1162 : memref<512xf32, #tpu.memory_space<vmem>>)
    %dma_wait3A_1167 = arith.constant 2560 : i32
    %dma_wait3A_1168 = tpu.memref_slice %arg15[%dma_wait3A_1167] : memref<8192xf32, #tpu.memory_space<vmem>> -> memref<512xf32, #tpu.memory_space<vmem>>
    %dma_wait3A_1169 = arith.constant 640 : i32
    %dma_wait3A_1170 = tpu.memref_slice %arg7[%dma_wait3A_1169] : memref<16001024xf32, #tpu.memory_space<hbm>> -> memref<16000384xf32, #tpu.memory_space<hbm>>
    %dma_wait3A_1171 = arith.constant 0 : i32
    %dma_wait3A_1172 = tpu.memref_slice %dma_wait3A_1170[%dma_wait3A_1171] : memref<16000384xf32, #tpu.memory_space<hbm>> -> memref<16000384xf32, #tpu.memory_space<hbm>>
    tpu.wait_indirect_dma semaphore(%arg20 : memref<!tpu.dma_semaphore, #tpu.memory_space<semaphore_mem>>) src(%dma_wait3A_1172 : memref<16000384xf32, #tpu.memory_space<hbm>>) dst(%dma_wait3A_1168 : memref<512xf32, #tpu.memory_space<vmem>>)
    %dma_wait3A_1173 = arith.constant 3072 : i32
    %dma_wait3A_1174 = tpu.memref_slice %arg14[%dma_wait3A_1173] : memref<8192xf32, #tpu.memory_space<vmem>> -> memref<512xf32, #tpu.memory_space<vmem>>
    %dma_wait3A_1175 = arith.constant 768 : i32
    %dma_wait3A_1176 = tpu.memref_slice %arg5[%dma_wait3A_1175] : memref<16001024xf32, #tpu.memory_space<hbm>> -> memref<16000256xf32, #tpu.memory_space<hbm>>
    %dma_wait3A_1177 = arith.constant 0 : i32
    %dma_wait3A_1178 = tpu.memref_slice %dma_wait3A_1176[%dma_wait3A_1177] : memref<16000256xf32, #tpu.memory_space<hbm>> -> memref<16000256xf32, #tpu.memory_space<hbm>>
    tpu.wait_indirect_dma semaphore(%arg20 : memref<!tpu.dma_semaphore, #tpu.memory_space<semaphore_mem>>) src(%dma_wait3A_1178 : memref<16000256xf32, #tpu.memory_space<hbm>>) dst(%dma_wait3A_1174 : memref<512xf32, #tpu.memory_space<vmem>>)
    %dma_wait3A_1179 = arith.constant 3072 : i32
    %dma_wait3A_1180 = tpu.memref_slice %arg15[%dma_wait3A_1179] : memref<8192xf32, #tpu.memory_space<vmem>> -> memref<512xf32, #tpu.memory_space<vmem>>
    %dma_wait3A_1181 = arith.constant 768 : i32
    %dma_wait3A_1182 = tpu.memref_slice %arg7[%dma_wait3A_1181] : memref<16001024xf32, #tpu.memory_space<hbm>> -> memref<16000256xf32, #tpu.memory_space<hbm>>
    %dma_wait3A_1183 = arith.constant 0 : i32
    %dma_wait3A_1184 = tpu.memref_slice %dma_wait3A_1182[%dma_wait3A_1183] : memref<16000256xf32, #tpu.memory_space<hbm>> -> memref<16000256xf32, #tpu.memory_space<hbm>>
    tpu.wait_indirect_dma semaphore(%arg20 : memref<!tpu.dma_semaphore, #tpu.memory_space<semaphore_mem>>) src(%dma_wait3A_1184 : memref<16000256xf32, #tpu.memory_space<hbm>>) dst(%dma_wait3A_1180 : memref<512xf32, #tpu.memory_space<vmem>>)
    %dma_wait3A_1185 = arith.constant 3584 : i32
    %dma_wait3A_1186 = tpu.memref_slice %arg14[%dma_wait3A_1185] : memref<8192xf32, #tpu.memory_space<vmem>> -> memref<512xf32, #tpu.memory_space<vmem>>
    %dma_wait3A_1187 = arith.constant 896 : i32
    %dma_wait3A_1188 = tpu.memref_slice %arg5[%dma_wait3A_1187] : memref<16001024xf32, #tpu.memory_space<hbm>> -> memref<16000128xf32, #tpu.memory_space<hbm>>
    %dma_wait3A_1189 = arith.constant 0 : i32
    %dma_wait3A_1190 = tpu.memref_slice %dma_wait3A_1188[%dma_wait3A_1189] : memref<16000128xf32, #tpu.memory_space<hbm>> -> memref<16000128xf32, #tpu.memory_space<hbm>>
    tpu.wait_indirect_dma semaphore(%arg20 : memref<!tpu.dma_semaphore, #tpu.memory_space<semaphore_mem>>) src(%dma_wait3A_1190 : memref<16000128xf32, #tpu.memory_space<hbm>>) dst(%dma_wait3A_1186 : memref<512xf32, #tpu.memory_space<vmem>>)
    %dma_wait3A_1191 = arith.constant 3584 : i32
    %dma_wait3A_1192 = tpu.memref_slice %arg15[%dma_wait3A_1191] : memref<8192xf32, #tpu.memory_space<vmem>> -> memref<512xf32, #tpu.memory_space<vmem>>
    %dma_wait3A_1193 = arith.constant 896 : i32
    %dma_wait3A_1194 = tpu.memref_slice %arg7[%dma_wait3A_1193] : memref<16001024xf32, #tpu.memory_space<hbm>> -> memref<16000128xf32, #tpu.memory_space<hbm>>
    %dma_wait3A_1195 = arith.constant 0 : i32
    %dma_wait3A_1196 = tpu.memref_slice %dma_wait3A_1194[%dma_wait3A_1195] : memref<16000128xf32, #tpu.memory_space<hbm>> -> memref<16000128xf32, #tpu.memory_space<hbm>>
    tpu.wait_indirect_dma semaphore(%arg20 : memref<!tpu.dma_semaphore, #tpu.memory_space<semaphore_mem>>) src(%dma_wait3A_1196 : memref<16000128xf32, #tpu.memory_space<hbm>>) dst(%dma_wait3A_1192 : memref<512xf32, #tpu.memory_space<vmem>>)
    %dma_wait3A_1197 = arith.constant 4096 : i32
    %dma_wait3A_1198 = tpu.memref_slice %arg14[%dma_wait3A_1197] : memref<8192xf32, #tpu.memory_space<vmem>> -> memref<512xf32, #tpu.memory_space<vmem>>
    %dma_wait3A_1199 = arith.constant 8000512 : i32
    %dma_wait3A_1200 = tpu.memref_slice %arg5[%dma_wait3A_1199] : memref<16001024xf32, #tpu.memory_space<hbm>> -> memref<8000512xf32, #tpu.memory_space<hbm>>
    %dma_wait3A_1201 = arith.constant 0 : i32
    %dma_wait3A_1202 = tpu.memref_slice %dma_wait3A_1200[%dma_wait3A_1201] : memref<8000512xf32, #tpu.memory_space<hbm>> -> memref<8000512xf32, #tpu.memory_space<hbm>>
    tpu.wait_indirect_dma semaphore(%arg20 : memref<!tpu.dma_semaphore, #tpu.memory_space<semaphore_mem>>) src(%dma_wait3A_1202 : memref<8000512xf32, #tpu.memory_space<hbm>>) dst(%dma_wait3A_1198 : memref<512xf32, #tpu.memory_space<vmem>>)
    %dma_wait3A_1203 = arith.constant 4096 : i32
    %dma_wait3A_1204 = tpu.memref_slice %arg15[%dma_wait3A_1203] : memref<8192xf32, #tpu.memory_space<vmem>> -> memref<512xf32, #tpu.memory_space<vmem>>
    %dma_wait3A_1205 = arith.constant 8000512 : i32
    %dma_wait3A_1206 = tpu.memref_slice %arg7[%dma_wait3A_1205] : memref<16001024xf32, #tpu.memory_space<hbm>> -> memref<8000512xf32, #tpu.memory_space<hbm>>
    %dma_wait3A_1207 = arith.constant 0 : i32
    %dma_wait3A_1208 = tpu.memref_slice %dma_wait3A_1206[%dma_wait3A_1207] : memref<8000512xf32, #tpu.memory_space<hbm>> -> memref<8000512xf32, #tpu.memory_space<hbm>>
    tpu.wait_indirect_dma semaphore(%arg20 : memref<!tpu.dma_semaphore, #tpu.memory_space<semaphore_mem>>) src(%dma_wait3A_1208 : memref<8000512xf32, #tpu.memory_space<hbm>>) dst(%dma_wait3A_1204 : memref<512xf32, #tpu.memory_space<vmem>>)
    %dma_wait3A_1209 = arith.constant 4608 : i32
    %dma_wait3A_1210 = tpu.memref_slice %arg14[%dma_wait3A_1209] : memref<8192xf32, #tpu.memory_space<vmem>> -> memref<512xf32, #tpu.memory_space<vmem>>
    %dma_wait3A_1211 = arith.constant 8000640 : i32
    %dma_wait3A_1212 = tpu.memref_slice %arg5[%dma_wait3A_1211] : memref<16001024xf32, #tpu.memory_space<hbm>> -> memref<8000384xf32, #tpu.memory_space<hbm>>
    %dma_wait3A_1213 = arith.constant 0 : i32
    %dma_wait3A_1214 = tpu.memref_slice %dma_wait3A_1212[%dma_wait3A_1213] : memref<8000384xf32, #tpu.memory_space<hbm>> -> memref<8000384xf32, #tpu.memory_space<hbm>>
    tpu.wait_indirect_dma semaphore(%arg20 : memref<!tpu.dma_semaphore, #tpu.memory_space<semaphore_mem>>) src(%dma_wait3A_1214 : memref<8000384xf32, #tpu.memory_space<hbm>>) dst(%dma_wait3A_1210 : memref<512xf32, #tpu.memory_space<vmem>>)
    %dma_wait3A_1215 = arith.constant 4608 : i32
    %dma_wait3A_1216 = tpu.memref_slice %arg15[%dma_wait3A_1215] : memref<8192xf32, #tpu.memory_space<vmem>> -> memref<512xf32, #tpu.memory_space<vmem>>
    %dma_wait3A_1217 = arith.constant 8000640 : i32
    %dma_wait3A_1218 = tpu.memref_slice %arg7[%dma_wait3A_1217] : memref<16001024xf32, #tpu.memory_space<hbm>> -> memref<8000384xf32, #tpu.memory_space<hbm>>
    %dma_wait3A_1219 = arith.constant 0 : i32
    %dma_wait3A_1220 = tpu.memref_slice %dma_wait3A_1218[%dma_wait3A_1219] : memref<8000384xf32, #tpu.memory_space<hbm>> -> memref<8000384xf32, #tpu.memory_space<hbm>>
    tpu.wait_indirect_dma semaphore(%arg20 : memref<!tpu.dma_semaphore, #tpu.memory_space<semaphore_mem>>) src(%dma_wait3A_1220 : memref<8000384xf32, #tpu.memory_space<hbm>>) dst(%dma_wait3A_1216 : memref<512xf32, #tpu.memory_space<vmem>>)
    %dma_wait3A_1221 = arith.constant 5120 : i32
    %dma_wait3A_1222 = tpu.memref_slice %arg14[%dma_wait3A_1221] : memref<8192xf32, #tpu.memory_space<vmem>> -> memref<512xf32, #tpu.memory_space<vmem>>
    %dma_wait3A_1223 = arith.constant 8000768 : i32
    %dma_wait3A_1224 = tpu.memref_slice %arg5[%dma_wait3A_1223] : memref<16001024xf32, #tpu.memory_space<hbm>> -> memref<8000256xf32, #tpu.memory_space<hbm>>
    %dma_wait3A_1225 = arith.constant 0 : i32
    %dma_wait3A_1226 = tpu.memref_slice %dma_wait3A_1224[%dma_wait3A_1225] : memref<8000256xf32, #tpu.memory_space<hbm>> -> memref<8000256xf32, #tpu.memory_space<hbm>>
    tpu.wait_indirect_dma semaphore(%arg20 : memref<!tpu.dma_semaphore, #tpu.memory_space<semaphore_mem>>) src(%dma_wait3A_1226 : memref<8000256xf32, #tpu.memory_space<hbm>>) dst(%dma_wait3A_1222 : memref<512xf32, #tpu.memory_space<vmem>>)
    %dma_wait3A_1227 = arith.constant 5120 : i32
    %dma_wait3A_1228 = tpu.memref_slice %arg15[%dma_wait3A_1227] : memref<8192xf32, #tpu.memory_space<vmem>> -> memref<512xf32, #tpu.memory_space<vmem>>
    %dma_wait3A_1229 = arith.constant 8000768 : i32
    %dma_wait3A_1230 = tpu.memref_slice %arg7[%dma_wait3A_1229] : memref<16001024xf32, #tpu.memory_space<hbm>> -> memref<8000256xf32, #tpu.memory_space<hbm>>
    %dma_wait3A_1231 = arith.constant 0 : i32
    %dma_wait3A_1232 = tpu.memref_slice %dma_wait3A_1230[%dma_wait3A_1231] : memref<8000256xf32, #tpu.memory_space<hbm>> -> memref<8000256xf32, #tpu.memory_space<hbm>>
    tpu.wait_indirect_dma semaphore(%arg20 : memref<!tpu.dma_semaphore, #tpu.memory_space<semaphore_mem>>) src(%dma_wait3A_1232 : memref<8000256xf32, #tpu.memory_space<hbm>>) dst(%dma_wait3A_1228 : memref<512xf32, #tpu.memory_space<vmem>>)
    %dma_wait3A_1233 = arith.constant 5632 : i32
    %dma_wait3A_1234 = tpu.memref_slice %arg14[%dma_wait3A_1233] : memref<8192xf32, #tpu.memory_space<vmem>> -> memref<512xf32, #tpu.memory_space<vmem>>
    %dma_wait3A_1235 = arith.constant 8000896 : i32
    %dma_wait3A_1236 = tpu.memref_slice %arg5[%dma_wait3A_1235] : memref<16001024xf32, #tpu.memory_space<hbm>> -> memref<8000128xf32, #tpu.memory_space<hbm>>
    %dma_wait3A_1237 = arith.constant 0 : i32
    %dma_wait3A_1238 = tpu.memref_slice %dma_wait3A_1236[%dma_wait3A_1237] : memref<8000128xf32, #tpu.memory_space<hbm>> -> memref<8000128xf32, #tpu.memory_space<hbm>>
    tpu.wait_indirect_dma semaphore(%arg20 : memref<!tpu.dma_semaphore, #tpu.memory_space<semaphore_mem>>) src(%dma_wait3A_1238 : memref<8000128xf32, #tpu.memory_space<hbm>>) dst(%dma_wait3A_1234 : memref<512xf32, #tpu.memory_space<vmem>>)
    %dma_wait3A_1239 = arith.constant 5632 : i32
    %dma_wait3A_1240 = tpu.memref_slice %arg15[%dma_wait3A_1239] : memref<8192xf32, #tpu.memory_space<vmem>> -> memref<512xf32, #tpu.memory_space<vmem>>
    %dma_wait3A_1241 = arith.constant 8000896 : i32
    %dma_wait3A_1242 = tpu.memref_slice %arg7[%dma_wait3A_1241] : memref<16001024xf32, #tpu.memory_space<hbm>> -> memref<8000128xf32, #tpu.memory_space<hbm>>
    %dma_wait3A_1243 = arith.constant 0 : i32
    %dma_wait3A_1244 = tpu.memref_slice %dma_wait3A_1242[%dma_wait3A_1243] : memref<8000128xf32, #tpu.memory_space<hbm>> -> memref<8000128xf32, #tpu.memory_space<hbm>>
    tpu.wait_indirect_dma semaphore(%arg20 : memref<!tpu.dma_semaphore, #tpu.memory_space<semaphore_mem>>) src(%dma_wait3A_1244 : memref<8000128xf32, #tpu.memory_space<hbm>>) dst(%dma_wait3A_1240 : memref<512xf32, #tpu.memory_space<vmem>>)
    %dma_wait3A_1245 = arith.constant 6144 : i32
    %dma_wait3A_1246 = tpu.memref_slice %arg14[%dma_wait3A_1245] : memref<8192xf32, #tpu.memory_space<vmem>> -> memref<512xf32, #tpu.memory_space<vmem>>
    %dma_wait3A_1247 = arith.constant 8001024 : i32
    %dma_wait3A_1248 = tpu.memref_slice %arg5[%dma_wait3A_1247] : memref<16001024xf32, #tpu.memory_space<hbm>> -> memref<8000000xf32, #tpu.memory_space<hbm>>
    %dma_wait3A_1249 = arith.constant 0 : i32
    %dma_wait3A_1250 = tpu.memref_slice %dma_wait3A_1248[%dma_wait3A_1249] : memref<8000000xf32, #tpu.memory_space<hbm>> -> memref<8000000xf32, #tpu.memory_space<hbm>>
    tpu.wait_indirect_dma semaphore(%arg20 : memref<!tpu.dma_semaphore, #tpu.memory_space<semaphore_mem>>) src(%dma_wait3A_1250 : memref<8000000xf32, #tpu.memory_space<hbm>>) dst(%dma_wait3A_1246 : memref<512xf32, #tpu.memory_space<vmem>>)
    %dma_wait3A_1251 = arith.constant 6144 : i32
    %dma_wait3A_1252 = tpu.memref_slice %arg15[%dma_wait3A_1251] : memref<8192xf32, #tpu.memory_space<vmem>> -> memref<512xf32, #tpu.memory_space<vmem>>
    %dma_wait3A_1253 = arith.constant 8001024 : i32
    %dma_wait3A_1254 = tpu.memref_slice %arg7[%dma_wait3A_1253] : memref<16001024xf32, #tpu.memory_space<hbm>> -> memref<8000000xf32, #tpu.memory_space<hbm>>
    %dma_wait3A_1255 = arith.constant 0 : i32
    %dma_wait3A_1256 = tpu.memref_slice %dma_wait3A_1254[%dma_wait3A_1255] : memref<8000000xf32, #tpu.memory_space<hbm>> -> memref<8000000xf32, #tpu.memory_space<hbm>>
    tpu.wait_indirect_dma semaphore(%arg20 : memref<!tpu.dma_semaphore, #tpu.memory_space<semaphore_mem>>) src(%dma_wait3A_1256 : memref<8000000xf32, #tpu.memory_space<hbm>>) dst(%dma_wait3A_1252 : memref<512xf32, #tpu.memory_space<vmem>>)
    %dma_wait3A_1257 = arith.constant 6656 : i32
    %dma_wait3A_1258 = tpu.memref_slice %arg14[%dma_wait3A_1257] : memref<8192xf32, #tpu.memory_space<vmem>> -> memref<512xf32, #tpu.memory_space<vmem>>
    %dma_wait3A_1259 = arith.constant 8001152 : i32
    %dma_wait3A_1260 = tpu.memref_slice %arg5[%dma_wait3A_1259] : memref<16001024xf32, #tpu.memory_space<hbm>> -> memref<7999872xf32, #tpu.memory_space<hbm>>
    %dma_wait3A_1261 = arith.constant 0 : i32
    %dma_wait3A_1262 = tpu.memref_slice %dma_wait3A_1260[%dma_wait3A_1261] : memref<7999872xf32, #tpu.memory_space<hbm>> -> memref<7999872xf32, #tpu.memory_space<hbm>>
    tpu.wait_indirect_dma semaphore(%arg20 : memref<!tpu.dma_semaphore, #tpu.memory_space<semaphore_mem>>) src(%dma_wait3A_1262 : memref<7999872xf32, #tpu.memory_space<hbm>>) dst(%dma_wait3A_1258 : memref<512xf32, #tpu.memory_space<vmem>>)
    %dma_wait3A_1263 = arith.constant 6656 : i32
    %dma_wait3A_1264 = tpu.memref_slice %arg15[%dma_wait3A_1263] : memref<8192xf32, #tpu.memory_space<vmem>> -> memref<512xf32, #tpu.memory_space<vmem>>
    %dma_wait3A_1265 = arith.constant 8001152 : i32
    %dma_wait3A_1266 = tpu.memref_slice %arg7[%dma_wait3A_1265] : memref<16001024xf32, #tpu.memory_space<hbm>> -> memref<7999872xf32, #tpu.memory_space<hbm>>
    %dma_wait3A_1267 = arith.constant 0 : i32
    %dma_wait3A_1268 = tpu.memref_slice %dma_wait3A_1266[%dma_wait3A_1267] : memref<7999872xf32, #tpu.memory_space<hbm>> -> memref<7999872xf32, #tpu.memory_space<hbm>>
    tpu.wait_indirect_dma semaphore(%arg20 : memref<!tpu.dma_semaphore, #tpu.memory_space<semaphore_mem>>) src(%dma_wait3A_1268 : memref<7999872xf32, #tpu.memory_space<hbm>>) dst(%dma_wait3A_1264 : memref<512xf32, #tpu.memory_space<vmem>>)
    %dma_wait3A_1269 = arith.constant 7168 : i32
    %dma_wait3A_1270 = tpu.memref_slice %arg14[%dma_wait3A_1269] : memref<8192xf32, #tpu.memory_space<vmem>> -> memref<512xf32, #tpu.memory_space<vmem>>
    %dma_wait3A_1271 = arith.constant 8001280 : i32
    %dma_wait3A_1272 = tpu.memref_slice %arg5[%dma_wait3A_1271] : memref<16001024xf32, #tpu.memory_space<hbm>> -> memref<7999744xf32, #tpu.memory_space<hbm>>
    %dma_wait3A_1273 = arith.constant 0 : i32
    %dma_wait3A_1274 = tpu.memref_slice %dma_wait3A_1272[%dma_wait3A_1273] : memref<7999744xf32, #tpu.memory_space<hbm>> -> memref<7999744xf32, #tpu.memory_space<hbm>>
    tpu.wait_indirect_dma semaphore(%arg20 : memref<!tpu.dma_semaphore, #tpu.memory_space<semaphore_mem>>) src(%dma_wait3A_1274 : memref<7999744xf32, #tpu.memory_space<hbm>>) dst(%dma_wait3A_1270 : memref<512xf32, #tpu.memory_space<vmem>>)
    %dma_wait3A_1275 = arith.constant 7168 : i32
    %dma_wait3A_1276 = tpu.memref_slice %arg15[%dma_wait3A_1275] : memref<8192xf32, #tpu.memory_space<vmem>> -> memref<512xf32, #tpu.memory_space<vmem>>
    %dma_wait3A_1277 = arith.constant 8001280 : i32
    %dma_wait3A_1278 = tpu.memref_slice %arg7[%dma_wait3A_1277] : memref<16001024xf32, #tpu.memory_space<hbm>> -> memref<7999744xf32, #tpu.memory_space<hbm>>
    %dma_wait3A_1279 = arith.constant 0 : i32
    %dma_wait3A_1280 = tpu.memref_slice %dma_wait3A_1278[%dma_wait3A_1279] : memref<7999744xf32, #tpu.memory_space<hbm>> -> memref<7999744xf32, #tpu.memory_space<hbm>>
    tpu.wait_indirect_dma semaphore(%arg20 : memref<!tpu.dma_semaphore, #tpu.memory_space<semaphore_mem>>) src(%dma_wait3A_1280 : memref<7999744xf32, #tpu.memory_space<hbm>>) dst(%dma_wait3A_1276 : memref<512xf32, #tpu.memory_space<vmem>>)
    %dma_wait3A_1281 = arith.constant 7680 : i32
    %dma_wait3A_1282 = tpu.memref_slice %arg14[%dma_wait3A_1281] : memref<8192xf32, #tpu.memory_space<vmem>> -> memref<512xf32, #tpu.memory_space<vmem>>
    %dma_wait3A_1283 = arith.constant 8001408 : i32
    %dma_wait3A_1284 = tpu.memref_slice %arg5[%dma_wait3A_1283] : memref<16001024xf32, #tpu.memory_space<hbm>> -> memref<7999616xf32, #tpu.memory_space<hbm>>
    %dma_wait3A_1285 = arith.constant 0 : i32
    %dma_wait3A_1286 = tpu.memref_slice %dma_wait3A_1284[%dma_wait3A_1285] : memref<7999616xf32, #tpu.memory_space<hbm>> -> memref<7999616xf32, #tpu.memory_space<hbm>>
    tpu.wait_indirect_dma semaphore(%arg20 : memref<!tpu.dma_semaphore, #tpu.memory_space<semaphore_mem>>) src(%dma_wait3A_1286 : memref<7999616xf32, #tpu.memory_space<hbm>>) dst(%dma_wait3A_1282 : memref<512xf32, #tpu.memory_space<vmem>>)
    %dma_wait3A_1287 = arith.constant 7680 : i32
    %dma_wait3A_1288 = tpu.memref_slice %arg15[%dma_wait3A_1287] : memref<8192xf32, #tpu.memory_space<vmem>> -> memref<512xf32, #tpu.memory_space<vmem>>
    %dma_wait3A_1289 = arith.constant 8001408 : i32
    %dma_wait3A_1290 = tpu.memref_slice %arg7[%dma_wait3A_1289] : memref<16001024xf32, #tpu.memory_space<hbm>> -> memref<7999616xf32, #tpu.memory_space<hbm>>
    %dma_wait3A_1291 = arith.constant 0 : i32
    %dma_wait3A_1292 = tpu.memref_slice %dma_wait3A_1290[%dma_wait3A_1291] : memref<7999616xf32, #tpu.memory_space<hbm>> -> memref<7999616xf32, #tpu.memory_space<hbm>>
    tpu.wait_indirect_dma semaphore(%arg20 : memref<!tpu.dma_semaphore, #tpu.memory_space<semaphore_mem>>) src(%dma_wait3A_1292 : memref<7999616xf32, #tpu.memory_space<hbm>>) dst(%dma_wait3A_1288 : memref<512xf32, #tpu.memory_space<vmem>>)
    %get3A_1293 = arith.constant 0 : index
    %get3A_1294 = tpu.vector_load %arg18[%get3A_1293] {strides = array<i32>} : memref<16xf32, #tpu.memory_space<vmem>>, vector<16xf32>,
    %slice3A = vector.extract_strided_slice %get3A_1294 {offsets = [0], sizes = [1], strides = [1]} : vector<16xf32> to vector<1xf32>
    %squeeze3A = vector.extract %slice3A[0] : f32 from vector<1xf32>
    %scan3A = arith.constant 0 : i32
    %scan3A_1295 = arith.constant 0 : i32
    %scan3A_1296 = arith.constant 32 : i32
    %scan3A_1297 = arith.addi %scan3A_1295, %scan3A_1296 : i32
    %scan3A_1298 = arith.constant 1 : i32
    scf.for %scan3A_1300 = %scan3A_1295 to %scan3A_1297 step %scan3A_1298  : i32 {
      %mul3A_1301 = arith.constant 16 : i32
      %mul3A_1302 = arith.muli %scan3A_1300, %mul3A_1301 : i32
      %get3A_1303 = arith.index_cast %mul3A_1302 : i32 to index
      %get3A_1304 = tpu.vector_load %arg16[%get3A_1303] {strides = array<i32>} : memref<512xf32, #tpu.memory_space<vmem>>, vector<16xf32>,
      %mul3A_1305 = arith.constant 16 : i32
      %mul3A_1306 = arith.muli %scan3A_1300, %mul3A_1305 : i32
      %get3A_1307 = arith.index_cast %mul3A_1306 : i32 to index
      %get3A_1308 = tpu.vector_load %arg17[%get3A_1307] {strides = array<i32>} : memref<512xf32, #tpu.memory_space<vmem>>, vector<16xf32>,
      %broadcast_in_dim3A = arith.constant 0.000000e+00 : f32
      %broadcast_in_dim3A_1309 = vector.broadcast %broadcast_in_dim3A : f32 to vector<16xf32>
      %broadcast_in_dim3A_1310 = arith.constant 0.000000e+00 : f32
      %broadcast_in_dim3A_1311 = vector.broadcast %broadcast_in_dim3A_1310 : f32 to vector<16xf32>
      %broadcast_in_dim3A_1312 = arith.constant 0.000000e+00 : f32
      %broadcast_in_dim3A_1313 = vector.broadcast %broadcast_in_dim3A_1312 : f32 to vector<16xf32>
      %mul3A_1314 = arith.constant 16 : i32
      %mul3A_1315 = arith.muli %scan3A_1300, %mul3A_1314 : i32
      %add3A_1316 = arith.constant 0 : i32
      %add3A_1317 = arith.addi %add3A_1316, %mul3A_1315 : i32
      %get3A_1318 = arith.index_cast %add3A_1317 : i32 to index
      %get3A_1319 = tpu.vector_load %arg14[%get3A_1318] {strides = array<i32>} : memref<8192xf32, #tpu.memory_space<vmem>>, vector<16xf32>,
      %mul3A_1320 = arith.constant 16 : i32
      %mul3A_1321 = arith.muli %scan3A_1300, %mul3A_1320 : i32
      %add3A_1322 = arith.constant 0 : i32
      %add3A_1323 = arith.addi %add3A_1322, %mul3A_1321 : i32
      %get3A_1324 = arith.index_cast %add3A_1323 : i32 to index
      %get3A_1325 = tpu.vector_load %arg15[%get3A_1324] {strides = array<i32>} : memref<8192xf32, #tpu.memory_space<vmem>>, vector<16xf32>,
      %mul3A_1326 = arith.constant 5.000000e-01 : f32
      %mul3A_1327 = vector.broadcast %mul3A_1326 : f32 to vector<16xf32>
      %mul3A_1328 = arith.mulf %mul3A_1327, %get3A_1319 : vector<16xf32>
      %exp3A = math.exp %mul3A_1328 : vector<16xf32>
      %mul3A_1329 = arith.constant 5.000000e-01 : f32
      %mul3A_1330 = vector.broadcast %mul3A_1329 : f32 to vector<16xf32>
      %mul3A_1331 = arith.mulf %mul3A_1330, %get3A_1325 : vector<16xf32>
      %exp3A_1332 = math.exp %mul3A_1331 : vector<16xf32>
      %mul3A_1333 = arith.mulf %exp3A, %exp3A : vector<16xf32>
      %add3A_1334 = arith.addf %broadcast_in_dim3A_1309, %mul3A_1333 : vector<16xf32>
      %mul3A_1335 = arith.mulf %exp3A_1332, %exp3A_1332 : vector<16xf32>
      %add3A_1336 = arith.addf %broadcast_in_dim3A_1311, %mul3A_1335 : vector<16xf32>
      %mul3A_1337 = arith.mulf %exp3A, %exp3A_1332 : vector<16xf32>
      %add3A_1338 = arith.addf %broadcast_in_dim3A_1313, %mul3A_1337 : vector<16xf32>
      %mul3A_1339 = arith.constant 16 : i32
      %mul3A_1340 = arith.muli %scan3A_1300, %mul3A_1339 : i32
      %add3A_1341 = arith.constant 512 : i32
      %add3A_1342 = arith.addi %add3A_1341, %mul3A_1340 : i32
      %get3A_1343 = arith.index_cast %add3A_1342 : i32 to index
      %get3A_1344 = tpu.vector_load %arg14[%get3A_1343] {strides = array<i32>} : memref<8192xf32, #tpu.memory_space<vmem>>, vector<16xf32>,
      %mul3A_1345 = arith.constant 16 : i32
      %mul3A_1346 = arith.muli %scan3A_1300, %mul3A_1345 : i32
      %add3A_1347 = arith.constant 512 : i32
      %add3A_1348 = arith.addi %add3A_1347, %mul3A_1346 : i32
      %get3A_1349 = arith.index_cast %add3A_1348 : i32 to index
      %get3A_1350 = tpu.vector_load %arg15[%get3A_1349] {strides = array<i32>} : memref<8192xf32, #tpu.memory_space<vmem>>, vector<16xf32>,
      %mul3A_1351 = arith.constant 5.000000e-01 : f32
      %mul3A_1352 = vector.broadcast %mul3A_1351 : f32 to vector<16xf32>
      %mul3A_1353 = arith.mulf %mul3A_1352, %get3A_1344 : vector<16xf32>
      %exp3A_1354 = math.exp %mul3A_1353 : vector<16xf32>
      %mul3A_1355 = arith.constant 5.000000e-01 : f32
      %mul3A_1356 = vector.broadcast %mul3A_1355 : f32 to vector<16xf32>
      %mul3A_1357 = arith.mulf %mul3A_1356, %get3A_1350 : vector<16xf32>
      %exp3A_1358 = math.exp %mul3A_1357 : vector<16xf32>
      %mul3A_1359 = arith.mulf %exp3A_1354, %exp3A_1354 : vector<16xf32>
      %add3A_1360 = arith.addf %add3A_1334, %mul3A_1359 : vector<16xf32>
      %mul3A_1361 = arith.mulf %exp3A_1358, %exp3A_1358 : vector<16xf32>
      %add3A_1362 = arith.addf %add3A_1336, %mul3A_1361 : vector<16xf32>
      %mul3A_1363 = arith.mulf %exp3A_1354, %exp3A_1358 : vector<16xf32>
      %add3A_1364 = arith.addf %add3A_1338, %mul3A_1363 : vector<16xf32>
      %mul3A_1365 = arith.constant 16 : i32
      %mul3A_1366 = arith.muli %scan3A_1300, %mul3A_1365 : i32
      %add3A_1367 = arith.constant 1024 : i32
      %add3A_1368 = arith.addi %add3A_1367, %mul3A_1366 : i32
      %get3A_1369 = arith.index_cast %add3A_1368 : i32 to index
      %get3A_1370 = tpu.vector_load %arg14[%get3A_1369] {strides = array<i32>} : memref<8192xf32, #tpu.memory_space<vmem>>, vector<16xf32>,
      %mul3A_1371 = arith.constant 16 : i32
      %mul3A_1372 = arith.muli %scan3A_1300, %mul3A_1371 : i32
      %add3A_1373 = arith.constant 1024 : i32
      %add3A_1374 = arith.addi %add3A_1373, %mul3A_1372 : i32
      %get3A_1375 = arith.index_cast %add3A_1374 : i32 to index
      %get3A_1376 = tpu.vector_load %arg15[%get3A_1375] {strides = array<i32>} : memref<8192xf32, #tpu.memory_space<vmem>>, vector<16xf32>,
      %mul3A_1377 = arith.constant 5.000000e-01 : f32
      %mul3A_1378 = vector.broadcast %mul3A_1377 : f32 to vector<16xf32>
      %mul3A_1379 = arith.mulf %mul3A_1378, %get3A_1370 : vector<16xf32>
      %exp3A_1380 = math.exp %mul3A_1379 : vector<16xf32>
      %mul3A_1381 = arith.constant 5.000000e-01 : f32
      %mul3A_1382 = vector.broadcast %mul3A_1381 : f32 to vector<16xf32>
      %mul3A_1383 = arith.mulf %mul3A_1382, %get3A_1376 : vector<16xf32>
      %exp3A_1384 = math.exp %mul3A_1383 : vector<16xf32>
      %mul3A_1385 = arith.mulf %exp3A_1380, %exp3A_1380 : vector<16xf32>
      %add3A_1386 = arith.addf %add3A_1360, %mul3A_1385 : vector<16xf32>
      %mul3A_1387 = arith.mulf %exp3A_1384, %exp3A_1384 : vector<16xf32>
      %add3A_1388 = arith.addf %add3A_1362, %mul3A_1387 : vector<16xf32>
      %mul3A_1389 = arith.mulf %exp3A_1380, %exp3A_1384 : vector<16xf32>
      %add3A_1390 = arith.addf %add3A_1364, %mul3A_1389 : vector<16xf32>
      %mul3A_1391 = arith.constant 16 : i32
      %mul3A_1392 = arith.muli %scan3A_1300, %mul3A_1391 : i32
      %add3A_1393 = arith.constant 1536 : i32
      %add3A_1394 = arith.addi %add3A_1393, %mul3A_1392 : i32
      %get3A_1395 = arith.index_cast %add3A_1394 : i32 to index
      %get3A_1396 = tpu.vector_load %arg14[%get3A_1395] {strides = array<i32>} : memref<8192xf32, #tpu.memory_space<vmem>>, vector<16xf32>,
      %mul3A_1397 = arith.constant 16 : i32
      %mul3A_1398 = arith.muli %scan3A_1300, %mul3A_1397 : i32
      %add3A_1399 = arith.constant 1536 : i32
      %add3A_1400 = arith.addi %add3A_1399, %mul3A_1398 : i32
      %get3A_1401 = arith.index_cast %add3A_1400 : i32 to index
      %get3A_1402 = tpu.vector_load %arg15[%get3A_1401] {strides = array<i32>} : memref<8192xf32, #tpu.memory_space<vmem>>, vector<16xf32>,
      %mul3A_1403 = arith.constant 5.000000e-01 : f32
      %mul3A_1404 = vector.broadcast %mul3A_1403 : f32 to vector<16xf32>
      %mul3A_1405 = arith.mulf %mul3A_1404, %get3A_1396 : vector<16xf32>
      %exp3A_1406 = math.exp %mul3A_1405 : vector<16xf32>
      %mul3A_1407 = arith.constant 5.000000e-01 : f32
      %mul3A_1408 = vector.broadcast %mul3A_1407 : f32 to vector<16xf32>
      %mul3A_1409 = arith.mulf %mul3A_1408, %get3A_1402 : vector<16xf32>
      %exp3A_1410 = math.exp %mul3A_1409 : vector<16xf32>
      %mul3A_1411 = arith.mulf %exp3A_1406, %exp3A_1406 : vector<16xf32>
      %add3A_1412 = arith.addf %add3A_1386, %mul3A_1411 : vector<16xf32>
      %mul3A_1413 = arith.mulf %exp3A_1410, %exp3A_1410 : vector<16xf32>
      %add3A_1414 = arith.addf %add3A_1388, %mul3A_1413 : vector<16xf32>
      %mul3A_1415 = arith.mulf %exp3A_1406, %exp3A_1410 : vector<16xf32>
      %add3A_1416 = arith.addf %add3A_1390, %mul3A_1415 : vector<16xf32>
      %mul3A_1417 = arith.constant 16 : i32
      %mul3A_1418 = arith.muli %scan3A_1300, %mul3A_1417 : i32
      %add3A_1419 = arith.constant 2048 : i32
      %add3A_1420 = arith.addi %add3A_1419, %mul3A_1418 : i32
      %get3A_1421 = arith.index_cast %add3A_1420 : i32 to index
      %get3A_1422 = tpu.vector_load %arg14[%get3A_1421] {strides = array<i32>} : memref<8192xf32, #tpu.memory_space<vmem>>, vector<16xf32>,
      %mul3A_1423 = arith.constant 16 : i32
      %mul3A_1424 = arith.muli %scan3A_1300, %mul3A_1423 : i32
      %add3A_1425 = arith.constant 2048 : i32
      %add3A_1426 = arith.addi %add3A_1425, %mul3A_1424 : i32
      %get3A_1427 = arith.index_cast %add3A_1426 : i32 to index
      %get3A_1428 = tpu.vector_load %arg15[%get3A_1427] {strides = array<i32>} : memref<8192xf32, #tpu.memory_space<vmem>>, vector<16xf32>,
      %mul3A_1429 = arith.constant 5.000000e-01 : f32
      %mul3A_1430 = vector.broadcast %mul3A_1429 : f32 to vector<16xf32>
      %mul3A_1431 = arith.mulf %mul3A_1430, %get3A_1422 : vector<16xf32>
      %exp3A_1432 = math.exp %mul3A_1431 : vector<16xf32>
      %mul3A_1433 = arith.constant 5.000000e-01 : f32
      %mul3A_1434 = vector.broadcast %mul3A_1433 : f32 to vector<16xf32>
      %mul3A_1435 = arith.mulf %mul3A_1434, %get3A_1428 : vector<16xf32>
      %exp3A_1436 = math.exp %mul3A_1435 : vector<16xf32>
      %mul3A_1437 = arith.mulf %exp3A_1432, %exp3A_1432 : vector<16xf32>
      %add3A_1438 = arith.addf %add3A_1412, %mul3A_1437 : vector<16xf32>
      %mul3A_1439 = arith.mulf %exp3A_1436, %exp3A_1436 : vector<16xf32>
      %add3A_1440 = arith.addf %add3A_1414, %mul3A_1439 : vector<16xf32>
      %mul3A_1441 = arith.mulf %exp3A_1432, %exp3A_1436 : vector<16xf32>
      %add3A_1442 = arith.addf %add3A_1416, %mul3A_1441 : vector<16xf32>
      %mul3A_1443 = arith.constant 16 : i32
      %mul3A_1444 = arith.muli %scan3A_1300, %mul3A_1443 : i32
      %add3A_1445 = arith.constant 2560 : i32
      %add3A_1446 = arith.addi %add3A_1445, %mul3A_1444 : i32
      %get3A_1447 = arith.index_cast %add3A_1446 : i32 to index
      %get3A_1448 = tpu.vector_load %arg14[%get3A_1447] {strides = array<i32>} : memref<8192xf32, #tpu.memory_space<vmem>>, vector<16xf32>,
      %mul3A_1449 = arith.constant 16 : i32
      %mul3A_1450 = arith.muli %scan3A_1300, %mul3A_1449 : i32
      %add3A_1451 = arith.constant 2560 : i32
      %add3A_1452 = arith.addi %add3A_1451, %mul3A_1450 : i32
      %get3A_1453 = arith.index_cast %add3A_1452 : i32 to index
      %get3A_1454 = tpu.vector_load %arg15[%get3A_1453] {strides = array<i32>} : memref<8192xf32, #tpu.memory_space<vmem>>, vector<16xf32>,
      %mul3A_1455 = arith.constant 5.000000e-01 : f32
      %mul3A_1456 = vector.broadcast %mul3A_1455 : f32 to vector<16xf32>
      %mul3A_1457 = arith.mulf %mul3A_1456, %get3A_1448 : vector<16xf32>
      %exp3A_1458 = math.exp %mul3A_1457 : vector<16xf32>
      %mul3A_1459 = arith.constant 5.000000e-01 : f32
      %mul3A_1460 = vector.broadcast %mul3A_1459 : f32 to vector<16xf32>
      %mul3A_1461 = arith.mulf %mul3A_1460, %get3A_1454 : vector<16xf32>
      %exp3A_1462 = math.exp %mul3A_1461 : vector<16xf32>
      %mul3A_1463 = arith.mulf %exp3A_1458, %exp3A_1458 : vector<16xf32>
      %add3A_1464 = arith.addf %add3A_1438, %mul3A_1463 : vector<16xf32>
      %mul3A_1465 = arith.mulf %exp3A_1462, %exp3A_1462 : vector<16xf32>
      %add3A_1466 = arith.addf %add3A_1440, %mul3A_1465 : vector<16xf32>
      %mul3A_1467 = arith.mulf %exp3A_1458, %exp3A_1462 : vector<16xf32>
      %add3A_1468 = arith.addf %add3A_1442, %mul3A_1467 : vector<16xf32>
      %mul3A_1469 = arith.constant 16 : i32
      %mul3A_1470 = arith.muli %scan3A_1300, %mul3A_1469 : i32
      %add3A_1471 = arith.constant 3072 : i32
      %add3A_1472 = arith.addi %add3A_1471, %mul3A_1470 : i32
      %get3A_1473 = arith.index_cast %add3A_1472 : i32 to index
      %get3A_1474 = tpu.vector_load %arg14[%get3A_1473] {strides = array<i32>} : memref<8192xf32, #tpu.memory_space<vmem>>, vector<16xf32>,
      %mul3A_1475 = arith.constant 16 : i32
      %mul3A_1476 = arith.muli %scan3A_1300, %mul3A_1475 : i32
      %add3A_1477 = arith.constant 3072 : i32
      %add3A_1478 = arith.addi %add3A_1477, %mul3A_1476 : i32
      %get3A_1479 = arith.index_cast %add3A_1478 : i32 to index
      %get3A_1480 = tpu.vector_load %arg15[%get3A_1479] {strides = array<i32>} : memref<8192xf32, #tpu.memory_space<vmem>>, vector<16xf32>,
      %mul3A_1481 = arith.constant 5.000000e-01 : f32
      %mul3A_1482 = vector.broadcast %mul3A_1481 : f32 to vector<16xf32>
      %mul3A_1483 = arith.mulf %mul3A_1482, %get3A_1474 : vector<16xf32>
      %exp3A_1484 = math.exp %mul3A_1483 : vector<16xf32>
      %mul3A_1485 = arith.constant 5.000000e-01 : f32
      %mul3A_1486 = vector.broadcast %mul3A_1485 : f32 to vector<16xf32>
      %mul3A_1487 = arith.mulf %mul3A_1486, %get3A_1480 : vector<16xf32>
      %exp3A_1488 = math.exp %mul3A_1487 : vector<16xf32>
      %mul3A_1489 = arith.mulf %exp3A_1484, %exp3A_1484 : vector<16xf32>
      %add3A_1490 = arith.addf %add3A_1464, %mul3A_1489 : vector<16xf32>
      %mul3A_1491 = arith.mulf %exp3A_1488, %exp3A_1488 : vector<16xf32>
      %add3A_1492 = arith.addf %add3A_1466, %mul3A_1491 : vector<16xf32>
      %mul3A_1493 = arith.mulf %exp3A_1484, %exp3A_1488 : vector<16xf32>
      %add3A_1494 = arith.addf %add3A_1468, %mul3A_1493 : vector<16xf32>
      %mul3A_1495 = arith.constant 16 : i32
      %mul3A_1496 = arith.muli %scan3A_1300, %mul3A_1495 : i32
      %add3A_1497 = arith.constant 3584 : i32
      %add3A_1498 = arith.addi %add3A_1497, %mul3A_1496 : i32
      %get3A_1499 = arith.index_cast %add3A_1498 : i32 to index
      %get3A_1500 = tpu.vector_load %arg14[%get3A_1499] {strides = array<i32>} : memref<8192xf32, #tpu.memory_space<vmem>>, vector<16xf32>,
      %mul3A_1501 = arith.constant 16 : i32
      %mul3A_1502 = arith.muli %scan3A_1300, %mul3A_1501 : i32
      %add3A_1503 = arith.constant 3584 : i32
      %add3A_1504 = arith.addi %add3A_1503, %mul3A_1502 : i32
      %get3A_1505 = arith.index_cast %add3A_1504 : i32 to index
      %get3A_1506 = tpu.vector_load %arg15[%get3A_1505] {strides = array<i32>} : memref<8192xf32, #tpu.memory_space<vmem>>, vector<16xf32>,
      %mul3A_1507 = arith.constant 5.000000e-01 : f32
      %mul3A_1508 = vector.broadcast %mul3A_1507 : f32 to vector<16xf32>
      %mul3A_1509 = arith.mulf %mul3A_1508, %get3A_1500 : vector<16xf32>
      %exp3A_1510 = math.exp %mul3A_1509 : vector<16xf32>
      %mul3A_1511 = arith.constant 5.000000e-01 : f32
      %mul3A_1512 = vector.broadcast %mul3A_1511 : f32 to vector<16xf32>
      %mul3A_1513 = arith.mulf %mul3A_1512, %get3A_1506 : vector<16xf32>
      %exp3A_1514 = math.exp %mul3A_1513 : vector<16xf32>
      %mul3A_1515 = arith.mulf %exp3A_1510, %exp3A_1510 : vector<16xf32>
      %add3A_1516 = arith.addf %add3A_1490, %mul3A_1515 : vector<16xf32>
      %mul3A_1517 = arith.mulf %exp3A_1514, %exp3A_1514 : vector<16xf32>
      %add3A_1518 = arith.addf %add3A_1492, %mul3A_1517 : vector<16xf32>
      %mul3A_1519 = arith.mulf %exp3A_1510, %exp3A_1514 : vector<16xf32>
      %add3A_1520 = arith.addf %add3A_1494, %mul3A_1519 : vector<16xf32>
      %mul3A_1521 = arith.constant 16 : i32
      %mul3A_1522 = arith.muli %scan3A_1300, %mul3A_1521 : i32
      %add3A_1523 = arith.constant 4096 : i32
      %add3A_1524 = arith.addi %add3A_1523, %mul3A_1522 : i32
      %get3A_1525 = arith.index_cast %add3A_1524 : i32 to index
      %get3A_1526 = tpu.vector_load %arg14[%get3A_1525] {strides = array<i32>} : memref<8192xf32, #tpu.memory_space<vmem>>, vector<16xf32>,
      %mul3A_1527 = arith.constant 16 : i32
      %mul3A_1528 = arith.muli %scan3A_1300, %mul3A_1527 : i32
      %add3A_1529 = arith.constant 4096 : i32
      %add3A_1530 = arith.addi %add3A_1529, %mul3A_1528 : i32
      %get3A_1531 = arith.index_cast %add3A_1530 : i32 to index
      %get3A_1532 = tpu.vector_load %arg15[%get3A_1531] {strides = array<i32>} : memref<8192xf32, #tpu.memory_space<vmem>>, vector<16xf32>,
      %mul3A_1533 = arith.constant 5.000000e-01 : f32
      %mul3A_1534 = vector.broadcast %mul3A_1533 : f32 to vector<16xf32>
      %mul3A_1535 = arith.mulf %mul3A_1534, %get3A_1526 : vector<16xf32>
      %exp3A_1536 = math.exp %mul3A_1535 : vector<16xf32>
      %mul3A_1537 = arith.constant 5.000000e-01 : f32
      %mul3A_1538 = vector.broadcast %mul3A_1537 : f32 to vector<16xf32>
      %mul3A_1539 = arith.mulf %mul3A_1538, %get3A_1532 : vector<16xf32>
      %exp3A_1540 = math.exp %mul3A_1539 : vector<16xf32>
      %mul3A_1541 = arith.mulf %exp3A_1536, %exp3A_1536 : vector<16xf32>
      %add3A_1542 = arith.addf %add3A_1516, %mul3A_1541 : vector<16xf32>
      %mul3A_1543 = arith.mulf %exp3A_1540, %exp3A_1540 : vector<16xf32>
      %add3A_1544 = arith.addf %add3A_1518, %mul3A_1543 : vector<16xf32>
      %mul3A_1545 = arith.mulf %exp3A_1536, %exp3A_1540 : vector<16xf32>
      %add3A_1546 = arith.addf %add3A_1520, %mul3A_1545 : vector<16xf32>
      %mul3A_1547 = arith.constant 16 : i32
      %mul3A_1548 = arith.muli %scan3A_1300, %mul3A_1547 : i32
      %add3A_1549 = arith.constant 4608 : i32
      %add3A_1550 = arith.addi %add3A_1549, %mul3A_1548 : i32
      %get3A_1551 = arith.index_cast %add3A_1550 : i32 to index
      %get3A_1552 = tpu.vector_load %arg14[%get3A_1551] {strides = array<i32>} : memref<8192xf32, #tpu.memory_space<vmem>>, vector<16xf32>,
      %mul3A_1553 = arith.constant 16 : i32
      %mul3A_1554 = arith.muli %scan3A_1300, %mul3A_1553 : i32
      %add3A_1555 = arith.constant 4608 : i32
      %add3A_1556 = arith.addi %add3A_1555, %mul3A_1554 : i32
      %get3A_1557 = arith.index_cast %add3A_1556 : i32 to index
      %get3A_1558 = tpu.vector_load %arg15[%get3A_1557] {strides = array<i32>} : memref<8192xf32, #tpu.memory_space<vmem>>, vector<16xf32>,
      %mul3A_1559 = arith.constant 5.000000e-01 : f32
      %mul3A_1560 = vector.broadcast %mul3A_1559 : f32 to vector<16xf32>
      %mul3A_1561 = arith.mulf %mul3A_1560, %get3A_1552 : vector<16xf32>
      %exp3A_1562 = math.exp %mul3A_1561 : vector<16xf32>
      %mul3A_1563 = arith.constant 5.000000e-01 : f32
      %mul3A_1564 = vector.broadcast %mul3A_1563 : f32 to vector<16xf32>
      %mul3A_1565 = arith.mulf %mul3A_1564, %get3A_1558 : vector<16xf32>
      %exp3A_1566 = math.exp %mul3A_1565 : vector<16xf32>
      %mul3A_1567 = arith.mulf %exp3A_1562, %exp3A_1562 : vector<16xf32>
      %add3A_1568 = arith.addf %add3A_1542, %mul3A_1567 : vector<16xf32>
      %mul3A_1569 = arith.mulf %exp3A_1566, %exp3A_1566 : vector<16xf32>
      %add3A_1570 = arith.addf %add3A_1544, %mul3A_1569 : vector<16xf32>
      %mul3A_1571 = arith.mulf %exp3A_1562, %exp3A_1566 : vector<16xf32>
      %add3A_1572 = arith.addf %add3A_1546, %mul3A_1571 : vector<16xf32>
      %mul3A_1573 = arith.constant 16 : i32
      %mul3A_1574 = arith.muli %scan3A_1300, %mul3A_1573 : i32
      %add3A_1575 = arith.constant 5120 : i32
      %add3A_1576 = arith.addi %add3A_1575, %mul3A_1574 : i32
      %get3A_1577 = arith.index_cast %add3A_1576 : i32 to index
      %get3A_1578 = tpu.vector_load %arg14[%get3A_1577] {strides = array<i32>} : memref<8192xf32, #tpu.memory_space<vmem>>, vector<16xf32>,
      %mul3A_1579 = arith.constant 16 : i32
      %mul3A_1580 = arith.muli %scan3A_1300, %mul3A_1579 : i32
      %add3A_1581 = arith.constant 5120 : i32
      %add3A_1582 = arith.addi %add3A_1581, %mul3A_1580 : i32
      %get3A_1583 = arith.index_cast %add3A_1582 : i32 to index
      %get3A_1584 = tpu.vector_load %arg15[%get3A_1583] {strides = array<i32>} : memref<8192xf32, #tpu.memory_space<vmem>>, vector<16xf32>,
      %mul3A_1585 = arith.constant 5.000000e-01 : f32
      %mul3A_1586 = vector.broadcast %mul3A_1585 : f32 to vector<16xf32>
      %mul3A_1587 = arith.mulf %mul3A_1586, %get3A_1578 : vector<16xf32>
      %exp3A_1588 = math.exp %mul3A_1587 : vector<16xf32>
      %mul3A_1589 = arith.constant 5.000000e-01 : f32
      %mul3A_1590 = vector.broadcast %mul3A_1589 : f32 to vector<16xf32>
      %mul3A_1591 = arith.mulf %mul3A_1590, %get3A_1584 : vector<16xf32>
      %exp3A_1592 = math.exp %mul3A_1591 : vector<16xf32>
      %mul3A_1593 = arith.mulf %exp3A_1588, %exp3A_1588 : vector<16xf32>
      %add3A_1594 = arith.addf %add3A_1568, %mul3A_1593 : vector<16xf32>
      %mul3A_1595 = arith.mulf %exp3A_1592, %exp3A_1592 : vector<16xf32>
      %add3A_1596 = arith.addf %add3A_1570, %mul3A_1595 : vector<16xf32>
      %mul3A_1597 = arith.mulf %exp3A_1588, %exp3A_1592 : vector<16xf32>
      %add3A_1598 = arith.addf %add3A_1572, %mul3A_1597 : vector<16xf32>
      %mul3A_1599 = arith.constant 16 : i32
      %mul3A_1600 = arith.muli %scan3A_1300, %mul3A_1599 : i32
      %add3A_1601 = arith.constant 5632 : i32
      %add3A_1602 = arith.addi %add3A_1601, %mul3A_1600 : i32
      %get3A_1603 = arith.index_cast %add3A_1602 : i32 to index
      %get3A_1604 = tpu.vector_load %arg14[%get3A_1603] {strides = array<i32>} : memref<8192xf32, #tpu.memory_space<vmem>>, vector<16xf32>,
      %mul3A_1605 = arith.constant 16 : i32
      %mul3A_1606 = arith.muli %scan3A_1300, %mul3A_1605 : i32
      %add3A_1607 = arith.constant 5632 : i32
      %add3A_1608 = arith.addi %add3A_1607, %mul3A_1606 : i32
      %get3A_1609 = arith.index_cast %add3A_1608 : i32 to index
      %get3A_1610 = tpu.vector_load %arg15[%get3A_1609] {strides = array<i32>} : memref<8192xf32, #tpu.memory_space<vmem>>, vector<16xf32>,
      %mul3A_1611 = arith.constant 5.000000e-01 : f32
      %mul3A_1612 = vector.broadcast %mul3A_1611 : f32 to vector<16xf32>
      %mul3A_1613 = arith.mulf %mul3A_1612, %get3A_1604 : vector<16xf32>
      %exp3A_1614 = math.exp %mul3A_1613 : vector<16xf32>
      %mul3A_1615 = arith.constant 5.000000e-01 : f32
      %mul3A_1616 = vector.broadcast %mul3A_1615 : f32 to vector<16xf32>
      %mul3A_1617 = arith.mulf %mul3A_1616, %get3A_1610 : vector<16xf32>
      %exp3A_1618 = math.exp %mul3A_1617 : vector<16xf32>
      %mul3A_1619 = arith.mulf %exp3A_1614, %exp3A_1614 : vector<16xf32>
      %add3A_1620 = arith.addf %add3A_1594, %mul3A_1619 : vector<16xf32>
      %mul3A_1621 = arith.mulf %exp3A_1618, %exp3A_1618 : vector<16xf32>
      %add3A_1622 = arith.addf %add3A_1596, %mul3A_1621 : vector<16xf32>
      %mul3A_1623 = arith.mulf %exp3A_1614, %exp3A_1618 : vector<16xf32>
      %add3A_1624 = arith.addf %add3A_1598, %mul3A_1623 : vector<16xf32>
      %mul3A_1625 = arith.constant 16 : i32
      %mul3A_1626 = arith.muli %scan3A_1300, %mul3A_1625 : i32
      %add3A_1627 = arith.constant 6144 : i32
      %add3A_1628 = arith.addi %add3A_1627, %mul3A_1626 : i32
      %get3A_1629 = arith.index_cast %add3A_1628 : i32 to index
      %get3A_1630 = tpu.vector_load %arg14[%get3A_1629] {strides = array<i32>} : memref<8192xf32, #tpu.memory_space<vmem>>, vector<16xf32>,
      %mul3A_1631 = arith.constant 16 : i32
      %mul3A_1632 = arith.muli %scan3A_1300, %mul3A_1631 : i32
      %add3A_1633 = arith.constant 6144 : i32
      %add3A_1634 = arith.addi %add3A_1633, %mul3A_1632 : i32
      %get3A_1635 = arith.index_cast %add3A_1634 : i32 to index
      %get3A_1636 = tpu.vector_load %arg15[%get3A_1635] {strides = array<i32>} : memref<8192xf32, #tpu.memory_space<vmem>>, vector<16xf32>,
      %mul3A_1637 = arith.constant 5.000000e-01 : f32
      %mul3A_1638 = vector.broadcast %mul3A_1637 : f32 to vector<16xf32>
      %mul3A_1639 = arith.mulf %mul3A_1638, %get3A_1630 : vector<16xf32>
      %exp3A_1640 = math.exp %mul3A_1639 : vector<16xf32>
      %mul3A_1641 = arith.constant 5.000000e-01 : f32
      %mul3A_1642 = vector.broadcast %mul3A_1641 : f32 to vector<16xf32>
      %mul3A_1643 = arith.mulf %mul3A_1642, %get3A_1636 : vector<16xf32>
      %exp3A_1644 = math.exp %mul3A_1643 : vector<16xf32>
      %mul3A_1645 = arith.mulf %exp3A_1640, %exp3A_1640 : vector<16xf32>
      %add3A_1646 = arith.addf %add3A_1620, %mul3A_1645 : vector<16xf32>
      %mul3A_1647 = arith.mulf %exp3A_1644, %exp3A_1644 : vector<16xf32>
      %add3A_1648 = arith.addf %add3A_1622, %mul3A_1647 : vector<16xf32>
      %mul3A_1649 = arith.mulf %exp3A_1640, %exp3A_1644 : vector<16xf32>
      %add3A_1650 = arith.addf %add3A_1624, %mul3A_1649 : vector<16xf32>
      %mul3A_1651 = arith.constant 16 : i32
      %mul3A_1652 = arith.muli %scan3A_1300, %mul3A_1651 : i32
      %add3A_1653 = arith.constant 6656 : i32
      %add3A_1654 = arith.addi %add3A_1653, %mul3A_1652 : i32
      %get3A_1655 = arith.index_cast %add3A_1654 : i32 to index
      %get3A_1656 = tpu.vector_load %arg14[%get3A_1655] {strides = array<i32>} : memref<8192xf32, #tpu.memory_space<vmem>>, vector<16xf32>,
      %mul3A_1657 = arith.constant 16 : i32
      %mul3A_1658 = arith.muli %scan3A_1300, %mul3A_1657 : i32
      %add3A_1659 = arith.constant 6656 : i32
      %add3A_1660 = arith.addi %add3A_1659, %mul3A_1658 : i32
      %get3A_1661 = arith.index_cast %add3A_1660 : i32 to index
      %get3A_1662 = tpu.vector_load %arg15[%get3A_1661] {strides = array<i32>} : memref<8192xf32, #tpu.memory_space<vmem>>, vector<16xf32>,
      %mul3A_1663 = arith.constant 5.000000e-01 : f32
      %mul3A_1664 = vector.broadcast %mul3A_1663 : f32 to vector<16xf32>
      %mul3A_1665 = arith.mulf %mul3A_1664, %get3A_1656 : vector<16xf32>
      %exp3A_1666 = math.exp %mul3A_1665 : vector<16xf32>
      %mul3A_1667 = arith.constant 5.000000e-01 : f32
      %mul3A_1668 = vector.broadcast %mul3A_1667 : f32 to vector<16xf32>
      %mul3A_1669 = arith.mulf %mul3A_1668, %get3A_1662 : vector<16xf32>
      %exp3A_1670 = math.exp %mul3A_1669 : vector<16xf32>
      %mul3A_1671 = arith.mulf %exp3A_1666, %exp3A_1666 : vector<16xf32>
      %add3A_1672 = arith.addf %add3A_1646, %mul3A_1671 : vector<16xf32>
      %mul3A_1673 = arith.mulf %exp3A_1670, %exp3A_1670 : vector<16xf32>
      %add3A_1674 = arith.addf %add3A_1648, %mul3A_1673 : vector<16xf32>
      %mul3A_1675 = arith.mulf %exp3A_1666, %exp3A_1670 : vector<16xf32>
      %add3A_1676 = arith.addf %add3A_1650, %mul3A_1675 : vector<16xf32>
      %mul3A_1677 = arith.constant 16 : i32
      %mul3A_1678 = arith.muli %scan3A_1300, %mul3A_1677 : i32
      %add3A_1679 = arith.constant 7168 : i32
      %add3A_1680 = arith.addi %add3A_1679, %mul3A_1678 : i32
      %get3A_1681 = arith.index_cast %add3A_1680 : i32 to index
      %get3A_1682 = tpu.vector_load %arg14[%get3A_1681] {strides = array<i32>} : memref<8192xf32, #tpu.memory_space<vmem>>, vector<16xf32>,
      %mul3A_1683 = arith.constant 16 : i32
      %mul3A_1684 = arith.muli %scan3A_1300, %mul3A_1683 : i32
      %add3A_1685 = arith.constant 7168 : i32
      %add3A_1686 = arith.addi %add3A_1685, %mul3A_1684 : i32
      %get3A_1687 = arith.index_cast %add3A_1686 : i32 to index
      %get3A_1688 = tpu.vector_load %arg15[%get3A_1687] {strides = array<i32>} : memref<8192xf32, #tpu.memory_space<vmem>>, vector<16xf32>,
      %mul3A_1689 = arith.constant 5.000000e-01 : f32
      %mul3A_1690 = vector.broadcast %mul3A_1689 : f32 to vector<16xf32>
      %mul3A_1691 = arith.mulf %mul3A_1690, %get3A_1682 : vector<16xf32>
      %exp3A_1692 = math.exp %mul3A_1691 : vector<16xf32>
      %mul3A_1693 = arith.constant 5.000000e-01 : f32
      %mul3A_1694 = vector.broadcast %mul3A_1693 : f32 to vector<16xf32>
      %mul3A_1695 = arith.mulf %mul3A_1694, %get3A_1688 : vector<16xf32>
      %exp3A_1696 = math.exp %mul3A_1695 : vector<16xf32>
      %mul3A_1697 = arith.mulf %exp3A_1692, %exp3A_1692 : vector<16xf32>
      %add3A_1698 = arith.addf %add3A_1672, %mul3A_1697 : vector<16xf32>
      %mul3A_1699 = arith.mulf %exp3A_1696, %exp3A_1696 : vector<16xf32>
      %add3A_1700 = arith.addf %add3A_1674, %mul3A_1699 : vector<16xf32>
      %mul3A_1701 = arith.mulf %exp3A_1692, %exp3A_1696 : vector<16xf32>
      %add3A_1702 = arith.addf %add3A_1676, %mul3A_1701 : vector<16xf32>
      %mul3A_1703 = arith.constant 16 : i32
      %mul3A_1704 = arith.muli %scan3A_1300, %mul3A_1703 : i32
      %add3A_1705 = arith.constant 7680 : i32
      %add3A_1706 = arith.addi %add3A_1705, %mul3A_1704 : i32
      %get3A_1707 = arith.index_cast %add3A_1706 : i32 to index
      %get3A_1708 = tpu.vector_load %arg14[%get3A_1707] {strides = array<i32>} : memref<8192xf32, #tpu.memory_space<vmem>>, vector<16xf32>,
      %mul3A_1709 = arith.constant 16 : i32
      %mul3A_1710 = arith.muli %scan3A_1300, %mul3A_1709 : i32
      %add3A_1711 = arith.constant 7680 : i32
      %add3A_1712 = arith.addi %add3A_1711, %mul3A_1710 : i32
      %get3A_1713 = arith.index_cast %add3A_1712 : i32 to index
      %get3A_1714 = tpu.vector_load %arg15[%get3A_1713] {strides = array<i32>} : memref<8192xf32, #tpu.memory_space<vmem>>, vector<16xf32>,
      %mul3A_1715 = arith.constant 5.000000e-01 : f32
      %mul3A_1716 = vector.broadcast %mul3A_1715 : f32 to vector<16xf32>
      %mul3A_1717 = arith.mulf %mul3A_1716, %get3A_1708 : vector<16xf32>
      %exp3A_1718 = math.exp %mul3A_1717 : vector<16xf32>
      %mul3A_1719 = arith.constant 5.000000e-01 : f32
      %mul3A_1720 = vector.broadcast %mul3A_1719 : f32 to vector<16xf32>
      %mul3A_1721 = arith.mulf %mul3A_1720, %get3A_1714 : vector<16xf32>
      %exp3A_1722 = math.exp %mul3A_1721 : vector<16xf32>
      %mul3A_1723 = arith.mulf %exp3A_1718, %exp3A_1718 : vector<16xf32>
      %add3A_1724 = arith.addf %add3A_1698, %mul3A_1723 : vector<16xf32>
      %mul3A_1725 = arith.mulf %exp3A_1722, %exp3A_1722 : vector<16xf32>
      %add3A_1726 = arith.addf %add3A_1700, %mul3A_1725 : vector<16xf32>
      %mul3A_1727 = arith.mulf %exp3A_1718, %exp3A_1722 : vector<16xf32>
      %add3A_1728 = arith.addf %add3A_1702, %mul3A_1727 : vector<16xf32>
      %mul3A_1729 = arith.mulf %add3A_1724, %add3A_1726 : vector<16xf32>
      %bitcast3A = vector.bitcast %mul3A_1729 : vector<16xf32> to vector<16xi32>
      %shift_right_arithmetic3A_1730 = arith.constant 1 : i32
      %shift_right_arithmetic3A_1731 = vector.broadcast %shift_right_arithmetic3A_1730 : i32 to vector<16xi32>
      %shift_right_arithmetic3A_1732 = arith.shrsi %bitcast3A, %shift_right_arithmetic3A_1731 : vector<16xi32>
      %sub3A = arith.constant 1597463007 : i32
      %sub3A_1733 = vector.broadcast %sub3A : i32 to vector<16xi32>
      %sub3A_1734 = arith.subi %sub3A_1733, %shift_right_arithmetic3A_1732 : vector<16xi32>
      %bitcast3A_1735 = vector.bitcast %sub3A_1734 : vector<16xi32> to vector<16xf32>
      %mul3A_1736 = arith.constant 5.000000e-01 : f32
      %mul3A_1737 = vector.broadcast %mul3A_1736 : f32 to vector<16xf32>
      %mul3A_1738 = arith.mulf %mul3A_1737, %mul3A_1729 : vector<16xf32>
      %mul3A_1739 = arith.mulf %mul3A_1738, %bitcast3A_1735 : vector<16xf32>
      %mul3A_1740 = arith.mulf %mul3A_1739, %bitcast3A_1735 : vector<16xf32>
      %sub3A_1741 = arith.constant 1.500000e+00 : f32
      %sub3A_1742 = vector.broadcast %sub3A_1741 : f32 to vector<16xf32>
      %sub3A_1743 = arith.subf %sub3A_1742, %mul3A_1740 : vector<16xf32>
      %mul3A_1744 = arith.mulf %bitcast3A_1735, %sub3A_1743 : vector<16xf32>
      %mul3A_1745 = arith.constant 5.000000e-01 : f32
      %mul3A_1746 = vector.broadcast %mul3A_1745 : f32 to vector<16xf32>
      %mul3A_1747 = arith.mulf %mul3A_1746, %mul3A_1729 : vector<16xf32>
      %mul3A_1748 = arith.mulf %mul3A_1747, %mul3A_1744 : vector<16xf32>
      %mul3A_1749 = arith.mulf %mul3A_1748, %mul3A_1744 : vector<16xf32>
      %sub3A_1750 = arith.constant 1.500000e+00 : f32
      %sub3A_1751 = vector.broadcast %sub3A_1750 : f32 to vector<16xf32>
      %sub3A_1752 = arith.subf %sub3A_1751, %mul3A_1749 : vector<16xf32>
      %mul3A_1753 = arith.mulf %mul3A_1744, %sub3A_1752 : vector<16xf32>
      %mul3A_1754 = arith.constant 5.000000e-01 : f32
      %mul3A_1755 = vector.broadcast %mul3A_1754 : f32 to vector<16xf32>
      %mul3A_1756 = arith.mulf %mul3A_1755, %mul3A_1729 : vector<16xf32>
      %mul3A_1757 = arith.mulf %mul3A_1756, %mul3A_1753 : vector<16xf32>
      %mul3A_1758 = arith.mulf %mul3A_1757, %mul3A_1753 : vector<16xf32>
      %sub3A_1759 = arith.constant 1.500000e+00 : f32
      %sub3A_1760 = vector.broadcast %sub3A_1759 : f32 to vector<16xf32>
      %sub3A_1761 = arith.subf %sub3A_1760, %mul3A_1758 : vector<16xf32>
      %mul3A_1762 = arith.mulf %mul3A_1753, %sub3A_1761 : vector<16xf32>
      %mul3A_1763 = arith.mulf %add3A_1728, %mul3A_1762 : vector<16xf32>
      %sub3A_1764 = arith.constant 1.000000e+00 : f32
      %sub3A_1765 = vector.broadcast %sub3A_1764 : f32 to vector<16xf32>
      %sub3A_1766 = arith.subf %sub3A_1765, %mul3A_1763 : vector<16xf32>
      %max3A = arith.constant 1.000000e-36 : f32
      %max3A_1767 = vector.broadcast %max3A : f32 to vector<16xf32>
      %max3A_1768 = arith.maximumf %sub3A_1766, %max3A_1767 : vector<16xf32>
      %bitcast3A_1769 = vector.bitcast %max3A_1768 : vector<16xf32> to vector<16xi32>
      %shift_right_arithmetic3A_1770 = arith.constant 1 : i32
      %shift_right_arithmetic3A_1771 = vector.broadcast %shift_right_arithmetic3A_1770 : i32 to vector<16xi32>
      %shift_right_arithmetic3A_1772 = arith.shrsi %bitcast3A_1769, %shift_right_arithmetic3A_1771 : vector<16xi32>
      %sub3A_1773 = arith.constant 1597463007 : i32
      %sub3A_1774 = vector.broadcast %sub3A_1773 : i32 to vector<16xi32>
      %sub3A_1775 = arith.subi %sub3A_1774, %shift_right_arithmetic3A_1772 : vector<16xi32>
      %bitcast3A_1776 = vector.bitcast %sub3A_1775 : vector<16xi32> to vector<16xf32>
      %mul3A_1777 = arith.constant 5.000000e-01 : f32
      %mul3A_1778 = vector.broadcast %mul3A_1777 : f32 to vector<16xf32>
      %mul3A_1779 = arith.mulf %mul3A_1778, %max3A_1768 : vector<16xf32>
      %mul3A_1780 = arith.mulf %mul3A_1779, %bitcast3A_1776 : vector<16xf32>
      %mul3A_1781 = arith.mulf %mul3A_1780, %bitcast3A_1776 : vector<16xf32>
      %sub3A_1782 = arith.constant 1.500000e+00 : f32
      %sub3A_1783 = vector.broadcast %sub3A_1782 : f32 to vector<16xf32>
      %sub3A_1784 = arith.subf %sub3A_1783, %mul3A_1781 : vector<16xf32>
      %mul3A_1785 = arith.mulf %bitcast3A_1776, %sub3A_1784 : vector<16xf32>
      %mul3A_1786 = arith.constant 5.000000e-01 : f32
      %mul3A_1787 = vector.broadcast %mul3A_1786 : f32 to vector<16xf32>
      %mul3A_1788 = arith.mulf %mul3A_1787, %max3A_1768 : vector<16xf32>
      %mul3A_1789 = arith.mulf %mul3A_1788, %mul3A_1785 : vector<16xf32>
      %mul3A_1790 = arith.mulf %mul3A_1789, %mul3A_1785 : vector<16xf32>
      %sub3A_1791 = arith.constant 1.500000e+00 : f32
      %sub3A_1792 = vector.broadcast %sub3A_1791 : f32 to vector<16xf32>
      %sub3A_1793 = arith.subf %sub3A_1792, %mul3A_1790 : vector<16xf32>
      %mul3A_1794 = arith.mulf %mul3A_1785, %sub3A_1793 : vector<16xf32>
      %mul3A_1795 = arith.constant 5.000000e-01 : f32
      %mul3A_1796 = vector.broadcast %mul3A_1795 : f32 to vector<16xf32>
      %mul3A_1797 = arith.mulf %mul3A_1796, %max3A_1768 : vector<16xf32>
      %mul3A_1798 = arith.mulf %mul3A_1797, %mul3A_1794 : vector<16xf32>
      %mul3A_1799 = arith.mulf %mul3A_1798, %mul3A_1794 : vector<16xf32>
      %sub3A_1800 = arith.constant 1.500000e+00 : f32
      %sub3A_1801 = vector.broadcast %sub3A_1800 : f32 to vector<16xf32>
      %sub3A_1802 = arith.subf %sub3A_1801, %mul3A_1799 : vector<16xf32>
      %mul3A_1803 = arith.mulf %mul3A_1794, %sub3A_1802 : vector<16xf32>
      %mul3A_1804 = arith.mulf %max3A_1768, %mul3A_1803 : vector<16xf32>
      %add3A_1805 = arith.addf %get3A_1304, %get3A_1308 : vector<16xf32>
      %add3A_1806 = arith.addf %add3A_1805, %mul3A_1804 : vector<16xf32>
      %add3A_1807 = vector.broadcast %squeeze3A : f32 to vector<16xf32>
      %add3A_1808 = arith.addf %add3A_1806, %add3A_1807 : vector<16xf32>
      %mul3A_1809 = arith.constant 16 : i32
      %mul3A_1810 = arith.muli %scan3A_1300, %mul3A_1809 : i32
      %swap3A_1811 = arith.index_cast %mul3A_1810 : i32 to index
      %swap3A_1812 = tpu.vector_load %arg19[%swap3A_1811] {strides = array<i32>} : memref<512xf32, #tpu.memory_space<vmem>>, vector<16xf32>,
      tpu.vector_store %arg19[%swap3A_1811], %add3A_1808 {strides = array<i32>} : memref<512xf32, #tpu.memory_space<vmem>>, vector<16xf32>,
    }
    %scan3A_1299 = arith.constant 32 : i32
    "tpu.region"() ({
      %run_scoped3A = tpu.sem_alloc : memref<!tpu.dma_semaphore, #tpu.memory_space<semaphore_mem>>
      %dma_start3A_1300 = tpu.memref_slice %arg9[%mul3A_2] : memref<16384xf32, #tpu.memory_space<hbm>> -> memref<512xf32, #tpu.memory_space<hbm>>
      %dma_start3A_1301 = tpu.memref_slice %arg9[%mul3A_2] : memref<16384xf32, #tpu.memory_space<hbm>> -> memref<512xf32, #tpu.memory_space<hbm>>
      tpu.enqueue_dma source(%arg19 : memref<512xf32, #tpu.memory_space<vmem>>) target(%dma_start3A_1301 : memref<512xf32, #tpu.memory_space<hbm>>) target_semaphore(%run_scoped3A : memref<!tpu.dma_semaphore, #tpu.memory_space<semaphore_mem>>)
      %dma_wait3A_1302 = tpu.memref_slice %arg9[%mul3A_2] : memref<16384xf32, #tpu.memory_space<hbm>> -> memref<512xf32, #tpu.memory_space<hbm>>
      %dma_wait3A_1303 = tpu.memref_slice %arg9[%mul3A_2] : memref<16384xf32, #tpu.memory_space<hbm>> -> memref<512xf32, #tpu.memory_space<hbm>>
      tpu.wait_dma2 semaphore(%run_scoped3A : memref<!tpu.dma_semaphore, #tpu.memory_space<semaphore_mem>>) src(%arg19 : memref<512xf32, #tpu.memory_space<vmem>>) dst(%dma_wait3A_1303 : memref<512xf32, #tpu.memory_space<hbm>>)
      tpu.yield
    }) : () -> ()
    return
  }
}

</mosaic_0001>

<sc_bundles>
// kernel: kernel.3.cloned.1.call-start
scs
__scs_entry_jumppad:
0x0: {  	(pc) =	sbr.rel $0x88, $3  }
0x1: {  	(tag) =	ssettag $0x0;
	lr =	simm.s32 $0x1  }
0x2: {  	[smem:$0x3F9A] =	sst lr;
	_ =	strace $0xD0000000  }
0x3: {  	_ = 	snop  }
0x4: {  	_ = 	snop  }
0x5: {  	_ = 	snop  }
0x6: {  	_ = 	snop  }
0x7: {  	_ = 	snop  }
__scs_overlays_trampoline_lowered:
0x8: {  	[smem:$0x3FA9] =	sst s0  }
0x9: {  	[smem:$0x3FAA] =	sst s1  }
0xa: {  	[smem:$0x3FAB] =	sst s2  }
0xb: {  	[smem:$0x3FAC] =	sst s3  }
0xc: {  	[smem:$0x3FAD] =	sst s4  }
0xd: {  	[smem:$0x3FAE] =	sst s5  }
0xe: {  	[smem:$0x3FAF] =	sst s6  }
0xf: {  	[smem:$0x3FB0] =	sst s7  }
0x10: {  	[smem:$0x3FB1] =	sst s8  }
0x11: {  	[smem:$0x3FB2] =	sst s9;
	s0 =	simm.s32 @!p0 $0x0  }
0x12: {  	s1 =	sld [smem:$0x3F98];
	s0 =	simm.s32 @p0 $0x1  }
0x13: {  	[smem:$0x3FB3] =	sst s0;
	s0 =	simm.s32 @!p1 $0x0  }
0x14: {  	s2 =	sld [smem:$0x3F97];
	s0 =	simm.s32 @p1 $0x1  }
0x15: {  	[smem:$0x3FB4] =	sst s0;
	s0 =	simm.s32 @!p2 $0x0  }
0x16: {  	s3 =	sld [smem:$0x3FDB];
	s0 =	simm.s32 @p2 $0x1  }
0x17: {  	s4 =	simm.s32 $0x1BF5;
	[smem:$0x3FB6] =	sst s0  }
0x18: {  	s0 =	sld [smem:$0x3F99];
	_ =	swait.ge [sflag:s4], $0x0  }
0x19: {  	s7 =	sld [smem:$0x3F9A]  }
0x1a: {  	s8 =	sadd.s32 $0xFFFFE003, lr  }
0x1b: {  	s9 =	sadd.s32 $0xFFFFFEF7, lr;
	s5 =	simm.s32 $0xFFFFFFFF;
	p2 =	slt.u32 s8, $0xFFFFF086  }
0x1c: {  	p1 =	slt.u32 s9, $0xF7A;
	s5 =	simm.s32 @!p2 $0x0  }
0x1d: {  	s5 =	simm.s32 @p1 $0x1;
	p0 =	seq.s32 s7, s2  }
0x1e: {  	s7 =	smul.u32 @!p0 $0xF7A, s2;
	p2 =	seq.s32 @!p0 s5, $0x0  }
0x1f: {  	s9 =	smul.u32 $0xF7A, s1;
	s8 =	simm.s32 @!p0 $0x1BF5;
	p2 =	por !p2, p0  }
0x20: {  	[sflag:s8] =	ssyncset.s32 @!p0 $0xFFFFF086;
	s6 =	sadd.s32 @!p0 s3, s7;
	s7 =	simm.s32 @!p0 $0x108  }
0x21: {  	s3 =	sadd.s32 s3, s9;
	s6 =	sadd.s32 @!p0 $0x88, s6;
	s7 =	simm.s32 @p2 $0x1082  }
0x22: {  	[simem:s7], [sflag:s8] =	dma.local @!p0 [hbm:s6], $0xF7A  }
0x23: {  	s9 =	sor.u32 $0xD0000000, s2;
	s6 =	simm.s32 $0x108;
	_ =	swait.ge @!p0 [sflag:s8], $0x0  }
0x24: {  	s3 =	sadd.s32 $0x88, s3;
	s6 =	simm.s32 @!p1 $0x1082;
	[sflag:s4] =	ssyncset.s32 $0xFFFFF086  }
0x25: {  	[simem:s6], [sflag:s4] =	dma.local [hbm:s3], $0xF7A  }
0x26: {  	[smem:$0x3F9A] =	sst s1;
	(tag) =	ssettag s2;
	_ =	strace s9  }
0x27: {  	s1 =	sld [smem:$0x3FAA]  }
0x28: {  	s2 =	sld [smem:$0x3FAB]  }
0x29: {  	s4 =	sld [smem:$0x3FAD]  }
0x2a: {  	p0 =	seq.s32 s5, $0x0;
	s5 =	sld [smem:$0x3FAE]  }
0x2b: {  	s6 =	sld [smem:$0x3FAF]  }
0x2c: {  	s7 =	sld [smem:$0x3FB0]  }
0x2d: {  	s3 =	simm.s32 $0x108;
	s8 =	sld [smem:$0x3FB1]  }
0x2e: {  	s3 =	simm.s32 @!p0 $0x1082;
	s9 =	sld [smem:$0x3FB2]  }
0x2f: {  	lr =	sadd.s32 s0, s3;
	s0 =	sld [smem:$0x3FA9]  }
0x30: {  	s3 =	sld [smem:$0x3FAC]  }
0x31: {  	[smem:$0x3FB5] =	sst s10  }
0x32: {  	s10 =	sld [smem:$0x3FB3];
	_ =	sdelay $0x3  }
0x33: {  	p0 =	seq.s32 s10, $0x1;
	s10 =	sld [smem:$0x3FB5];
	_ =	sdelay $0x3  }
0x34: {  	[smem:$0x3FB5] =	sst s10  }
0x35: {  	s10 =	sld [smem:$0x3FB4];
	_ =	sdelay $0x3  }
0x36: {  	p1 =	seq.s32 s10, $0x1;
	s10 =	sld [smem:$0x3FB5];
	_ =	sdelay $0x3  }
0x37: {  	[smem:$0x3FB5] =	sst s10  }
0x38: {  	s10 =	sld [smem:$0x3FB6]  }
0x39: {  	_ = 	snop;
	(pc) =	sbr.ind lr, $3  }
0x3a: {  	_ = 	snop  }
0x3b: {  	_ = 	snop  }
0x3c: {  	p2 =	seq.s32 s10, $0x1;
	s10 =	sld [smem:$0x3FB5]  }
0x3d: {  	_ =	shalt  }
0x3e: {  	_ =	shalt  }
0x3f: {  	_ =	shalt  }
0x40: {  	_ =	shalt  }
0x41: {  	_ =	shalt  }
0x42: {  	_ =	shalt  }
0x43: {  	_ =	shalt  }
0x44: {  	_ =	shalt  }
0x45: {  	_ =	shalt  }
0x46: {  	_ =	shalt  }
0x47: {  	_ =	shalt  }
0x48: {  	_ =	shalt  }
0x49: {  	_ =	shalt  }
0x4a: {  	_ =	shalt  }
0x4b: {  	_ =	shalt  }
0x4c: {  	_ =	shalt  }
0x4d: {  	_ =	shalt  }
0x4e: {  	_ =	shalt  }
0x4f: {  	_ =	shalt  }
0x50: {  	_ =	shalt  }
0x51: {  	_ =	shalt  }
0x52: {  	_ =	shalt  }
0x53: {  	_ =	shalt  }
0x54: {  	_ =	shalt  }
0x55: {  	_ =	shalt  }
0x56: {  	_ =	shalt  }
0x57: {  	_ =	shalt  }
0x58: {  	_ =	shalt  }
0x59: {  	_ =	shalt  }
0x5a: {  	_ =	shalt  }
0x5b: {  	_ =	shalt  }
0x5c: {  	_ =	shalt  }
0x5d: {  	_ =	shalt  }
0x5e: {  	_ =	shalt  }
0x5f: {  	_ =	shalt  }
0x60: {  	_ =	shalt  }
0x61: {  	_ =	shalt  }
0x62: {  	_ =	shalt  }
0x63: {  	_ =	shalt  }
0x64: {  	_ =	shalt  }
0x65: {  	_ =	shalt  }
0x66: {  	_ =	shalt  }
0x67: {  	_ =	shalt  }
0x68: {  	_ =	shalt  }
0x69: {  	_ =	shalt  }
0x6a: {  	_ =	shalt  }
0x6b: {  	_ =	shalt  }
0x6c: {  	_ =	shalt  }
0x6d: {  	_ =	shalt  }
0x6e: {  	_ =	shalt  }
0x6f: {  	_ =	shalt  }
0x70: {  	_ =	shalt  }
0x71: {  	_ =	shalt  }
0x72: {  	_ =	shalt  }
0x73: {  	_ =	shalt  }
0x74: {  	_ =	shalt  }
0x75: {  	_ =	shalt  }
0x76: {  	_ =	shalt  }
0x77: {  	_ =	shalt  }
0x78: {  	_ =	shalt  }
0x79: {  	_ =	shalt  }
0x7a: {  	_ =	shalt  }
0x7b: {  	_ =	shalt  }
0x7c: {  	_ =	shalt  }
0x7d: {  	_ =	shalt  }
0x7e: {  	_ =	shalt  }
0x7f: {  	_ =	shalt  }
0x80: {  	_ =	shalt  }
0x81: {  	_ =	shalt  }
0x82: {  	_ =	shalt  }
0x83: {  	_ =	shalt  }
0x84: {  	_ =	shalt  }
0x85: {  	_ =	shalt  }
0x86: {  	_ =	shalt  }
0x87: {  	_ =	shalt  }
.Lfunc_end0:
.L_simem_size_0:
called_computation_lowered:
.L_overlay_start_0:
0x88: {  	s2 =	sld [smem:$0x3FD9]  }
0x89: {  	s3 =	sld [smem:$0x3FFE];
	_ =	sdelay $0x1  }
0x8a: {  	s1 =	srdreg.scid  }
0x8b: {  	s0 =	sand.u32 $0x1, s1  }
0x8c: {  	s17 =	sshll.u32 s0, $0xA;
	s2 =	sadd.s32 s3, s2  }
0x8d: {  	s2 =	sadd.s32 s2, s17  }
0x8e: {  	[smem:$0x3FC1] =	sst s2  }
0x8f: {  	_ = 	snop  }
0x90: {  	s2 =	sld [smem:$0x3FC9]  }
0x91: {  	s18 =	sld [smem:$0x3FC8]  }
0x92: {  	s4 =	sld [smem:$0x3FC3]  }
0x93: {  	s5 =	sld [smem:$0x3FD0];
	(tm) =	ssettm $0x1  }
0x94: {  	s6 =	sld [smem:$0x3FFB];
	_ =	sdelay $0x3  }
0x95: {  	_ =	strace s6  }
0x96: {  	s6 =	sld [smem:$0x3FFC];
	_ =	sdelay $0x3  }
0x97: {  	_ =	strace s6  }
0x98: {  	s6 =	sld [smem:$0x3FFD];
	_ =	sdelay $0x3  }
0x99: {  	_ =	strace s6  }
0x9a: {  	_ =	strace $0x8FFFFFFF  }
0x9b: {  	s19 =	sld [smem:$0x3FDB];
	_ =	sdelay $0x1  }
0x9c: {  	s7 =	simm.s32 $_scs_section_size  }
0x9d: {  	s8 =	simm.s32 $_size__tile_overlayer_lowered;
	s9 =	simm.s32 $_tile_overlayer_lowered  }
0x9e: {  	s22 =	simm.s32 $0x1BFF;
	s21 =	sshll.u32 s9, $0x1;
	s6 =	sadd.s32 s7, s19  }
0x9f: {  	s10 =	simm.s32 $0x0;
	s20 =	sshll.u32 s8, $0x1;
	s8 =	sadd.s32 s21, s6  }
0xa0: {  	[timem:s10], [sflag:s22] =	dma.local [hbm:s8], s20  }
0xa1: {  	_ =	swait.ge [sflag:s22], s20  }
0xa2: {  	s7 =	ssub.s32 $0x0, s20;
	[sflag:s22] =	ssyncset.done $0x0  }
0xa3: {  	[sflag:s22] =	ssyncadd.s32 s7;
	_ =	sdelay $0x1  }
0xa4: {  	s23 =	simm.s32 $0x1B8B  }
0xa5: {  	_ =	swait.ge [sflag:s23], $0x1  }
0xa6: {  	[sflag:s23] =	ssyncset.done $0x0  }
0xa7: {  	s25 =	simm.s32 $0x1B8E;
	s24 =	sld [smem:$0x3FFE];
	[sflag:s23] =	ssyncadd.s32 $0xFFFFFFFF  }
0xa8: {  	s26 =	simm.s32 $execute0_lowered;
	[smem:$0x3FD2] =	sst s25  }
0xa9: {  	s8 =	sshll.u32 s26, $0x1;
	_ =	strace $0x80000046;
	[dreg:$0x1] =	wrdreg $0xFFFFFFFF  }
0xaa: {  	s28 =	simm.s32 $_size_execute0_lowered;
	s6 =	sadd.s32 s6, s8;
	[dreg:$0x0] =	wrdreg $0x0  }
0xab: {  	s8 =	sshll.u32 s28, $0x1;
	[dreg:$0x2] =	wrdreg s6  }
0xac: {  	[dreg:$0x3] =	wrdreg s8  }
0xad: {  	[dreg:$0x4] =	wrdreg $0xC0  }
0xae: {  	_ =	task [dreg:s10], $0x5FFFF  }
0xaf: {  	[dreg:$0x1] =	wrdreg $0xFFFFFFFF  }
0xb0: {  	[dreg:$0x0] =	wrdreg $0x60  }
0xb1: {  	[dreg:$0x2] =	wrdreg s2  }
0xb2: {  	[dreg:$0x3] =	wrdreg s18  }
0xb3: {  	[dreg:$0x4] =	wrdreg s24  }
0xb4: {  	[dreg:$0x5] =	wrdreg s4  }
0xb5: {  	[dreg:$0x6] =	wrdreg s5  }
0xb6: {  	[dreg:$0x7] =	wrdreg $0x9  }
0xb7: {  	_ =	task.clear_ibuf [dreg:s10], $0x8FFFF;
	_ =	strace $0x90000046  }
0xb8: {  	s29 =	simm.s32 $0x9;
	_ =	strace $0x80000048  }
0xb9: {  	_ =	swait.ge [sflag:s29], $0x1  }
0xba: {  	[sflag:s29] =	ssyncadd.s32 $0xFFFFFFFF  }
0xbb: {  	_ =	strace $0x90000048  }
0xbc: {  	_ =	sfence  }
0xbd: {  	s30 =	sld [smem:$0x0];
	_ =	sdelay $0x2  }
0xbe: {  	s31 =	sshll.u32 s1, $0xD;
	s1 =	sshrl.u32 s1, $0x2  }
0xbf: {  	s3 =	sand.u32 $0x4000, s31;
	s1 =	sadd.s32 s1, s30  }
0xc0: {  	s0 =	sor.u32 s3, s0;
	s1 =	sshll.u32 s1, $0x11  }
0xc1: {  	s0 =	sor.u32 s1, s0  }
0xc2: {  	s0 =	sadd.s32 $0x8F2B, s0  }
0xc3: {  	[sflag:s0] =	ssyncadd.remote.s32 $0x1  }
0xc4: {  	_ =	sfence.sel $0xFFFF  }
0xc5: {  	[dreg:$0x0] =	wrdreg $0xFFFFFFFF;
	(pc) =	sbr.abs _section_cstart, $3  }
0xc6: {  	[dreg:$0x1] =	wrdreg $0xFFFFFFFF  }
0xc7: {  	_ =	task.clear_ibuf [dreg:s10], $0x2FFFF;
	_ =	strace $0x9FFFFFFF  }
0xc8: {  	(tm) =	ssettm $0x7FFFFFFF  }
0xc9: {  	_ =	shalt  }
tec
execute0_lowered:
.L_overlay_start_1:
0x0: {  	(tag) =	ssettag $0x1  }
0x1: {  	s0 =	rddreg [dreg:$0x0]  }
0x2: {  	s1 =	rddreg [dreg:$0x1]  }
0x3: {  	s9 =	rddreg [dreg:$0x2]  }
0x4: {  	s5 =	rddreg [dreg:$0x4];
	s2 =	simm.s32 $0x0  }
0x5: {  	[smem:$0x7FF] =	sst s2;
	s3 =	sadd.s32 $0x400, s9  }
0x6: {  	s4 =	sadd.s32 $0x3D800, s9;
	_ =	strace $0x80000047;
	[dreg:$0x6] =	wrdreg s3  }
0x7: {  	s21 =	sadd.s32 $0x1EE00, s9;
	[dreg:$0x7] =	wrdreg s4  }
0x8: {  	s22 =	sadd.s32 $0x225E00, s9;
	[dreg:$0x8] =	wrdreg s21  }
0x9: {  	s6 =	sadd.s32 $0x3D810, s9;
	[dreg:$0x9] =	wrdreg s22  }
0xa: {  	s7 =	sadd.s32 $0x225E10, s9;
	[dreg:$0xa] =	wrdreg s6  }
0xb: {  	s25 =	sadd.s32 $0x225E20, s9;
	[dreg:$0xb] =	wrdreg s7  }
0xc: {  	s20 =	srdreg.scid;
	s26 =	sadd.s32 $0x3D820, s9;
	[dreg:$0xc] =	wrdreg s25  }
0xd: {  	s18 =	stileid.u32;
	s8 =	sadd.s32 $0x3D830, s9;
	[dreg:$0xd] =	wrdreg s26  }
0xe: {  	s10 =	sadd.s32 $0x225E30, s9;
	s11 =	sadd.s32 $0x3D840, s9;
	[dreg:$0xe] =	wrdreg s8  }
0xf: {  	s12 =	sadd.s32 $0x225E40, s9;
	s13 =	sadd.s32 $0x3D850, s9;
	[dreg:$0xf] =	wrdreg s10  }
0x10: {  	s14 =	sadd.s32 $0x225E50, s9;
	s15 =	sadd.s32 $0x225E60, s9;
	[dreg:$0x10] =	wrdreg s11  }
0x11: {  	s16 =	sadd.s32 $0x3D860, s9;
	s17 =	sadd.s32 $0x3D870, s9;
	[dreg:$0x11] =	wrdreg s12  }
0x12: {  	s28 =	sadd.s32 $0x31A0A0, s9;
	s29 =	sadd.s32 $0x131AB0, s9;
	[dreg:$0x12] =	wrdreg s13  }
0x13: {  	s30 =	sadd.s32 $0x31A0B0, s9;
	s3 =	sand.u32 $0x1, s20;
	[dreg:$0x13] =	wrdreg s14  }
0x14: {  	[dreg:$0x14] =	wrdreg s15;
	s21 =	sadd.s32 $0x225E70, s9;
	s22 =	sadd.s32 $0x131A80, s9  }
0x15: {  	[dreg:$0x15] =	wrdreg s16;
	s25 =	sadd.s32 $0x31A090, s9;
	s26 =	sadd.s32 $0x131AA0, s9  }
0x16: {  	[dreg:$0x16] =	wrdreg s17;
	s20 =	sadd.s32 $0x31A0C0, s9;
	s6 =	sadd.s32 $0x131AE0, s9  }
0x17: {  	s4 =	sshll.u32 s18, $0x7;
	s7 =	sadd.s32 $0x31A0E0, s9;
	s8 =	sadd.s32 $0x131AF0, s9  }
0x18: {  	s11 =	simm.s32 $0x200;
	s12 =	simm.s32 $0x2;
	s13 =	simm.s32 $0x1  }
0x19: {  	s14 =	simm.s32 $0x400;
	s15 =	simm.s32 $0x600;
	s23 =	ssub.s32 $0x2, s3  }
0x1a: {  	s16 =	simm.s32 $0x0;
	s3 =	sshll.u32 s3, $0x6;
	s24 =	sshrl.u32 s23, $0x1  }
0x1b: {  	s19 =	sor.u32 s3, s4;
	s3 =	sadd.s32 $0x131AD0, s9;
	s4 =	sadd.s32 $0x31A0D0, s9  }
0x1c: {  	s10 =	ssub.s32 s23, s24;
	s23 =	sadd.s32 $0x31A080, s9;
	s24 =	sadd.s32 $0x131A90, s9  }
0x1d: {  	s31 =	sadd.s32 s0, s19;
	s0 =	sadd.s32 $0x131AC0, s9;
	s1 =	sadd.s32 s1, s19  }
0x1e: {  	s5 =	sadd.s32 s5, s19;
	s9 =	sadd.s32 $0x31A0F0, s9;
	s10 =	smax.u32 s10, $0x1  }
.LBB2_1:
0x1f: {  	[tilespmem:s2], [sflag:$0x1] =	stream.linear.gather [hbm4b:s31+s2], $0x200, $0x38;
	[tilespmem:$0x4E10] =	vst v63  }
0x20: {  	_ = 	snop  }
0x21: {  	[tilespmem:s11], [sflag:$0x1] =	stream.linear.gather [hbm4b:s1+s2], $0x200, $0x38;
	[tilespmem:$0x4E10] =	vst v63  }
0x22: {  	s17 =	rddreg [dreg:$0x3];
	s18 =	simm.s32 $0x4C00  }
0x23: {  	[tilespmem:s18], [sflag:$0x2] =	stream.linear.gather [hbm4b:s17+s2], $0x1, $0x38;
	[tilespmem:$0x4E10] =	vst v63  }
0x24: {  	_ =	swait.ge [sflag:s12], $0x1  }
0x25: {  	[sflag:s12] =	ssyncset.done $0x0  }
0x26: {  	[sflag:s12] =	ssyncadd.s32 $0xFFFFFFFF  }
0x27: {  	_ =	swait.ge [sflag:s13], $0x200  }
0x28: {  	[sflag:s13] =	ssyncset.done $0x0  }
0x29: {  	[sflag:s13] =	ssyncadd.s32 $0xFFFFFE00  }
0x2a: {  	_ =	swait.ge [sflag:s13], $0x200  }
0x2b: {  	[sflag:s13] =	ssyncset.done $0x0  }
0x2c: {  	[sflag:s13] =	ssyncadd.s32 $0xFFFFFE00  }
0x2d: {  	v0 =	vld [tilespmem:$0x0]  }
0x2e: {  	v1 =	vld [tilespmem:$0x200];
	_ =	sdelay $0x1  }
0x2f: {  	v2 =	vld [tilespmem:$0x10]  }
0x30: {  	v3 =	vld [tilespmem:$0x210]  }
0x31: {  	v5 =	vld [tilespmem:$0x20]  }
0x32: {  	v4 =	vshll.u32 v0, $0x3;
	v6 =	vshll.u32 v1, $0x3;
	v0 =	vand.u32 $0x7F, v0  }
0x33: {  	v7 =	vld [tilespmem:$0x220];
	v1 =	vand.u32 $0x7F, v1;
	v4 =	vand.u32 $0xFFFFFC00, v4;
	v6 =	vand.u32 $0xFFFFFC00, v6  }
0x34: {  	v0 =	vor.u32 v0, v4;
	v1 =	vor.u32 v1, v6;
	v4 =	vshll.u32 v2, $0x3;
	v6 =	vld [tilespmem:$0x30]  }
0x35: {  	v9 =	vld [tilespmem:$0x230];
	v8 =	vshll.u32 v3, $0x3;
	v2 =	vand.u32 $0x7F, v2;
	v4 =	vand.u32 $0xFFFFFC00, v4  }
0x36: {  	v2 =	vor.u32 v2, v4;
	v4 =	vand.u32 $0xFFFFFC00, v8;
	v8 =	vshll.u32 v5, $0x3  }
0x37: {  	v10 =	vld [tilespmem:$0x40];
	v3 =	vand.u32 $0x7F, v3;
	v5 =	vand.u32 $0x7F, v5;
	v8 =	vand.u32 $0xFFFFFC00, v8  }
0x38: {  	v3 =	vor.u32 v3, v4;
	v4 =	vor.u32 v5, v8;
	v5 =	vshll.u32 v7, $0x3;
	v8 =	vld [tilespmem:$0x240]  }
0x39: {  	v12 =	vld [tilespmem:$0x50];
	v7 =	vand.u32 $0x7F, v7;
	v5 =	vand.u32 $0xFFFFFC00, v5;
	v11 =	vshll.u32 v6, $0x3  }
0x3a: {  	v5 =	vor.u32 v7, v5;
	v7 =	vand.u32 $0xFFFFFC00, v11;
	v11 =	vshll.u32 v9, $0x3  }
0x3b: {  	v13 =	vld [tilespmem:$0x250];
	v6 =	vand.u32 $0x7F, v6;
	v9 =	vand.u32 $0x7F, v9;
	v11 =	vand.u32 $0xFFFFFC00, v11  }
0x3c: {  	v6 =	vor.u32 v6, v7;
	v7 =	vor.u32 v9, v11;
	v9 =	vshll.u32 v10, $0x3;
	v11 =	vld [tilespmem:$0x60]  }
0x3d: {  	v15 =	vld [tilespmem:$0x260];
	v10 =	vand.u32 $0x7F, v10;
	v9 =	vand.u32 $0xFFFFFC00, v9;
	v14 =	vshll.u32 v8, $0x3  }
0x3e: {  	v9 =	vor.u32 v10, v9;
	v10 =	vand.u32 $0xFFFFFC00, v14;
	v14 =	vshll.u32 v12, $0x3  }
0x3f: {  	v16 =	vld [tilespmem:$0x70];
	v8 =	vand.u32 $0x7F, v8;
	v12 =	vand.u32 $0x7F, v12;
	v14 =	vand.u32 $0xFFFFFC00, v14  }
0x40: {  	v8 =	vor.u32 v8, v10;
	v10 =	vor.u32 v12, v14;
	v12 =	vshll.u32 v13, $0x3;
	v14 =	vld [tilespmem:$0x270]  }
0x41: {  	v18 =	vld [tilespmem:$0x80];
	v13 =	vand.u32 $0x7F, v13;
	v12 =	vand.u32 $0xFFFFFC00, v12;
	v17 =	vshll.u32 v11, $0x3  }
0x42: {  	v12 =	vor.u32 v13, v12;
	v13 =	vand.u32 $0xFFFFFC00, v17;
	v17 =	vshll.u32 v15, $0x3  }
0x43: {  	v19 =	vld [tilespmem:$0x280];
	v11 =	vand.u32 $0x7F, v11;
	v15 =	vand.u32 $0x7F, v15;
	v17 =	vand.u32 $0xFFFFFC00, v17  }
0x44: {  	v11 =	vor.u32 v11, v13;
	v13 =	vor.u32 v15, v17;
	v15 =	vshll.u32 v16, $0x3;
	v17 =	vld [tilespmem:$0x90]  }
0x45: {  	v21 =	vld [tilespmem:$0x290];
	v16 =	vand.u32 $0x7F, v16;
	v15 =	vand.u32 $0xFFFFFC00, v15;
	v20 =	vshll.u32 v14, $0x3  }
0x46: {  	v15 =	vor.u32 v16, v15;
	v16 =	vand.u32 $0xFFFFFC00, v20;
	v20 =	vshll.u32 v18, $0x3  }
0x47: {  	v22 =	vld [tilespmem:$0xA0];
	v14 =	vand.u32 $0x7F, v14;
	v18 =	vand.u32 $0x7F, v18;
	v20 =	vand.u32 $0xFFFFFC00, v20  }
0x48: {  	v23 =	vld [tilespmem:$0xB0];
	[tilespmem:$0x400] =	vst v0;
	v14 =	vor.u32 v14, v16;
	v16 =	vor.u32 v18, v20;
	v18 =	vshll.u32 v19, $0x3  }
0x49: {  	[tilespmem:$0x600] =	vst v1;
	v20 =	vld [tilespmem:$0x2A0];
	v0 =	vand.u32 $0xFFFFFC00, v18;
	v18 =	vand.u32 $0x7F, v19;
	v19 =	vshll.u32 v17, $0x3  }
0x4a: {  	[tilespmem:$0x410] =	vst v2;
	v2 =	vand.u32 $0x7F, v17;
	v0 =	vor.u32 v18, v0;
	v18 =	vshll.u32 v21, $0x3  }
0x4b: {  	[tilespmem:$0x610] =	vst v3;
	v1 =	vand.u32 $0xFFFFFC00, v19;
	v19 =	vld [tilespmem:$0x2B0];
	v17 =	vand.u32 $0xFFFFFC00, v18;
	v18 =	vand.u32 $0x7F, v21  }
0x4c: {  	v3 =	vshll.u32 v22, $0x3;
	[tilespmem:$0x420] =	vst v4;
	v1 =	vor.u32 v2, v1;
	v2 =	vor.u32 v18, v17;
	v17 =	vld [tilespmem:$0xC0]  }
0x4d: {  	v3 =	vand.u32 $0xFFFFFC00, v3;
	v4 =	vand.u32 $0x7F, v22;
	[tilespmem:$0x620] =	vst v5;
	v5 =	vshll.u32 v23, $0x3;
	v21 =	vld [tilespmem:$0x2C0]  }
0x4e: {  	v3 =	vor.u32 v4, v3;
	[tilespmem:$0x430] =	vst v6;
	v5 =	vand.u32 $0xFFFFFC00, v5;
	v18 =	vshll.u32 v20, $0x3  }
0x4f: {  	[tilespmem:$0x630] =	vst v7;
	v6 =	vand.u32 $0x7F, v20;
	v20 =	vld [tilespmem:$0xD0];
	v4 =	vand.u32 $0xFFFFFC00, v18;
	v18 =	vand.u32 $0x7F, v23  }
0x50: {  	v7 =	vld [tilespmem:$0x2D0];
	[tilespmem:$0x440] =	vst v9;
	v4 =	vor.u32 v6, v4;
	v5 =	vor.u32 v18, v5;
	v6 =	vshll.u32 v19, $0x3  }
0x51: {  	[tilespmem:$0x640] =	vst v8;
	v9 =	vand.u32 $0x7F, v19;
	v19 =	vld [tilespmem:$0xE0];
	v6 =	vand.u32 $0xFFFFFC00, v6;
	v18 =	vshll.u32 v17, $0x3  }
0x52: {  	[tilespmem:$0x450] =	vst v10;
	v6 =	vor.u32 v9, v6;
	v9 =	vshll.u32 v21, $0x3;
	v10 =	vand.u32 $0x7F, v17  }
0x53: {  	[tilespmem:$0x650] =	vst v12;
	v17 =	vand.u32 $0x7F, v21;
	v8 =	vand.u32 $0xFFFFFC00, v18;
	v9 =	vand.u32 $0xFFFFFC00, v9;
	v18 =	vld [tilespmem:$0x2E0]  }
0x54: {  	v12 =	vld [tilespmem:$0xF0];
	[tilespmem:$0x460] =	vst v11;
	v11 =	vand.u32 $0x7F, v20;
	v8 =	vor.u32 v10, v8;
	v9 =	vor.u32 v17, v9  }
0x55: {  	[tilespmem:$0x660] =	vst v13;
	v10 =	vshll.u32 v20, $0x3;
	v17 =	vshll.u32 v7, $0x3;
	v20 =	vld [tilespmem:$0x2F0];
	v7 =	vand.u32 $0x7F, v7  }
0x56: {  	[tilespmem:$0x470] =	vst v15;
	v10 =	vand.u32 $0xFFFFFC00, v10;
	v13 =	vshll.u32 v19, $0x3;
	v15 =	vand.u32 $0x7F, v19  }
0x57: {  	[tilespmem:$0x670] =	vst v14;
	v10 =	vor.u32 v11, v10;
	v11 =	vand.u32 $0xFFFFFC00, v17;
	v13 =	vand.u32 $0xFFFFFC00, v13;
	v17 =	vld [tilespmem:$0x100]  }
0x58: {  	v14 =	vld [tilespmem:$0x300];
	[tilespmem:$0x480] =	vst v16;
	v7 =	vor.u32 v7, v11;
	v11 =	vor.u32 v15, v13;
	v13 =	vshll.u32 v18, $0x3  }
0x59: {  	v16 =	vshll.u32 v12, $0x3;
	[tilespmem:$0x680] =	vst v0;
	v15 =	vand.u32 $0x7F, v18;
	v18 =	vld [tilespmem:$0x110];
	v13 =	vand.u32 $0xFFFFFC00, v13  }
0x5a: {  	[tilespmem:$0x490] =	vst v1;
	v1 =	vand.u32 $0x7F, v12;
	v0 =	vor.u32 v15, v13;
	v15 =	vshll.u32 v20, $0x3  }
0x5b: {  	[tilespmem:$0x4A0] =	vst v3;
	v13 =	vand.u32 $0xFFFFFC00, v16;
	v16 =	vld [tilespmem:$0x310];
	v12 =	vand.u32 $0xFFFFFC00, v15;
	v15 =	vand.u32 $0x7F, v20  }
0x5c: {  	[tilespmem:$0x690] =	vst v2;
	v1 =	vor.u32 v1, v13;
	v13 =	vld [tilespmem:$0x120];
	v2 =	vor.u32 v15, v12;
	v12 =	vshll.u32 v17, $0x3  }
0x5d: {  	[tilespmem:$0x4B0] =	vst v5;
	v5 =	vand.u32 $0x7F, v14;
	v3 =	vand.u32 $0xFFFFFC00, v12;
	v12 =	vand.u32 $0x7F, v17;
	v17 =	vld [tilespmem:$0x320]  }
0x5e: {  	[tilespmem:$0x6A0] =	vst v4;
	v15 =	vshll.u32 v14, $0x3;
	v3 =	vor.u32 v12, v3;
	v12 =	vshll.u32 v18, $0x3  }
0x5f: {  	[tilespmem:$0x6B0] =	vst v6;
	v4 =	vand.u32 $0xFFFFFC00, v15;
	v14 =	vand.u32 $0x7F, v18;
	v15 =	vld [tilespmem:$0x130];
	v12 =	vand.u32 $0xFFFFFC00, v12  }
0x60: {  	[tilespmem:$0x4C0] =	vst v8;
	v4 =	vor.u32 v5, v4;
	v6 =	vshll.u32 v16, $0x3;
	v5 =	vor.u32 v14, v12;
	v12 =	vld [tilespmem:$0x330]  }
0x61: {  	[tilespmem:$0x6C0] =	vst v9;
	v8 =	vand.u32 $0x7F, v16;
	v16 =	vld [tilespmem:$0x140];
	v6 =	vand.u32 $0xFFFFFC00, v6;
	v14 =	vshll.u32 v13, $0x3  }
0x62: {  	[tilespmem:$0x4D0] =	vst v10;
	v10 =	vand.u32 $0x7F, v13;
	v6 =	vor.u32 v8, v6;
	v9 =	vshll.u32 v17, $0x3  }
0x63: {  	[tilespmem:$0x6D0] =	vst v7;
	v8 =	vand.u32 $0xFFFFFC00, v14;
	v14 =	vld [tilespmem:$0x340];
	v13 =	vand.u32 $0x7F, v17;
	v9 =	vand.u32 $0xFFFFFC00, v9  }
0x64: {  	[tilespmem:$0x4E0] =	vst v11;
	v7 =	vor.u32 v10, v8;
	v10 =	vld [tilespmem:$0x150];
	v8 =	vor.u32 v13, v9;
	v9 =	vshll.u32 v15, $0x3  }
0x65: {  	[tilespmem:$0x6E0] =	vst v0;
	v11 =	vand.u32 $0x7F, v15;
	v15 =	vld [tilespmem:$0x350];
	v9 =	vand.u32 $0xFFFFFC00, v9;
	v13 =	vshll.u32 v12, $0x3  }
0x66: {  	[tilespmem:$0x4F0] =	vst v1;
	v1 =	vand.u32 $0x7F, v12;
	v0 =	vor.u32 v11, v9;
	v11 =	vshll.u32 v16, $0x3  }
0x67: {  	[tilespmem:$0x6F0] =	vst v2;
	v12 =	vand.u32 $0x7F, v16;
	v9 =	vand.u32 $0xFFFFFC00, v13;
	v13 =	vld [tilespmem:$0x160];
	v11 =	vand.u32 $0xFFFFFC00, v11  }
0x68: {  	[tilespmem:$0x500] =	vst v3;
	v1 =	vor.u32 v1, v9;
	v9 =	vshll.u32 v14, $0x3;
	v2 =	vor.u32 v12, v11;
	v11 =	vld [tilespmem:$0x360]  }
0x69: {  	[tilespmem:$0x510] =	vst v5;
	v5 =	vand.u32 $0x7F, v10;
	v3 =	vand.u32 $0xFFFFFC00, v9;
	v9 =	vand.u32 $0x7F, v14;
	v14 =	vld [tilespmem:$0x170]  }
0x6a: {  	[tilespmem:$0x700] =	vst v4;
	v12 =	vshll.u32 v10, $0x3;
	v3 =	vor.u32 v9, v3;
	v9 =	vshll.u32 v15, $0x3  }
0x6b: {  	[tilespmem:$0x710] =	vst v6;
	v4 =	vand.u32 $0xFFFFFC00, v12;
	v10 =	vand.u32 $0x7F, v15;
	v12 =	vld [tilespmem:$0x370];
	v9 =	vand.u32 $0xFFFFFC00, v9  }
0x6c: {  	[tilespmem:$0x520] =	vst v7;
	v4 =	vor.u32 v5, v4;
	v5 =	vor.u32 v10, v9;
	v6 =	vshll.u32 v13, $0x3;
	v9 =	vld [tilespmem:$0x180]  }
0x6d: {  	[tilespmem:$0x720] =	vst v8;
	v7 =	vand.u32 $0x7F, v13;
	v13 =	vld [tilespmem:$0x380];
	v6 =	vand.u32 $0xFFFFFC00, v6;
	v10 =	vshll.u32 v11, $0x3  }
0x6e: {  	[tilespmem:$0x530] =	vst v0;
	v6 =	vor.u32 v7, v6;
	v8 =	vshll.u32 v14, $0x3;
	v0 =	vand.u32 $0x7F, v11  }
0x6f: {  	[tilespmem:$0x730] =	vst v1;
	v11 =	vld [tilespmem:$0x190];
	v7 =	vand.u32 $0xFFFFFC00, v10;
	v8 =	vand.u32 $0xFFFFFC00, v8;
	v10 =	vand.u32 $0x7F, v14  }
0x70: {  	[tilespmem:$0x540] =	vst v2;
	v0 =	vor.u32 v0, v7;
	v1 =	vor.u32 v10, v8;
	v7 =	vshll.u32 v12, $0x3;
	v8 =	vld [tilespmem:$0x390]  }
0x71: {  	[tilespmem:$0x740] =	vst v3;
	v2 =	vand.u32 $0xFFFFFC00, v7;
	v7 =	vand.u32 $0x7F, v12;
	v10 =	vshll.u32 v9, $0x3;
	v12 =	vld [tilespmem:$0x1A0]  }
0x72: {  	[tilespmem:$0x550] =	vst v4;
	v4 =	vand.u32 $0x7F, v9;
	v2 =	vor.u32 v7, v2;
	v7 =	vshll.u32 v13, $0x3  }
0x73: {  	[tilespmem:$0x750] =	vst v5;
	v9 =	vand.u32 $0x7F, v13;
	v3 =	vand.u32 $0xFFFFFC00, v10;
	v10 =	vld [tilespmem:$0x3A0];
	v7 =	vand.u32 $0xFFFFFC00, v7  }
0x74: {  	[tilespmem:$0x560] =	vst v6;
	v3 =	vor.u32 v4, v3;
	v5 =	vshll.u32 v11, $0x3;
	v4 =	vor.u32 v9, v7;
	v7 =	vld [tilespmem:$0x1B0]  }
0x75: {  	[tilespmem:$0x760] =	vst v0;
	v6 =	vand.u32 $0x7F, v11;
	v11 =	vld [tilespmem:$0x3B0];
	v5 =	vand.u32 $0xFFFFFC00, v5;
	v9 =	vshll.u32 v8, $0x3  }
0x76: {  	[tilespmem:$0x570] =	vst v1;
	v0 =	vor.u32 v6, v5;
	v1 =	vand.u32 $0x7F, v8;
	v6 =	vshll.u32 v12, $0x3  }
0x77: {  	[tilespmem:$0x770] =	vst v2;
	v5 =	vand.u32 $0xFFFFFC00, v9;
	v8 =	vand.u32 $0x7F, v12;
	v9 =	vld [tilespmem:$0x1C0];
	v6 =	vand.u32 $0xFFFFFC00, v6  }
0x78: {  	[tilespmem:$0x580] =	vst v3;
	v1 =	vor.u32 v1, v5;
	v5 =	vshll.u32 v10, $0x3;
	v2 =	vor.u32 v8, v6;
	v6 =	vld [tilespmem:$0x3C0]  }
0x79: {  	[tilespmem:$0x780] =	vst v4;
	v3 =	vand.u32 $0xFFFFFC00, v5;
	v5 =	vand.u32 $0x7F, v10;
	v10 =	vld [tilespmem:$0x1D0];
	v8 =	vshll.u32 v7, $0x3  }
0x7a: {  	[tilespmem:$0x590] =	vst v0;
	v3 =	vor.u32 v5, v3;
	v5 =	vshll.u32 v11, $0x3;
	v0 =	vand.u32 $0x7F, v7  }
0x7b: {  	[tilespmem:$0x790] =	vst v1;
	v7 =	vand.u32 $0x7F, v11;
	v4 =	vand.u32 $0xFFFFFC00, v8;
	v5 =	vand.u32 $0xFFFFFC00, v5;
	v8 =	vld [tilespmem:$0x3D0]  }
0x7c: {  	[tilespmem:$0x5A0] =	vst v2;
	v0 =	vor.u32 v0, v4;
	v1 =	vor.u32 v7, v5;
	v4 =	vshll.u32 v9, $0x3;
	v5 =	vld [tilespmem:$0x1E0]  }
0x7d: {  	[tilespmem:$0x7A0] =	vst v3;
	v2 =	vand.u32 $0xFFFFFC00, v4;
	v4 =	vand.u32 $0x7F, v9;
	v9 =	vld [tilespmem:$0x3E0];
	v7 =	vshll.u32 v6, $0x3  }
0x7e: {  	[tilespmem:$0x5B0] =	vst v0;
	v2 =	vor.u32 v4, v2;
	v4 =	vshll.u32 v10, $0x3;
	v0 =	vand.u32 $0x7F, v6  }
0x7f: {  	[tilespmem:$0x7B0] =	vst v1;
	v6 =	vand.u32 $0x7F, v10;
	v3 =	vand.u32 $0xFFFFFC00, v7;
	v4 =	vand.u32 $0xFFFFFC00, v4;
	v7 =	vld [tilespmem:$0x1F0]  }
0x80: {  	[tilespmem:$0x5C0] =	vst v2;
	v0 =	vor.u32 v0, v3;
	v1 =	vor.u32 v6, v4;
	v3 =	vshll.u32 v8, $0x3;
	v4 =	vld [tilespmem:$0x3F0]  }
0x81: {  	v2 =	vand.u32 $0xFFFFFC00, v3;
	v3 =	vand.u32 $0x7F, v8;
	v6 =	vshll.u32 v5, $0x3;
	[tilespmem:$0x7C0] =	vst v0  }
0x82: {  	[tilespmem:$0x5D0] =	vst v1;
	v1 =	vand.u32 $0x7F, v5;
	v0 =	vor.u32 v3, v2;
	v3 =	vshll.u32 v9, $0x3  }
0x83: {  	v2 =	vand.u32 $0xFFFFFC00, v6;
	v5 =	vand.u32 $0x7F, v9;
	v3 =	vand.u32 $0xFFFFFC00, v3  }
0x84: {  	[tilespmem:$0x7D0] =	vst v0;
	v0 =	vor.u32 v1, v2;
	v1 =	vor.u32 v5, v3;
	v2 =	vshll.u32 v7, $0x3  }
0x85: {  	[tilespmem:$0x5E0] =	vst v0;
	v0 =	vand.u32 $0xFFFFFC00, v2;
	v2 =	vand.u32 $0x7F, v7;
	v3 =	vshll.u32 v4, $0x3  }
0x86: {  	[tilespmem:$0x7E0] =	vst v1;
	v0 =	vor.u32 v2, v0;
	v1 =	vand.u32 $0xFFFFFC00, v3;
	v2 =	vand.u32 $0x7F, v4  }
0x87: {  	[tilespmem:$0x5F0] =	vst v0;
	v0 =	vor.u32 v2, v1  }
0x88: {  	s19 =	simm.s32 $0x4800;
	s18 =	rddreg [dreg:$0x6];
	[tilespmem:$0x7F0] =	vst v0  }
0x89: {  	[tilespmem:s19], [sflag:$0x1] =	stream.indirect.gather [hbm4b:s18+s11], $0x1, s2, s11, $0xb8;
	[tilespmem:$0x4E10] =	vst v63  }
0x8a: {  	s18 =	rddreg [dreg:$0x8];
	s19 =	simm.s32 $0x4A00  }
0x8b: {  	[tilespmem:s19], [sflag:$0x1] =	stream.indirect.gather [hbm4b:s18+s11], $0x1, s11, s11, $0xb8;
	[tilespmem:$0x4E10] =	vst v63  }
0x8c: {  	s18 =	rddreg [dreg:$0x7];
	s19 =	simm.s32 $0x800  }
0x8d: {  	[tilespmem:s19], [sflag:$0x1] =	stream.indirect.gather [hbm4b:s18+s11], $0x1, s14, s11, $0xb8;
	[tilespmem:$0x4E10] =	vst v63  }
0x8e: {  	s18 =	rddreg [dreg:$0x9];
	s19 =	simm.s32 $0x2800  }
0x8f: {  	[tilespmem:s19], [sflag:$0x1] =	stream.indirect.gather [hbm4b:s18+s11], $0x1, s15, s11, $0xb8;
	[tilespmem:$0x4E10] =	vst v63  }
0x90: {  	s18 =	rddreg [dreg:$0xa];
	s19 =	simm.s32 $0xA00  }
0x91: {  	[tilespmem:s19], [sflag:$0x1] =	stream.indirect.gather [hbm4b:s18+s11], $0x1, s14, s11, $0xb8;
	[tilespmem:$0x4E10] =	vst v63  }
0x92: {  	s18 =	rddreg [dreg:$0xb];
	s19 =	simm.s32 $0x2A00  }
0x93: {  	[tilespmem:s19], [sflag:$0x1] =	stream.indirect.gather [hbm4b:s18+s11], $0x1, s15, s11, $0xb8;
	[tilespmem:$0x4E10] =	vst v63  }
0x94: {  	s18 =	rddreg [dreg:$0xd];
	s19 =	simm.s32 $0xC00  }
0x95: {  	[tilespmem:s19], [sflag:$0x1] =	stream.indirect.gather [hbm4b:s18+s11], $0x1, s14, s11, $0xb8;
	[tilespmem:$0x4E10] =	vst v63  }
0x96: {  	s18 =	rddreg [dreg:$0xc];
	s19 =	simm.s32 $0x2C00  }
0x97: {  	[tilespmem:s19], [sflag:$0x1] =	stream.indirect.gather [hbm4b:s18+s11], $0x1, s15, s11, $0xb8;
	[tilespmem:$0x4E10] =	vst v63  }
0x98: {  	s18 =	rddreg [dreg:$0xe];
	s19 =	simm.s32 $0xE00  }
0x99: {  	[tilespmem:s19], [sflag:$0x1] =	stream.indirect.gather [hbm4b:s18+s11], $0x1, s14, s11, $0xb8;
	[tilespmem:$0x4E10] =	vst v63  }
0x9a: {  	s18 =	rddreg [dreg:$0xf];
	s19 =	simm.s32 $0x2E00  }
0x9b: {  	[tilespmem:s19], [sflag:$0x1] =	stream.indirect.gather [hbm4b:s18+s11], $0x1, s15, s11, $0xb8;
	[tilespmem:$0x4E10] =	vst v63  }
0x9c: {  	s18 =	rddreg [dreg:$0x10];
	s19 =	simm.s32 $0x1000  }
0x9d: {  	[tilespmem:s19], [sflag:$0x1] =	stream.indirect.gather [hbm4b:s18+s11], $0x1, s14, s11, $0xb8;
	[tilespmem:$0x4E10] =	vst v63  }
0x9e: {  	s18 =	rddreg [dreg:$0x11];
	s19 =	simm.s32 $0x3000  }
0x9f: {  	[tilespmem:s19], [sflag:$0x1] =	stream.indirect.gather [hbm4b:s18+s11], $0x1, s15, s11, $0xb8;
	[tilespmem:$0x4E10] =	vst v63  }
0xa0: {  	s18 =	rddreg [dreg:$0x12];
	s19 =	simm.s32 $0x1200  }
0xa1: {  	[tilespmem:s19], [sflag:$0x1] =	stream.indirect.gather [hbm4b:s18+s11], $0x1, s14, s11, $0xb8;
	[tilespmem:$0x4E10] =	vst v63  }
0xa2: {  	s18 =	rddreg [dreg:$0x13];
	s19 =	simm.s32 $0x3200  }
0xa3: {  	[tilespmem:s19], [sflag:$0x1] =	stream.indirect.gather [hbm4b:s18+s11], $0x1, s15, s11, $0xb8;
	[tilespmem:$0x4E10] =	vst v63  }
0xa4: {  	s18 =	rddreg [dreg:$0x15];
	s19 =	simm.s32 $0x1400  }
0xa5: {  	[tilespmem:s19], [sflag:$0x1] =	stream.indirect.gather [hbm4b:s18+s11], $0x1, s14, s11, $0xb8;
	[tilespmem:$0x4E10] =	vst v63  }
0xa6: {  	s18 =	rddreg [dreg:$0x14];
	s19 =	simm.s32 $0x3400  }
0xa7: {  	[tilespmem:s19], [sflag:$0x1] =	stream.indirect.gather [hbm4b:s18+s11], $0x1, s15, s11, $0xb8;
	[tilespmem:$0x4E10] =	vst v63  }
0xa8: {  	s18 =	rddreg [dreg:$0x16];
	s19 =	simm.s32 $0x1600  }
0xa9: {  	[tilespmem:s19], [sflag:$0x1] =	stream.indirect.gather [hbm4b:s18+s11], $0x1, s14, s11, $0xb8;
	[tilespmem:$0x4E10] =	vst v63  }
0xaa: {  	s19 =	simm.s32 $0x3600  }
0xab: {  	[tilespmem:s19], [sflag:$0x1] =	stream.indirect.gather [hbm4b:s21+s11], $0x1, s15, s11, $0xb8;
	[tilespmem:$0x4E10] =	vst v63  }
0xac: {  	s18 =	simm.s32 $0x1800  }
0xad: {  	[tilespmem:s18], [sflag:$0x1] =	stream.indirect.gather [hbm4b:s22+s11], $0x1, s14, s11, $0xb8;
	[tilespmem:$0x4E10] =	vst v63  }
0xae: {  	s19 =	simm.s32 $0x3800  }
0xaf: {  	[tilespmem:s19], [sflag:$0x1] =	stream.indirect.gather [hbm4b:s23+s11], $0x1, s15, s11, $0xb8;
	[tilespmem:$0x4E10] =	vst v63  }
0xb0: {  	s18 =	simm.s32 $0x1A00  }
0xb1: {  	[tilespmem:s18], [sflag:$0x1] =	stream.indirect.gather [hbm4b:s24+s11], $0x1, s14, s11, $0xb8;
	[tilespmem:$0x4E10] =	vst v63  }
0xb2: {  	s19 =	simm.s32 $0x3A00  }
0xb3: {  	[tilespmem:s19], [sflag:$0x1] =	stream.indirect.gather [hbm4b:s25+s11], $0x1, s15, s11, $0xb8;
	[tilespmem:$0x4E10] =	vst v63  }
0xb4: {  	s18 =	simm.s32 $0x1C00  }
0xb5: {  	[tilespmem:s18], [sflag:$0x1] =	stream.indirect.gather [hbm4b:s26+s11], $0x1, s14, s11, $0xb8;
	[tilespmem:$0x4E10] =	vst v63  }
0xb6: {  	s19 =	simm.s32 $0x3C00  }
0xb7: {  	[tilespmem:s19], [sflag:$0x1] =	stream.indirect.gather [hbm4b:s28+s11], $0x1, s15, s11, $0xb8;
	[tilespmem:$0x4E10] =	vst v63  }
0xb8: {  	s18 =	simm.s32 $0x1E00  }
0xb9: {  	[tilespmem:s18], [sflag:$0x1] =	stream.indirect.gather [hbm4b:s29+s11], $0x1, s14, s11, $0xb8;
	[tilespmem:$0x4E10] =	vst v63  }
0xba: {  	s19 =	simm.s32 $0x3E00  }
0xbb: {  	[tilespmem:s19], [sflag:$0x1] =	stream.indirect.gather [hbm4b:s30+s11], $0x1, s15, s11, $0xb8;
	[tilespmem:$0x4E10] =	vst v63  }
0xbc: {  	s18 =	simm.s32 $0x2000  }
0xbd: {  	[tilespmem:s18], [sflag:$0x1] =	stream.indirect.gather [hbm4b:s0+s11], $0x1, s14, s11, $0xb8;
	[tilespmem:$0x4E10] =	vst v63  }
0xbe: {  	s19 =	simm.s32 $0x4000  }
0xbf: {  	[tilespmem:s19], [sflag:$0x1] =	stream.indirect.gather [hbm4b:s20+s11], $0x1, s15, s11, $0xb8;
	[tilespmem:$0x4E10] =	vst v63  }
0xc0: {  	s18 =	simm.s32 $0x2200  }
0xc1: {  	[tilespmem:s18], [sflag:$0x1] =	stream.indirect.gather [hbm4b:s3+s11], $0x1, s14, s11, $0xb8;
	[tilespmem:$0x4E10] =	vst v63  }
0xc2: {  	s19 =	simm.s32 $0x4200  }
0xc3: {  	[tilespmem:s19], [sflag:$0x1] =	stream.indirect.gather [hbm4b:s4+s11], $0x1, s15, s11, $0xb8;
	[tilespmem:$0x4E10] =	vst v63  }
0xc4: {  	s18 =	simm.s32 $0x2400  }
0xc5: {  	[tilespmem:s18], [sflag:$0x1] =	stream.indirect.gather [hbm4b:s6+s11], $0x1, s14, s11, $0xb8;
	[tilespmem:$0x4E10] =	vst v63  }
0xc6: {  	s19 =	simm.s32 $0x4400  }
0xc7: {  	[tilespmem:s19], [sflag:$0x1] =	stream.indirect.gather [hbm4b:s7+s11], $0x1, s15, s11, $0xb8;
	[tilespmem:$0x4E10] =	vst v63  }
0xc8: {  	s18 =	simm.s32 $0x2600  }
0xc9: {  	[tilespmem:s18], [sflag:$0x1] =	stream.indirect.gather [hbm4b:s8+s11], $0x1, s14, s11, $0xb8;
	[tilespmem:$0x4E10] =	vst v63  }
0xca: {  	s19 =	simm.s32 $0x4600  }
0xcb: {  	[tilespmem:s19], [sflag:$0x1] =	stream.indirect.gather [hbm4b:s9+s11], $0x1, s15, s11, $0xb8;
	[tilespmem:$0x4E10] =	vst v63  }
0xcc: {  	_ =	swait.ge [sflag:s13], $0x200  }
0xcd: {  	[sflag:s13] =	ssyncset.done $0x0  }
0xce: {  	[sflag:s13] =	ssyncadd.s32 $0xFFFFFE00  }
0xcf: {  	_ =	swait.ge [sflag:s13], $0x200  }
0xd0: {  	[sflag:s13] =	ssyncset.done $0x0  }
0xd1: {  	[sflag:s13] =	ssyncadd.s32 $0xFFFFFE00  }
0xd2: {  	_ =	swait.ge [sflag:s13], $0x200  }
0xd3: {  	[sflag:s13] =	ssyncset.done $0x0  }
0xd4: {  	[sflag:s13] =	ssyncadd.s32 $0xFFFFFE00  }
0xd5: {  	_ =	swait.ge [sflag:s13], $0x200  }
0xd6: {  	[sflag:s13] =	ssyncset.done $0x0  }
0xd7: {  	[sflag:s13] =	ssyncadd.s32 $0xFFFFFE00  }
0xd8: {  	_ =	swait.ge [sflag:s13], $0x200  }
0xd9: {  	[sflag:s13] =	ssyncset.done $0x0  }
0xda: {  	[sflag:s13] =	ssyncadd.s32 $0xFFFFFE00  }
0xdb: {  	_ =	swait.ge [sflag:s13], $0x200  }
0xdc: {  	[sflag:s13] =	ssyncset.done $0x0  }
0xdd: {  	[sflag:s13] =	ssyncadd.s32 $0xFFFFFE00  }
0xde: {  	_ =	swait.ge [sflag:s13], $0x200  }
0xdf: {  	[sflag:s13] =	ssyncset.done $0x0  }
0xe0: {  	[sflag:s13] =	ssyncadd.s32 $0xFFFFFE00  }
0xe1: {  	_ =	swait.ge [sflag:s13], $0x200  }
0xe2: {  	[sflag:s13] =	ssyncset.done $0x0  }
0xe3: {  	[sflag:s13] =	ssyncadd.s32 $0xFFFFFE00  }
0xe4: {  	_ =	swait.ge [sflag:s13], $0x200  }
0xe5: {  	[sflag:s13] =	ssyncset.done $0x0  }
0xe6: {  	[sflag:s13] =	ssyncadd.s32 $0xFFFFFE00  }
0xe7: {  	_ =	swait.ge [sflag:s13], $0x200  }
0xe8: {  	[sflag:s13] =	ssyncset.done $0x0  }
0xe9: {  	[sflag:s13] =	ssyncadd.s32 $0xFFFFFE00  }
0xea: {  	_ =	swait.ge [sflag:s13], $0x200  }
0xeb: {  	[sflag:s13] =	ssyncset.done $0x0  }
0xec: {  	[sflag:s13] =	ssyncadd.s32 $0xFFFFFE00  }
0xed: {  	_ =	swait.ge [sflag:s13], $0x200  }
0xee: {  	[sflag:s13] =	ssyncset.done $0x0  }
0xef: {  	[sflag:s13] =	ssyncadd.s32 $0xFFFFFE00  }
0xf0: {  	_ =	swait.ge [sflag:s13], $0x200  }
0xf1: {  	[sflag:s13] =	ssyncset.done $0x0  }
0xf2: {  	[sflag:s13] =	ssyncadd.s32 $0xFFFFFE00  }
0xf3: {  	_ =	swait.ge [sflag:s13], $0x200  }
0xf4: {  	[sflag:s13] =	ssyncset.done $0x0  }
0xf5: {  	[sflag:s13] =	ssyncadd.s32 $0xFFFFFE00  }
0xf6: {  	_ =	swait.ge [sflag:s13], $0x200  }
0xf7: {  	[sflag:s13] =	ssyncset.done $0x0  }
0xf8: {  	[sflag:s13] =	ssyncadd.s32 $0xFFFFFE00  }
0xf9: {  	_ =	swait.ge [sflag:s13], $0x200  }
0xfa: {  	[sflag:s13] =	ssyncset.done $0x0  }
0xfb: {  	[sflag:s13] =	ssyncadd.s32 $0xFFFFFE00  }
0xfc: {  	_ =	swait.ge [sflag:s13], $0x200  }
0xfd: {  	[sflag:s13] =	ssyncset.done $0x0  }
0xfe: {  	[sflag:s13] =	ssyncadd.s32 $0xFFFFFE00  }
0xff: {  	_ =	swait.ge [sflag:s13], $0x200  }
0x100: {  	[sflag:s13] =	ssyncset.done $0x0  }
0x101: {  	[sflag:s13] =	ssyncadd.s32 $0xFFFFFE00  }
0x102: {  	_ =	swait.ge [sflag:s13], $0x200  }
0x103: {  	[sflag:s13] =	ssyncset.done $0x0  }
0x104: {  	[sflag:s13] =	ssyncadd.s32 $0xFFFFFE00  }
0x105: {  	_ =	swait.ge [sflag:s13], $0x200  }
0x106: {  	[sflag:s13] =	ssyncset.done $0x0  }
0x107: {  	[sflag:s13] =	ssyncadd.s32 $0xFFFFFE00  }
0x108: {  	_ =	swait.ge [sflag:s13], $0x200  }
0x109: {  	[sflag:s13] =	ssyncset.done $0x0  }
0x10a: {  	[sflag:s13] =	ssyncadd.s32 $0xFFFFFE00  }
0x10b: {  	_ =	swait.ge [sflag:s13], $0x200  }
0x10c: {  	[sflag:s13] =	ssyncset.done $0x0  }
0x10d: {  	[sflag:s13] =	ssyncadd.s32 $0xFFFFFE00  }
0x10e: {  	_ =	swait.ge [sflag:s13], $0x200  }
0x10f: {  	[sflag:s13] =	ssyncset.done $0x0  }
0x110: {  	[sflag:s13] =	ssyncadd.s32 $0xFFFFFE00  }
0x111: {  	_ =	swait.ge [sflag:s13], $0x200  }
0x112: {  	[sflag:s13] =	ssyncset.done $0x0  }
0x113: {  	[sflag:s13] =	ssyncadd.s32 $0xFFFFFE00  }
0x114: {  	_ =	swait.ge [sflag:s13], $0x200  }
0x115: {  	[sflag:s13] =	ssyncset.done $0x0  }
0x116: {  	[sflag:s13] =	ssyncadd.s32 $0xFFFFFE00  }
0x117: {  	_ =	swait.ge [sflag:s13], $0x200  }
0x118: {  	[sflag:s13] =	ssyncset.done $0x0  }
0x119: {  	[sflag:s13] =	ssyncadd.s32 $0xFFFFFE00  }
0x11a: {  	_ =	swait.ge [sflag:s13], $0x200  }
0x11b: {  	[sflag:s13] =	ssyncset.done $0x0  }
0x11c: {  	[sflag:s13] =	ssyncadd.s32 $0xFFFFFE00  }
0x11d: {  	_ =	swait.ge [sflag:s13], $0x200  }
0x11e: {  	[sflag:s13] =	ssyncset.done $0x0  }
0x11f: {  	[sflag:s13] =	ssyncadd.s32 $0xFFFFFE00  }
0x120: {  	_ =	swait.ge [sflag:s13], $0x200  }
0x121: {  	[sflag:s13] =	ssyncset.done $0x0  }
0x122: {  	[sflag:s13] =	ssyncadd.s32 $0xFFFFFE00  }
0x123: {  	_ =	swait.ge [sflag:s13], $0x200  }
0x124: {  	[sflag:s13] =	ssyncset.done $0x0  }
0x125: {  	[sflag:s13] =	ssyncadd.s32 $0xFFFFFE00  }
0x126: {  	_ =	swait.ge [sflag:s13], $0x200  }
0x127: {  	[sflag:s13] =	ssyncset.done $0x0  }
0x128: {  	[sflag:s13] =	ssyncadd.s32 $0xFFFFFE00  }
0x129: {  	_ =	swait.ge [sflag:s13], $0x200  }
0x12a: {  	[sflag:s13] =	ssyncset.done $0x0  }
0x12b: {  	[sflag:s13] =	ssyncadd.s32 $0xFFFFFE00  }
0x12c: {  	_ =	swait.ge [sflag:s13], $0x200  }
0x12d: {  	[sflag:s13] =	ssyncset.done $0x0  }
0x12e: {  	[sflag:s13] =	ssyncadd.s32 $0xFFFFFE00  }
0x12f: {  	_ =	swait.ge [sflag:s13], $0x200  }
0x130: {  	[sflag:s13] =	ssyncset.done $0x0  }
0x131: {  	s17 =	simm.s32 $0x0;
	[sflag:s13] =	ssyncadd.s32 $0xFFFFFE00  }
0x132: {  	v0 =	vld [tilespmem:s17+$0x2600]  }
0x133: {  	v1 =	vld [tilespmem:s17+$0x4600]  }
0x134: {  	v2 =	vld [tilespmem:s17+$0x2400]  }
0x135: {  	v3 =	vld [tilespmem:s17+$0x4400]  }
0x136: {  	v4 =	vld [tilespmem:s17+$0x2200]  }
0x137: {  	v5 =	vld [tilespmem:s17+$0x4200]  }
0x138: {  	v6 =	vld [tilespmem:s17+$0x2000]  }
0x139: {  	v7 =	vld [tilespmem:s17+$0x4000]  }
0x13a: {  	v8 =	vld [tilespmem:s17+$0x1E00]  }
0x13b: {  	v9 =	vld [tilespmem:s17+$0x3E00]  }
0x13c: {  	v10 =	vld [tilespmem:s17+$0x1C00]  }
0x13d: {  	v12 =	vld [tilespmem:s17+$0x1A00]  }
0x13e: {  	v14 =	vld [tilespmem:s17+$0x1800]  }
0x13f: {  	v16 =	vld [tilespmem:s17+$0x1600]  }
0x140: {  	v18 =	vld [tilespmem:s17+$0x1400]  }
0x141: {  	v19 =	vld [tilespmem:s17+$0x3400]  }
0x142: {  	v22 =	vld [tilespmem:s17+$0x1000]  }
0x143: {  	v24 =	vld [tilespmem:s17+$0xE00];
	v0 =	vmul.f32 $5.000000000e-01, v0;
	v1 =	vmul.f32 $5.000000000e-01, v1  }
0x144: {  	v25 =	vld [tilespmem:s17+$0x2E00];
	v2 =	vmul.f32 $5.000000000e-01, v2;
	v4 =	vmul.f32 $5.000000000e-01, v4  }
0x145: {  	v26 =	vld [tilespmem:s17+$0xC00];
	v3 =	vmul.f32 $5.000000000e-01, v3;
	v6 =	vmul.f32 $5.000000000e-01, v6  }
0x146: {  	v27 =	vld [tilespmem:s17+$0x2C00];
	v5 =	vmul.f32 $5.000000000e-01, v5;
	v7 =	vmul.f32 $5.000000000e-01, v7  }
0x147: {  	v28 =	vld [tilespmem:s17+$0x800];
	v8 =	vmul.f32 $5.000000000e-01, v8;
	v9 =	vmul.f32 $5.000000000e-01, v9  }
0x148: {  	v29 =	vld [tilespmem:s17+$0x2800];
	v10 =	vmul.f32 $5.000000000e-01, v10;
	v12 =	vmul.f32 $5.000000000e-01, v12  }
0x149: {  	v30 =	vld [tilespmem:s17+$0xA00];
	v14 =	vmul.f32 $5.000000000e-01, v14;
	v16 =	vmul.f32 $5.000000000e-01, v16  }
0x14a: {  	v31 =	vld [tilespmem:s17+$0x2A00];
	v18 =	vmul.f32 $5.000000000e-01, v18;
	v19 =	vmul.f32 $5.000000000e-01, v19  }
0x14b: {  	v22 =	vmul.f32 $5.000000000e-01, v22;
	v24 =	vmul.f32 $5.000000000e-01, v24  }
0x14c: {  	v25 =	vmul.f32 $5.000000000e-01, v25;
	v26 =	vmul.f32 $5.000000000e-01, v26  }
0x14d: {  	v27 =	vmul.f32 $5.000000000e-01, v27;
	v28 =	vmul.f32 $5.000000000e-01, v28  }
0x14e: {  	v29 =	vmul.f32 $5.000000000e-01, v29;
	v30 =	vmul.f32 $5.000000000e-01, v30  }
0x14f: {  	v31 =	vmul.f32 $5.000000000e-01, v31;
	v0 =	vmul.f32 $1.442695020e+00, v0  }
0x150: {  	v2 =	vmul.f32 $1.442695020e+00, v2;
	v32 =	vmul.f32 $1.442695020e+00, v1  }
0x151: {  	v33 =	vmul.f32 $1.442695020e+00, v3;
	v1 =	vmul.f32 $1.442695020e+00, v4  }
0x152: {  	v34 =	vmul.f32 $1.442695020e+00, v5;
	v3 =	vmul.f32 $1.442695020e+00, v6  }
0x153: {  	v35 =	vmul.f32 $1.442695020e+00, v7;
	(erf) = vpow2.f32 v0  }
0x154: {  	v4 =	vmul.f32 $1.442695020e+00, v8;
	(erf) = vpow2.f32 v2  }
0x155: {  	v5 =	vmul.f32 $1.442695020e+00, v30;
	(erf) = vpow2.f32 v1  }
0x156: {  	v0 =	vmul.f32 $1.442695020e+00, v10;
	(erf) = vpow2.f32 v3  }
0x157: {  	v1 =	vmul.f32 $1.442695020e+00, v12;
	(erf) = vpow2.f32 v4  }
0x158: {  	v2 =	vmul.f32 $1.442695020e+00, v14;
	(erf) = vpow2.f32 v0  }
0x159: {  	v0 =	vmul.f32 $1.442695020e+00, v16;
	(erf) = vpow2.f32 v1  }
0x15a: {  	v1 =	vmul.f32 $1.442695020e+00, v18;
	(erf) = vpow2.f32 v2  }
0x15b: {  	v2 =	vmul.f32 $1.442695020e+00, v19;
	(erf) = vpow2.f32 v0  }
0x15c: {  	v3 =	vmul.f32 $1.442695020e+00, v28;
	(erf) = vpow2.f32 v1  }
0x15d: {  	v4 =	vmul.f32 $1.442695020e+00, v29;
	v0 =	vpop (erf);
	(erf) = vpow2.f32 v2  }
0x15e: {  	v6 =	vmul.f32 $1.442695020e+00, v31;
	v1 =	vpop (erf);
	(erf) = vpow2.f32 v3  }
0x15f: {  	v20 =	vld [tilespmem:s17+$0x1200];
	v7 =	vmul.f32 $1.442695020e+00, v26;
	v2 =	vpop (erf);
	(erf) = vpow2.f32 v4  }
0x160: {  	v23 =	vld [tilespmem:s17+$0x3000];
	v3 =	vpop (erf);
	(erf) = vpow2.f32 v5;
	v5 =	vmul.f32 $1.442695020e+00, v27  }
0x161: {  	v36 =	vmul.f32 $1.442695020e+00, v9;
	v8 =	vmul.f32 $1.442695020e+00, v24;
	v4 =	vpop (erf)  }
0x162: {  	v13 =	vld [tilespmem:s17+$0x3A00];
	v9 =	vmul.f32 $1.442695020e+00, v25;
	(erf) = vpow2.f32 v6;
	v6 =	vpop (erf)  }
0x163: {  	v15 =	vld [tilespmem:s17+$0x3800];
	v10 =	vmul.f32 $1.442695020e+00, v22;
	(erf) = vpow2.f32 v7;
	v7 =	vpop (erf)  }
0x164: {  	v21 =	vld [tilespmem:s17+$0x3200];
	v20 =	vmul.f32 $5.000000000e-01, v20;
	(erf) = vpow2.f32 v5;
	v5 =	vpop (erf)  }
0x165: {  	v17 =	vld [tilespmem:s17+$0x3600];
	v23 =	vmul.f32 $5.000000000e-01, v23;
	(erf) = vpow2.f32 v8;
	v8 =	vpop (erf)  }
0x166: {  	v14 =	vmul.f32 $1.442695020e+00, v20;
	(erf) = vpow2.f32 v9;
	v9 =	vpop (erf)  }
0x167: {  	v12 =	vmul.f32 $1.442695020e+00, v23;
	(erf) = vpow2.f32 v10;
	v10 =	vpop (erf)  }
0x168: {  	v13 =	vmul.f32 $5.000000000e-01, v13;
	v15 =	vmul.f32 $5.000000000e-01, v15;
	v18 =	vpop (erf)  }
0x169: {  	v21 =	vmul.f32 $5.000000000e-01, v21;
	(erf) = vpow2.f32 v12;
	v19 =	vpop (erf)  }
0x16a: {  	v17 =	vmul.f32 $5.000000000e-01, v17;
	(erf) = vpow2.f32 v14;
	v14 =	vpop (erf)  }
0x16b: {  	v16 =	vmul.f32 $1.442695020e+00, v21;
	v12 =	vmul.f32 $1.442695020e+00, v13;
	v20 =	vpop (erf)  }
0x16c: {  	v11 =	vld [tilespmem:s17+$0x3C00];
	v13 =	vmul.f32 $1.442695020e+00, v17;
	v22 =	vmul.f32 v20, v20  }
0x16d: {  	(erf) = vpow2.f32 v16;
	v16 =	vmul.f32 v18, v18  }
0x16e: {  	v21 =	vmul.f32 v19, v19;
	v17 =	vmul.f32 v14, v14;
	v23 =	vpop (erf)  }
0x16f: {  	v15 =	vmul.f32 $1.442695020e+00, v15;
	(erf) = vpow2.f32 v13;
	v24 =	vpop (erf)  }
0x170: {  	v16 =	vadd.f32 v17, v16;
	v17 =	vmul.f32 v23, v23;
	v13 =	vadd.f32 v22, v21;
	v22 =	vpop (erf)  }
0x171: {  	v11 =	vmul.f32 $5.000000000e-01, v11;
	(erf) = vpow2.f32 v15;
	v26 =	vpop (erf)  }
0x172: {  	v21 =	vmul.f32 v24, v24;
	v15 =	vadd.f32 v17, v16;
	v16 =	vmul.f32 v26, v26  }
0x173: {  	v25 =	vmul.f32 v22, v22  }
0x174: {  	v11 =	vmul.f32 $1.442695020e+00, v11;
	v13 =	vadd.f32 v21, v13;
	v17 =	vpop (erf)  }
0x175: {  	v21 =	vmul.f32 v17, v17;
	v27 =	vpop (erf);
	(erf) = vpow2.f32 v12;
	v12 =	vadd.f32 v25, v15  }
0x176: {  	v13 =	vadd.f32 v16, v13;
	v15 =	vmul.f32 v27, v27;
	v16 =	vpop (erf)  }
0x177: {  	(erf) = vpow2.f32 v11;
	v11 =	vadd.f32 v21, v12;
	v28 =	vpop (erf)  }
0x178: {  	v12 =	vadd.f32 v15, v13;
	v25 =	vmul.f32 v16, v16;
	v13 =	vmul.f32 v28, v28  }
0x179: {  	v15 =	vmul.f32 v9, v9;
	(erf) = vpow2.f32 v36  }
0x17a: {  	v11 =	vadd.f32 v25, v11;
	v12 =	vadd.f32 v13, v12;
	v13 =	vmul.f32 v10, v10  }
0x17b: {  	v21 =	vpop (erf);
	(erf) = vpow2.f32 v35;
	v25 =	vmul.f32 v8, v8  }
0x17c: {  	v11 =	vadd.f32 v15, v11;
	v12 =	vadd.f32 v13, v12;
	v13 =	vmul.f32 v21, v21  }
0x17d: {  	s18 =	simm.s32 $0x10;
	v29 =	vmul.f32 v5, v5;
	v15 =	vpop (erf);
	(erf) = vpow2.f32 v34  }
0x17e: {  	v30 =	vld [tilespmem:s18+$0x2600];
	v11 =	vadd.f32 v25, v11;
	v12 =	vadd.f32 v13, v12;
	v13 =	vmul.f32 v15, v15  }
0x17f: {  	v31 =	vmul.f32 v7, v7;
	v25 =	vpop (erf);
	(erf) = vpow2.f32 v33  }
0x180: {  	v11 =	vadd.f32 v29, v11;
	v12 =	vadd.f32 v13, v12;
	v13 =	vmul.f32 v25, v25  }
0x181: {  	v48 =	vmul.f32 v6, v6;
	v29 =	vpop (erf);
	(erf) = vpow2.f32 v32  }
0x182: {  	v50 =	vpop (erf);
	v11 =	vadd.f32 v31, v11;
	v31 =	vmul.f32 v29, v29;
	v13 =	vadd.f32 v13, v12  }
0x183: {  	v51 =	vmul.f32 v50, v50;
	v12 =	vmul.f32 $5.000000000e-01, v30  }
0x184: {  	v30 =	vmul.f32 v4, v4;
	v11 =	vadd.f32 v48, v11;
	v31 =	vadd.f32 v31, v13  }
0x185: {  	v53 =	vmul.f32 v3, v3;
	v18 =	vmul.f32 v19, v18;
	v52 =	vpop (erf)  }
0x186: {  	v11 =	vadd.f32 v30, v11;
	v30 =	vadd.f32 v51, v31;
	v31 =	vmul.f32 v52, v52  }
0x187: {  	v38 =	vmul.f32 v2, v2;
	v18 =	vadd.f32 $0.0e+00, v18;
	v14 =	vmul.f32 v20, v14;
	v54 =	vpop (erf)  }
0x188: {  	v11 =	vadd.f32 v53, v11;
	v30 =	vadd.f32 v31, v30;
	v31 =	vmul.f32 v54, v54  }
0x189: {  	v19 =	vmul.f32 v1, v1;
	v14 =	vadd.f32 v14, v18;
	v23 =	vmul.f32 v24, v23;
	v55 =	vpop (erf)  }
0x18a: {  	v11 =	vadd.f32 v38, v11;
	v30 =	vadd.f32 v31, v30;
	v31 =	vmul.f32 v55, v55  }
0x18b: {  	v39 =	vld [tilespmem:s18+$0x2200];
	v20 =	vmul.f32 v0, v0;
	v14 =	vadd.f32 v23, v14;
	v22 =	vmul.f32 v26, v22;
	v56 =	vpop (erf)  }
0x18c: {  	v18 =	vld [tilespmem:s18+$0x3E00];
	v11 =	vadd.f32 v19, v11;
	v19 =	vadd.f32 v31, v30;
	v30 =	vmul.f32 v56, v56  }
0x18d: {  	v23 =	vld [tilespmem:s18+$0x3A00];
	v17 =	vmul.f32 v27, v17;
	v14 =	vadd.f32 v22, v14  }
0x18e: {  	v11 =	vadd.f32 v20, v11;
	v19 =	vadd.f32 v30, v19  }
0x18f: {  	v41 =	vld [tilespmem:s18+$0x2000];
	v14 =	vadd.f32 v17, v14;
	v16 =	vmul.f32 v28, v16  }
0x190: {  	v37 =	vld [tilespmem:s18+$0x4400];
	v39 =	vmul.f32 $5.000000000e-01, v39;
	v11 =	vmul.f32 v19, v11  }
0x191: {  	v42 =	vld [tilespmem:s18+$0x4000];
	v58 =	vmul.f32 $5.000000000e-01, v18;
	v9 =	vmul.f32 v10, v9;
	v14 =	vadd.f32 v16, v14  }
0x192: {  	v27 =	vld [tilespmem:s18+$0x1800];
	v44 =	vmul.f32 $5.000000000e-01, v23;
	v22 =	vshra.s32 v11, $0x1;
	v11 =	vmul.f32 $5.000000000e-01, v11  }
0x193: {  	v23 =	vld [tilespmem:s18+$0xE00];
	v8 =	vmul.f32 v21, v8;
	v9 =	vadd.f32 v9, v14;
	v18 =	vsub.s32 $0x5F3759DF, v22  }
0x194: {  	v24 =	vmul.f32 $5.000000000e-01, v41;
	v28 =	vld [tilespmem:s18+$0x1600];
	v17 =	vmul.f32 v18, v11  }
0x195: {  	v59 =	vld [tilespmem:s18+$0x3600];
	v37 =	vmul.f32 $5.000000000e-01, v37;
	v8 =	vadd.f32 v8, v9;
	v9 =	vmul.f32 v15, v5  }
0x196: {  	v49 =	vld [tilespmem:s18+$0x2400];
	v62 =	vmul.f32 $1.442695020e+00, v24;
	v10 =	vmul.f32 v18, v17  }
0x197: {  	v26 =	vmul.f32 $5.000000000e-01, v42;
	v16 =	vld [tilespmem:s18+$0x1400];
	v7 =	vmul.f32 v25, v7;
	v8 =	vadd.f32 v9, v8  }
0x198: {  	v61 =	vmul.f32 $5.000000000e-01, v23;
	v21 =	vmul.f32 $5.000000000e-01, v27;
	v10 =	vsub.f32 $1.500000000e+00, v10  }
0x199: {  	v47 =	vld [tilespmem:s18+$0x4600];
	v46 =	vmul.f32 $5.000000000e-01, v28;
	v6 =	vmul.f32 v29, v6;
	v7 =	vadd.f32 v7, v8  }
0x19a: {  	v5 =	vmul.f32 $5.000000000e-01, v59;
	v10 =	vmul.f32 v18, v10  }
0x19b: {  	v14 =	vld [tilespmem:s18+$0x1200];
	v32 =	vmul.f32 $5.000000000e-01, v49;
	v4 =	vmul.f32 v50, v4;
	v6 =	vadd.f32 v6, v7  }
0x19c: {  	v25 =	vmul.f32 $5.000000000e-01, v16;
	v9 =	vmul.f32 v10, v11  }
0x19d: {  	v32 =	vmul.f32 $1.442695020e+00, v32;
	v3 =	vmul.f32 v52, v3;
	v4 =	vadd.f32 v4, v6  }
0x19e: {  	v13 =	vmul.f32 $5.000000000e-01, v47;
	v8 =	vmul.f32 v9, v10  }
0x19f: {  	v40 =	vld [tilespmem:s18+$0x4200];
	v29 =	vmul.f32 $1.442695020e+00, v12;
	v2 =	vmul.f32 v54, v2;
	v3 =	vadd.f32 v3, v4  }
0x1a0: {  	v57 =	vld [tilespmem:s18+$0x3C00];
	v47 =	vmul.f32 $5.000000000e-01, v14;
	v12 =	vmul.f32 $1.442695020e+00, v58;
	v7 =	vsub.f32 $1.500000000e+00, v8  }
0x1a1: {  	(erf) = vpow2.f32 v29;
	v1 =	vmul.f32 v55, v1;
	v2 =	vadd.f32 v2, v3;
	v19 =	vld [tilespmem:s18+$0x1A00]  }
0x1a2: {  	v24 =	vmul.f32 $1.442695020e+00, v47;
	v31 =	vld [tilespmem:s18+$0x1E00];
	v6 =	vmul.f32 v7, v10  }
0x1a3: {  	v27 =	vld [tilespmem:s18+$0x2C00];
	(erf) = vpow2.f32 v32;
	v0 =	vmul.f32 v56, v0;
	v1 =	vadd.f32 v1, v2  }
0x1a4: {  	v20 =	vld [tilespmem:s18+$0x1C00];
	v30 =	vmul.f32 $5.000000000e-01, v40;
	v4 =	vmul.f32 v6, v11  }
0x1a5: {  	v0 =	vadd.f32 v0, v1;
	v1 =	vmul.f32 $1.442695020e+00, v13;
	v13 =	vmul.f32 $1.442695020e+00, v39;
	v22 =	vld [tilespmem:s18+$0x3800]  }
0x1a6: {  	v43 =	vmul.f32 $5.000000000e-01, v19;
	v19 =	vld [tilespmem:s18+$0x3200];
	v3 =	vmul.f32 v4, v6  }
0x1a7: {  	v15 =	vld [tilespmem:s18+$0x1000];
	(erf) = vpow2.f32 v13;
	v31 =	vmul.f32 $5.000000000e-01, v31  }
0x1a8: {  	v16 =	vld [tilespmem:s18+$0x2E00];
	v40 =	vmul.f32 $5.000000000e-01, v57;
	(erf) = vpow2.f32 v62;
	v2 =	vsub.f32 $1.500000000e+00, v3  }
0x1a9: {  	v20 =	vmul.f32 $5.000000000e-01, v20;
	v31 =	vmul.f32 $1.442695020e+00, v31;
	v17 =	vld [tilespmem:s18+$0x3400]  }
0x1aa: {  	v45 =	vmul.f32 $5.000000000e-01, v22;
	v22 =	vld [tilespmem:s18+$0x3000];
	v2 =	vmul.f32 v2, v6  }
0x1ab: {  	(erf) = vpow2.f32 v31;
	v14 =	vmul.f32 $5.000000000e-01, v19;
	v8 =	vld [tilespmem:s18+$0x800]  }
0x1ac: {  	v18 =	vmul.f32 $5.000000000e-01, v15;
	v10 =	vld [tilespmem:s18+$0xA00];
	v0 =	vmul.f32 v2, v0  }
0x1ad: {  	v28 =	vld [tilespmem:s18+$0x2800];
	v19 =	vmul.f32 $5.000000000e-01, v16;
	v15 =	vmul.f32 $5.000000000e-01, v27  }
0x1ae: {  	v27 =	vmul.f32 $1.442695020e+00, v21;
	v60 =	vmul.f32 $5.000000000e-01, v17;
	v0 =	vsub.f32 $1.000000000e+00, v0  }
0x1af: {  	v21 =	vmul.f32 $1.442695020e+00, v45;
	v17 =	vmul.f32 $5.000000000e-01, v22;
	v9 =	vld [tilespmem:s18+$0xC00]  }
0x1b0: {  	v29 =	vmul.f32 $1.442695020e+00, v60;
	v23 =	vmul.f32 $5.000000000e-01, v8;
	v2 =	vmax.f32 v0, $1.000000040e-36  }
0x1b1: {  	v16 =	vld [tilespmem:s18+$0x2A00];
	v8 =	vmul.f32 $5.000000000e-01, v10;
	v0 =	vshra.s32 v2, $0x1;
	v10 =	vmul.f32 $5.000000000e-01, v2  }
0x1b2: {  	v7 =	vmul.f32 $5.000000000e-01, v28;
	v28 =	vmul.f32 $1.442695020e+00, v25;
	v63 =	vsub.s32 $0x5F3759DF, v0  }
0x1b3: {  	v25 =	vmul.f32 $1.442695020e+00, v61;
	v0 =	vmul.f32 v63, v10  }
0x1b4: {  	v22 =	vmul.f32 $5.000000000e-01, v9;
	v9 =	vmul.f32 $1.442695020e+00, v26  }
0x1b5: {  	v26 =	vmul.f32 $1.442695020e+00, v43;
	v0 =	vmul.f32 v63, v0  }
0x1b6: {  	v11 =	vmul.f32 $5.000000000e-01, v16;
	v16 =	vmul.f32 $1.442695020e+00, v40  }
0x1b7: {  	v4 =	vmul.f32 $1.442695020e+00, v20;
	v20 =	vmul.f32 $1.442695020e+00, v44;
	v13 =	vsub.f32 $1.500000000e+00, v0  }
0x1b8: {  	v3 =	vmul.f32 $1.442695020e+00, v37;
	v6 =	vmul.f32 $1.442695020e+00, v30  }
0x1b9: {  	s19 =	simm.s32 $0x80;
	v30 =	vmul.f32 $1.442695020e+00, v46;
	v0 =	vld.msk [tilespmem:$0x4C00 ss:$0x0], $0xffff;
	v13 =	vmul.f32 v63, v13  }
.LBB2_2:
0x1ba: {  	p0 =	sne.s32 s19, $0x7C0;
	v22 =	vmul.f32 $1.442695020e+00, v22;
	(erf) = vpow2.f32 v4  }
0x1bb: {  	(erf) = vpow2.f32 v26;
	v31 =	vmul.f32 v13, v10  }
0x1bc: {  	v23 =	vmul.f32 $1.442695020e+00, v23;
	(erf) = vpow2.f32 v27  }
0x1bd: {  	(erf) = vpow2.f32 v30;
	v26 =	vmul.f32 v31, v13  }
0x1be: {  	v27 =	vmul.f32 $1.442695020e+00, v7;
	(erf) = vpow2.f32 v28;
	v4 =	vpop (erf)  }
0x1bf: {  	v28 =	vmul.f32 $1.442695020e+00, v8;
	(erf) = vpow2.f32 v29;
	v7 =	vpop (erf);
	v26 =	vsub.f32 $1.500000000e+00, v26  }
0x1c0: {  	v29 =	vmul.f32 $1.442695020e+00, v11;
	(erf) = vpow2.f32 v23;
	v8 =	vpop (erf)  }
0x1c1: {  	(erf) = vpow2.f32 v27;
	v11 =	vpop (erf);
	v23 =	vmul.f32 v26, v13  }
0x1c2: {  	v26 =	vmul.f32 $1.442695020e+00, v15;
	(erf) = vpow2.f32 v28;
	v13 =	vpop (erf)  }
0x1c3: {  	(erf) = vpow2.f32 v29;
	v15 =	vpop (erf);
	v27 =	vmul.f32 v23, v10  }
0x1c4: {  	v28 =	vmul.f32 $1.442695020e+00, v19;
	(erf) = vpow2.f32 v22;
	v10 =	vpop (erf)  }
0x1c5: {  	(erf) = vpow2.f32 v26;
	v19 =	vpop (erf);
	v22 =	vld [tilespmem:s17+$0x4800];
	v26 =	vmul.f32 v27, v23  }
0x1c6: {  	v27 =	vmul.f32 $1.442695020e+00, v18;
	(erf) = vpow2.f32 v25;
	v18 =	vpop (erf);
	v25 =	vld [tilespmem:s17+$0x4A00]  }
0x1c7: {  	v31 =	vmul.f32 $1.442695020e+00, v17;
	(erf) = vpow2.f32 v28;
	v17 =	vpop (erf);
	v26 =	vsub.f32 $1.500000000e+00, v26  }
0x1c8: {  	v30 =	vmul.f32 $1.442695020e+00, v14;
	(erf) = vpow2.f32 v27;
	v14 =	vpop (erf)  }
0x1c9: {  	v28 =	vpop (erf);
	(erf) = vpow2.f32 v31;
	v23 =	vmul.f32 v26, v23  }
0x1ca: {  	v5 =	vmul.f32 $1.442695020e+00, v5;
	v29 =	vpop (erf);
	(erf) = vpow2.f32 v24  }
0x1cb: {  	v24 =	vpop (erf);
	(erf) = vpow2.f32 v30;
	v2 =	vmul.f32 v23, v2;
	v23 =	vadd.f32 v25, v22  }
0x1cc: {  	v25 =	vmul.f32 v28, v28;
	v26 =	vmul.f32 v24, v24;
	v33 =	vpop (erf)  }
0x1cd: {  	v34 =	vmul.f32 v29, v29;
	v31 =	vmul.f32 v33, v33;
	v22 =	vpop (erf);
	v2 =	vadd.f32 v2, v23  }
0x1ce: {  	v25 =	vadd.f32 v26, v25;
	v26 =	vmul.f32 v22, v22;
	v30 =	vpop (erf);
	(erf) = vpow2.f32 v5  }
0x1cf: {  	v5 =	vadd.f32 v31, v34;
	v35 =	vmul.f32 v30, v30;
	v23 =	vpop (erf);
	v2 =	vadd.f32 v2, v0  }
0x1d0: {  	v32 =	vmul.f32 v23, v23;
	v27 =	vpop (erf);
	(erf) = vpow2.f32 v21  }
0x1d1: {  	v21 =	vadd.f32 v26, v25;
	v5 =	vadd.f32 v35, v5;
	v25 =	vmul.f32 v27, v27;
	v31 =	vpop (erf);
	[tilespmem:s17+$0x4C10] =	vst v2;
	s17 =	smov.u32 s18  }
0x1d2: {  	v2 =	vmul.f32 v31, v31;
	v34 =	vpop (erf);
	(erf) = vpow2.f32 v20  }
0x1d3: {  	v20 =	vadd.f32 v32, v21;
	v5 =	vadd.f32 v25, v5;
	v21 =	vmul.f32 v34, v34;
	v26 =	vpop (erf)  }
0x1d4: {  	v25 =	vmul.f32 v26, v26;
	v32 =	vpop (erf);
	(erf) = vpow2.f32 v16  }
0x1d5: {  	v2 =	vadd.f32 v2, v20;
	v5 =	vadd.f32 v21, v5;
	v16 =	vmul.f32 v32, v32  }
0x1d6: {  	v20 =	vmul.f32 v17, v17;
	(erf) = vpow2.f32 v12  }
0x1d7: {  	v2 =	vadd.f32 v25, v2;
	v25 =	vadd.f32 v16, v5;
	v16 =	vmul.f32 v14, v14;
	v12 =	vpop (erf)  }
0x1d8: {  	v21 =	vmul.f32 v18, v18;
	(erf) = vpow2.f32 v9  }
0x1d9: {  	v2 =	vadd.f32 v20, v2;
	v9 =	vadd.f32 v16, v25;
	v25 =	vmul.f32 v12, v12;
	v5 =	vpop (erf)  }
0x1da: {  	s18 =	sshra.s32 s19, $0x2;
	v35 =	vmul.f32 v19, v19;
	(erf) = vpow2.f32 v6  }
0x1db: {  	v2 =	vadd.f32 v21, v2;
	v21 =	vmul.f32 v5, v5;
	v6 =	vld [tilespmem:s18+$0x2600];
	v9 =	vadd.f32 v25, v9;
	v16 =	vpop (erf)  }
0x1dc: {  	v25 =	vmul.f32 v10, v10;
	(erf) = vpow2.f32 v3  }
0x1dd: {  	v2 =	vadd.f32 v35, v2;
	v37 =	vmul.f32 v16, v16;
	v3 =	vld [tilespmem:s18+$0x4600];
	v9 =	vadd.f32 v21, v9;
	v20 =	vpop (erf)  }
0x1de: {  	v35 =	vmul.f32 v15, v15;
	(erf) = vpow2.f32 v1  }
0x1df: {  	v2 =	vadd.f32 v25, v2;
	v25 =	vmul.f32 v20, v20;
	v36 =	vld [tilespmem:s18+$0x2400];
	v38 =	vadd.f32 v37, v9;
	v21 =	vpop (erf)  }
0x1e0: {  	v39 =	vmul.f32 v13, v13;
	v1 =	vmul.f32 $5.000000000e-01, v6  }
0x1e1: {  	v35 =	vadd.f32 v35, v2;
	v37 =	vmul.f32 v21, v21;
	v25 =	vadd.f32 v25, v38;
	v9 =	vpop (erf)  }
0x1e2: {  	v38 =	vmul.f32 v11, v11;
	v2 =	vmul.f32 $5.000000000e-01, v3  }
0x1e3: {  	v35 =	vadd.f32 v39, v35;
	v41 =	vadd.f32 v37, v25;
	v37 =	vmul.f32 v9, v9;
	v6 =	vpop (erf)  }
0x1e4: {  	v39 =	vld [tilespmem:s18+$0x4400];
	v3 =	vmul.f32 $5.000000000e-01, v36;
	v36 =	vmul.f32 v8, v8  }
0x1e5: {  	v35 =	vadd.f32 v38, v35;
	v38 =	vmul.f32 v6, v6;
	v40 =	vld [tilespmem:s18+$0x2200];
	v37 =	vadd.f32 v37, v41;
	v25 =	vpop (erf)  }
0x1e6: {  	v42 =	vmul.f32 v7, v7;
	v28 =	vmul.f32 v29, v28;
	v41 =	vld [tilespmem:s18+$0x4200]  }
0x1e7: {  	v35 =	vadd.f32 v36, v35;
	v43 =	vld [tilespmem:s18+$0x2000];
	v36 =	vadd.f32 v38, v37;
	v37 =	vmul.f32 v25, v25;
	v29 =	vpop (erf)  }
0x1e8: {  	v44 =	vmul.f32 v4, v4;
	v33 =	vmul.f32 v33, v24;
	v38 =	vadd.f32 $0.0e+00, v28  }
0x1e9: {  	v35 =	vadd.f32 v42, v35;
	v45 =	vld [tilespmem:s18+$0x4000];
	v36 =	vadd.f32 v37, v36;
	v37 =	vmul.f32 v29, v29  }
0x1ea: {  	v28 =	vmul.f32 $5.000000000e-01, v39;
	v33 =	vadd.f32 v33, v38;
	v42 =	vld [tilespmem:s18+$0x1E00];
	v24 =	vmul.f32 $5.000000000e-01, v40  }
0x1eb: {  	v22 =	vmul.f32 v30, v22;
	v35 =	vadd.f32 v44, v35;
	v38 =	vld [tilespmem:s18+$0x3E00];
	v36 =	vadd.f32 v37, v36  }
0x1ec: {  	v39 =	vmul.f32 $5.000000000e-01, v41;
	v37 =	vld [tilespmem:s18+$0x1C00];
	v30 =	vmul.f32 $5.000000000e-01, v43  }
0x1ed: {  	v23 =	vmul.f32 v27, v23;
	v22 =	vadd.f32 v22, v33;
	v40 =	vld [tilespmem:s18+$0x3C00];
	v27 =	vmul.f32 v36, v35  }
0x1ee: {  	v31 =	vmul.f32 v34, v31;
	v33 =	vld [tilespmem:s18+$0x1A00];
	v35 =	vmul.f32 $5.000000000e-01, v45  }
0x1ef: {  	v22 =	vadd.f32 v23, v22;
	v34 =	vld [tilespmem:s18+$0x3A00];
	v23 =	vshra.s32 v27, $0x1;
	v27 =	vmul.f32 $5.000000000e-01, v27  }
0x1f0: {  	v41 =	vmul.f32 $5.000000000e-01, v42;
	v36 =	vld [tilespmem:s18+$0x1800];
	v38 =	vmul.f32 $5.000000000e-01, v38;
	v23 =	vsub.s32 $0x5F3759DF, v23  }
0x1f1: {  	v26 =	vmul.f32 v32, v26;
	v22 =	vadd.f32 v31, v22;
	v42 =	vld [tilespmem:s18+$0x3800];
	v31 =	vmul.f32 v23, v27  }
0x1f2: {  	v37 =	vmul.f32 $5.000000000e-01, v37;
	v32 =	vld [tilespmem:s18+$0x1600];
	v40 =	vmul.f32 $5.000000000e-01, v40  }
0x1f3: {  	v14 =	vmul.f32 v14, v17;
	v22 =	vadd.f32 v26, v22;
	v43 =	vld [tilespmem:s18+$0x3600];
	v17 =	vmul.f32 v23, v31  }
0x1f4: {  	v31 =	vmul.f32 $5.000000000e-01, v33;
	v26 =	vld [tilespmem:s18+$0x1400];
	v33 =	vmul.f32 $5.000000000e-01, v34  }
0x1f5: {  	v12 =	vmul.f32 v12, v18;
	v14 =	vadd.f32 v14, v22;
	v34 =	vld [tilespmem:s18+$0x3400];
	v17 =	vsub.f32 $1.500000000e+00, v17  }
0x1f6: {  	v36 =	vmul.f32 $5.000000000e-01, v36;
	v18 =	vld [tilespmem:s18+$0x1200];
	v42 =	vmul.f32 $5.000000000e-01, v42  }
0x1f7: {  	v12 =	vadd.f32 v12, v14;
	v14 =	vmul.f32 v5, v19;
	v22 =	vld [tilespmem:s18+$0x3200];
	v19 =	vmul.f32 v23, v17  }
0x1f8: {  	v32 =	vmul.f32 $5.000000000e-01, v32;
	v17 =	vld [tilespmem:s18+$0x1000];
	v5 =	vmul.f32 $5.000000000e-01, v43  }
0x1f9: {  	v10 =	vmul.f32 v16, v10;
	v12 =	vadd.f32 v14, v12;
	v23 =	vld [tilespmem:s18+$0x3000];
	v14 =	vmul.f32 v19, v27  }
0x1fa: {  	v43 =	vmul.f32 $5.000000000e-01, v26;
	v16 =	vld [tilespmem:s18+$0xE00];
	v34 =	vmul.f32 $5.000000000e-01, v34  }
0x1fb: {  	v10 =	vadd.f32 v10, v12;
	v12 =	vmul.f32 v20, v15;
	v26 =	vld [tilespmem:s18+$0x2E00];
	v15 =	vmul.f32 v14, v19  }
0x1fc: {  	v44 =	vmul.f32 $5.000000000e-01, v18;
	v20 =	vld [tilespmem:s18+$0xC00];
	v14 =	vmul.f32 $5.000000000e-01, v22  }
0x1fd: {  	v10 =	vadd.f32 v12, v10;
	v12 =	vmul.f32 v21, v13;
	v45 =	vld [tilespmem:s18+$0x2C00];
	v13 =	vsub.f32 $1.500000000e+00, v15  }
0x1fe: {  	v18 =	vmul.f32 $5.000000000e-01, v17;
	v21 =	vld [tilespmem:s18+$0x800];
	v17 =	vmul.f32 $5.000000000e-01, v23  }
0x1ff: {  	v9 =	vmul.f32 v9, v11;
	v10 =	vadd.f32 v12, v10;
	v46 =	vld [tilespmem:s18+$0x2800];
	v12 =	vmul.f32 v13, v19  }
0x200: {  	v13 =	vmul.f32 $5.000000000e-01, v16;
	v11 =	vld [tilespmem:s18+$0xA00];
	v19 =	vmul.f32 $5.000000000e-01, v26  }
0x201: {  	v6 =	vmul.f32 v6, v8;
	v9 =	vadd.f32 v9, v10;
	v16 =	vld [tilespmem:s18+$0x2A00];
	v8 =	vmul.f32 v12, v27  }
0x202: {  	v22 =	vmul.f32 $5.000000000e-01, v20;
	v15 =	vmul.f32 $5.000000000e-01, v45  }
0x203: {  	v6 =	vadd.f32 v6, v9;
	v9 =	vmul.f32 v25, v7;
	v8 =	vmul.f32 v8, v12  }
0x204: {  	v23 =	vmul.f32 $5.000000000e-01, v21;
	v7 =	vmul.f32 $5.000000000e-01, v46  }
0x205: {  	v4 =	vmul.f32 v29, v4;
	v6 =	vadd.f32 v9, v6;
	v9 =	vsub.f32 $1.500000000e+00, v8  }
0x206: {  	v8 =	vmul.f32 $5.000000000e-01, v11;
	v11 =	vmul.f32 $5.000000000e-01, v16  }
0x207: {  	v25 =	vmul.f32 $1.442695020e+00, v1;
	v4 =	vadd.f32 v4, v6;
	v6 =	vmul.f32 v9, v12  }
0x208: {  	v1 =	vmul.f32 $1.442695020e+00, v2;
	v45 =	vmul.f32 $1.442695020e+00, v3  }
0x209: {  	v3 =	vmul.f32 $1.442695020e+00, v28;
	v2 =	vmul.f32 v6, v4  }
0x20a: {  	v46 =	vmul.f32 $1.442695020e+00, v24;
	v6 =	vmul.f32 $1.442695020e+00, v39  }
0x20b: {  	v9 =	vmul.f32 $1.442695020e+00, v35;
	v39 =	vmul.f32 $1.442695020e+00, v30;
	v2 =	vsub.f32 $1.000000000e+00, v2  }
0x20c: {  	v35 =	vmul.f32 $1.442695020e+00, v41;
	v12 =	vmul.f32 $1.442695020e+00, v38  }
0x20d: {  	v16 =	vmul.f32 $1.442695020e+00, v40;
	v4 =	vmul.f32 $1.442695020e+00, v37;
	v2 =	vmax.f32 v2, $1.000000040e-36  }
0x20e: {  	v26 =	vmul.f32 $1.442695020e+00, v31;
	v21 =	vshra.s32 v2, $0x1;
	v10 =	vmul.f32 $5.000000000e-01, v2  }
0x20f: {  	v27 =	vmul.f32 $1.442695020e+00, v36;
	v20 =	vmul.f32 $1.442695020e+00, v33;
	v31 =	vsub.s32 $0x5F3759DF, v21  }
0x210: {  	v21 =	vmul.f32 $1.442695020e+00, v42;
	v24 =	vmul.f32 v31, v10  }
0x211: {  	v28 =	vmul.f32 $1.442695020e+00, v43;
	v30 =	vmul.f32 $1.442695020e+00, v32  }
.Ltmp0:
0x212: {  	(erf) = vpow2.f32 v25;
	v25 =	vmul.f32 v31, v24;
	(pc) =	sbr.rel @p0 .LBB2_2-.Ltmp0, $4  }
0x213: {  	v29 =	vmul.f32 $1.442695020e+00, v34;
	(erf) = vpow2.f32 v45  }
0x214: {  	v24 =	vmul.f32 $1.442695020e+00, v44;
	(erf) = vpow2.f32 v46;
	v32 =	vsub.f32 $1.500000000e+00, v25  }
0x215: {  	v25 =	vmul.f32 $1.442695020e+00, v13;
	(erf) = vpow2.f32 v39  }
0x216: {  	s19 =	sadd.s32 $0x40, s19;
	(erf) = vpow2.f32 v35;
	v13 =	vmul.f32 v31, v32  }
0x217: {  	(erf) = vpow2.f32 v4  }
0x218: {  	(erf) = vpow2.f32 v26  }
0x219: {  	(erf) = vpow2.f32 v27  }
0x21a: {  	(erf) = vpow2.f32 v30  }
0x21b: {  	v23 =	vmul.f32 $1.442695020e+00, v23;
	(erf) = vpow2.f32 v28;
	v4 =	vpop (erf)  }
0x21c: {  	v46 =	vmul.f32 $1.442695020e+00, v7;
	(erf) = vpow2.f32 v29;
	v7 =	vpop (erf)  }
0x21d: {  	v47 =	vmul.f32 $1.442695020e+00, v8;
	(erf) = vpow2.f32 v23;
	v8 =	vpop (erf)  }
0x21e: {  	v48 =	vmul.f32 $1.442695020e+00, v11;
	(erf) = vpow2.f32 v46;
	v11 =	vpop (erf)  }
0x21f: {  	v49 =	vmul.f32 $1.442695020e+00, v22;
	(erf) = vpow2.f32 v47;
	v22 =	vpop (erf)  }
0x220: {  	v50 =	vmul.f32 $1.442695020e+00, v15;
	(erf) = vpow2.f32 v48;
	v15 =	vpop (erf)  }
0x221: {  	v18 =	vmul.f32 $1.442695020e+00, v18;
	(erf) = vpow2.f32 v49;
	v23 =	vpop (erf)  }
0x222: {  	v51 =	vmul.f32 $1.442695020e+00, v19;
	(erf) = vpow2.f32 v50;
	v19 =	vpop (erf)  }
0x223: {  	v17 =	vmul.f32 $1.442695020e+00, v17;
	(erf) = vpow2.f32 v25;
	v25 =	vpop (erf)  }
0x224: {  	(erf) = vpow2.f32 v51;
	v26 =	vpop (erf)  }
0x225: {  	(erf) = vpow2.f32 v18;
	v18 =	vpop (erf)  }
0x226: {  	v27 =	vpop (erf)  }
0x227: {  	(erf) = vpow2.f32 v17;
	v17 =	vpop (erf)  }
0x228: {  	v14 =	vmul.f32 $1.442695020e+00, v14;
	(erf) = vpow2.f32 v24;
	v24 =	vpop (erf)  }
0x229: {  	v29 =	vpop (erf)  }
0x22a: {  	(erf) = vpow2.f32 v14;
	v31 =	vmul.f32 v29, v29  }
0x22b: {  	v52 =	vmul.f32 v27, v27;
	v53 =	vmul.f32 v24, v24  }
0x22c: {  	v5 =	vmul.f32 $1.442695020e+00, v5;
	v54 =	vmul.f32 v17, v17;
	v32 =	vpop (erf)  }
0x22d: {  	v14 =	vadd.f32 v53, v52;
	v55 =	vmul.f32 v32, v32;
	v33 =	vpop (erf)  }
0x22e: {  	(erf) = vpow2.f32 v5;
	v56 =	vadd.f32 v31, v54;
	v57 =	vmul.f32 v33, v33;
	v31 =	vpop (erf)  }
0x22f: {  	v14 =	vadd.f32 v55, v14;
	v34 =	vmul.f32 v31, v31;
	v35 =	vpop (erf)  }
0x230: {  	(erf) = vpow2.f32 v21;
	v5 =	vadd.f32 v57, v56;
	v58 =	vmul.f32 v35, v35;
	v28 =	vpop (erf)  }
0x231: {  	v59 =	vmul.f32 v28, v28;
	v36 =	vpop (erf);
	v14 =	vadd.f32 v34, v14  }
0x232: {  	(erf) = vpow2.f32 v20;
	v5 =	vadd.f32 v58, v5;
	v60 =	vmul.f32 v36, v36;
	v21 =	vpop (erf)  }
0x233: {  	(erf) = vpow2.f32 v16;
	v61 =	vmul.f32 v21, v21;
	v37 =	vpop (erf)  }
0x234: {  	v14 =	vadd.f32 v59, v14;
	v5 =	vadd.f32 v60, v5;
	v62 =	vmul.f32 v37, v37  }
0x235: {  	v63 =	vmul.f32 v26, v26;
	v34 =	vmul.f32 v18, v18  }
0x236: {  	(erf) = vpow2.f32 v12;
	v14 =	vadd.f32 v61, v14;
	v5 =	vadd.f32 v62, v5  }
0x237: {  	v38 =	vmul.f32 v25, v25;
	v16 =	vpop (erf);
	(erf) = vpow2.f32 v9  }
0x238: {  	v39 =	vmul.f32 v16, v16;
	v14 =	vadd.f32 v63, v14;
	v5 =	vadd.f32 v34, v5  }
0x239: {  	v40 =	vmul.f32 v19, v19;
	v12 =	vpop (erf);
	(erf) = vpow2.f32 v6  }
0x23a: {  	v41 =	vmul.f32 v12, v12;
	v14 =	vadd.f32 v38, v14;
	v5 =	vadd.f32 v39, v5  }
0x23b: {  	v42 =	vmul.f32 v23, v23;
	v9 =	vpop (erf);
	(erf) = vpow2.f32 v3  }
0x23c: {  	v14 =	vadd.f32 v40, v14;
	v44 =	vmul.f32 v9, v9;
	v43 =	vadd.f32 v41, v5  }
0x23d: {  	v46 =	vmul.f32 v15, v15;
	v45 =	vpop (erf);
	(erf) = vpow2.f32 v1  }
0x23e: {  	v48 =	vmul.f32 v45, v45;
	v14 =	vadd.f32 v42, v14;
	v47 =	vadd.f32 v44, v43  }
0x23f: {  	v50 =	vmul.f32 v22, v22;
	v49 =	vpop (erf)  }
0x240: {  	v51 =	vmul.f32 v49, v49;
	v14 =	vadd.f32 v46, v14;
	v1 =	vadd.f32 v48, v47  }
0x241: {  	v53 =	vmul.f32 v11, v11;
	v52 =	vpop (erf)  }
0x242: {  	v54 =	vmul.f32 v52, v52;
	v14 =	vadd.f32 v50, v14;
	v1 =	vadd.f32 v51, v1  }
0x243: {  	v56 =	vmul.f32 v8, v8;
	v55 =	vpop (erf)  }
0x244: {  	v57 =	vmul.f32 v55, v55;
	v14 =	vadd.f32 v53, v14;
	v1 =	vadd.f32 v54, v1  }
0x245: {  	v17 =	vmul.f32 v17, v27;
	v59 =	vmul.f32 v7, v7;
	v58 =	vpop (erf)  }
0x246: {  	v60 =	vmul.f32 v58, v58;
	v14 =	vadd.f32 v56, v14;
	v1 =	vadd.f32 v57, v1  }
0x247: {  	v24 =	vmul.f32 v29, v24;
	v17 =	vadd.f32 $0.0e+00, v17;
	v62 =	vmul.f32 v4, v4;
	v61 =	vpop (erf)  }
0x248: {  	v63 =	vmul.f32 v61, v61;
	v14 =	vadd.f32 v59, v14;
	v1 =	vadd.f32 v60, v1  }
0x249: {  	v17 =	vadd.f32 v24, v17  }
0x24a: {  	v32 =	vmul.f32 v33, v32;
	v14 =	vadd.f32 v62, v14;
	v1 =	vadd.f32 v63, v1;
	_ =	sdelay $0x1  }
0x24b: {  	v33 =	vadd.f32 v32, v17;
	v34 =	vmul.f32 v35, v31;
	v1 =	vmul.f32 v1, v14  }
0x24c: {  	v35 =	vmul.f32 v36, v28  }
0x24d: {  	v3 =	vadd.f32 v34, v33;
	v36 =	vshra.s32 v1, $0x1;
	v1 =	vmul.f32 $5.000000000e-01, v1  }
0x24e: {  	v17 =	vsub.s32 $0x5F3759DF, v36  }
0x24f: {  	v37 =	vmul.f32 v37, v21;
	v3 =	vadd.f32 v35, v3;
	v38 =	vmul.f32 v17, v1;
	_ =	sdelay $0x1  }
0x250: {  	v39 =	vmul.f32 v18, v26;
	v3 =	vadd.f32 v37, v3;
	v40 =	vmul.f32 v17, v38;
	_ =	sdelay $0x1  }
0x251: {  	v41 =	vmul.f32 v16, v25;
	v3 =	vadd.f32 v39, v3;
	v42 =	vsub.f32 $1.500000000e+00, v40;
	_ =	sdelay $0x1  }
0x252: {  	v12 =	vmul.f32 v12, v19;
	v3 =	vadd.f32 v41, v3;
	v43 =	vmul.f32 v17, v42;
	_ =	sdelay $0x1  }
0x253: {  	v9 =	vmul.f32 v9, v23;
	v3 =	vadd.f32 v12, v3;
	v44 =	vmul.f32 v43, v1;
	_ =	sdelay $0x1  }
0x254: {  	v6 =	vmul.f32 v45, v15;
	v3 =	vadd.f32 v9, v3;
	v45 =	vmul.f32 v44, v43;
	_ =	sdelay $0x1  }
0x255: {  	v5 =	vmul.f32 v49, v22;
	v3 =	vadd.f32 v6, v3;
	v46 =	vsub.f32 $1.500000000e+00, v45;
	_ =	sdelay $0x1  }
0x256: {  	v47 =	vmul.f32 v52, v11;
	v3 =	vadd.f32 v5, v3;
	v6 =	vmul.f32 v46, v43;
	_ =	sdelay $0x1  }
0x257: {  	v48 =	vmul.f32 v55, v8;
	v3 =	vadd.f32 v47, v3;
	v1 =	vmul.f32 v6, v1;
	_ =	sdelay $0x1  }
0x258: {  	v49 =	vmul.f32 v58, v7;
	v3 =	vadd.f32 v48, v3;
	v1 =	vmul.f32 v1, v6;
	_ =	sdelay $0x1  }
0x259: {  	v4 =	vmul.f32 v61, v4;
	v3 =	vadd.f32 v49, v3;
	v1 =	vsub.f32 $1.500000000e+00, v1;
	_ =	sdelay $0x1  }
0x25a: {  	v3 =	vadd.f32 v4, v3;
	v1 =	vmul.f32 v1, v6;
	_ =	sdelay $0x1  }
0x25b: {  	v1 =	vmul.f32 v1, v3;
	_ =	sdelay $0x1  }
0x25c: {  	v50 =	vmul.f32 v13, v10;
	v1 =	vsub.f32 $1.000000000e+00, v1;
	_ =	sdelay $0x1  }
0x25d: {  	v3 =	vmul.f32 v50, v13;
	v1 =	vmax.f32 v1, $1.000000040e-36  }
0x25e: {  	v51 =	vshra.s32 v1, $0x1;
	v52 =	vmul.f32 $5.000000000e-01, v1  }
0x25f: {  	v3 =	vsub.f32 $1.500000000e+00, v3;
	v4 =	vsub.s32 $0x5F3759DF, v51  }
0x260: {  	v53 =	vmul.f32 v4, v52  }
0x261: {  	v3 =	vmul.f32 v3, v13  }
0x262: {  	v6 =	vmul.f32 v4, v53  }
0x263: {  	v54 =	vmul.f32 v3, v10  }
0x264: {  	v6 =	vsub.f32 $1.500000000e+00, v6  }
0x265: {  	v55 =	vld [tilespmem:s17+$0x4800];
	v7 =	vmul.f32 v54, v3  }
0x266: {  	v56 =	vld [tilespmem:s17+$0x4A00];
	v4 =	vmul.f32 v4, v6  }
0x267: {  	v57 =	vsub.f32 $1.500000000e+00, v7  }
0x268: {  	v58 =	vmul.f32 v4, v52  }
0x269: {  	v3 =	vmul.f32 v57, v3  }
0x26a: {  	v59 =	vmul.f32 v58, v4  }
0x26b: {  	v60 =	vadd.f32 v56, v55;
	v2 =	vmul.f32 v3, v2  }
0x26c: {  	v6 =	vsub.f32 $1.500000000e+00, v59  }
0x26d: {  	v2 =	vadd.f32 v2, v60  }
0x26e: {  	v61 =	vmul.f32 v6, v4  }
0x26f: {  	v2 =	vadd.f32 v2, v0  }
0x270: {  	v4 =	vmul.f32 v61, v52  }
0x271: {  	[tilespmem:s17+$0x4C10] =	vst v2  }
0x272: {  	v2 =	vld [tilespmem:s18+$0x4800];
	v4 =	vmul.f32 v4, v61  }
0x273: {  	v62 =	vld [tilespmem:s18+$0x4A00]  }
0x274: {  	v4 =	vsub.f32 $1.500000000e+00, v4;
	_ =	sdelay $0x1  }
0x275: {  	v3 =	vmul.f32 v4, v61;
	_ =	sdelay $0x1  }
0x276: {  	v2 =	vadd.f32 v62, v2;
	v1 =	vmul.f32 v3, v1;
	_ =	sdelay $0x1  }
0x277: {  	v1 =	vadd.f32 v1, v2;
	_ =	sdelay $0x1  }
0x278: {  	s16 =	sadd.s32 $0x1, s16;
	v63 =	vadd.f32 v1, v0  }
0x279: {  	p0 =	sne.s32 s16, s10  }
.Ltmp1:
0x27a: {  	s19 =	simm.s32 $0x4C10;
	[tilespmem:s18+$0x4C10] =	vst v63;
	(pc) =	sbr.rel @p0 .LBB2_1-.Ltmp1, $4  }
0x27b: {  	[hbm4b:s5+s2] =	stream.linear.scatter [tilespmem:s19], [sflag:$0x2], $0x200, $0x38;
	[tilespmem:$0x4E10] =	vst v63  }
0x27c: {  	_ =	swait.ge [sflag:s12], $0x200  }
0x27d: {  	[sflag:s12] =	ssyncset.done $0x0  }
0x27e: {  	[sflag:s12] =	ssyncadd.s32 $0xFFFFFE00  }
0x27f: {  	_ =	sfence.sel $0x180000  }
0x280: {  	[bflag:$0x0] =	sbarrier.arrive $0xFFFF  }
0x281: {  	_ =	strace $0x90000047  }
0x282: {  	s0 =	stileid.u32;
	[bflag:$0x2] =	sbarrier.arrive $0xFFFF  }
0x283: {  	p0 =	sne.s32 s0, $0x0;
	s0 =	rddreg [dreg:$0x5]  }
0x284: {  	s0 =	sadd.s32 @!p0 $0x100000, s0  }
0x285: {  	[sflag:s0] =	ssyncadd.tile.s32 @!p0 $0x1;
	_ =	shalt  }
.Lfunc_end2:
_tile_overlayer_lowered:
.L_overlay_start_2:
0x286: {  	(tag) =	ssettag $0x2  }
0x287: {  	s0 =	rddreg [dreg:$0x0];
	s2 =	stileid.u32  }
0x288: {  	s1 =	rddreg [dreg:$0x1];
	p0 =	sne.s32 s2, $0x0  }
0x289: {  	s3 =	rddreg [dreg:$0x2];
	[bflag:$0x3] =	sbarrier.arrive $0xFFFF;
	s2 =	simm.s32 @!p0 $0x1C02  }
0x28a: {  	[timem:s3], [sflag:s2] =	dma.local @!p0 [hbm:s0], s1  }
0x28b: {  	s0 =	simm.s32 @!p0 $0x2  }
0x28c: {  	_ =	swait.ge @!p0 [sflag:s0], s1  }
0x28d: {  	s1 =	ssub.s32 @!p0 $0x0, s1;
	[sflag:s0] =	ssyncset.done @!p0 $0x0  }
0x28e: {  	[sflag:s0] =	ssyncadd.s32 @!p0 s1  }
0x28f: {  	[bflag:$0x3] =	sbarrier.arrive $0xFFFF  }
0x290: {  	_ =	shalt  }

</sc_bundles>
